<compile_context>
chip_gen: v7x
topology: tpu7x:2x2x1
jax: 0.10.2.dev20260603
libtpu: 0.0.44.dev20260713+nightly
codegen_flags: <defaults>
</compile_context>

<pallas_src>
import functools

import jax
import jax.numpy as jnp
from jax import lax
from jax.experimental import pallas as pl
from jax.experimental.pallas import tpu as pltpu
from jax.experimental.pallas import tpu_sc as plsc

EPS = 1e-12
L = 16


def _rsqrt_scalar(x):
    i = lax.bitcast_convert_type(x, jnp.int32)
    y = lax.bitcast_convert_type(jnp.int32(0x5F3759DF) - (i >> 1), jnp.float32)
    half_x = jnp.float32(0.5) * x
    for _ in range(2):
        y = y * (jnp.float32(1.5) - half_x * y * y)
    return y


def _tree_sum(vs):
    while len(vs) > 1:
        vs = [a + b for a, b in zip(vs[::2], vs[1::2])]
    return vs[0]


@functools.lru_cache(maxsize=None)
def _build_sc_kernel(batch, seq, vocab, hid, n_workers):
    n_tok = batch * seq
    ppw = seq // n_workers
    ch = 256
    gch = 128
    gpc = ch // gch
    cpp = ppw // ch
    n_chunks = batch * cpp
    kf = hid // L

    mesh = plsc.VectorSubcoreMesh(core_axis_name="c", subcore_axis_name="s")
    nc = 2

    @functools.partial(
        pl.kernel,
        mesh=mesh,
        compiler_params=pltpu.CompilerParams(needs_layout_passes=False),
        out_type=jax.ShapeDtypeStruct((n_tok, hid), jnp.float32),
        scratch_types=[
            [pltpu.VMEM((gch,), jnp.int32)] * (n_chunks * gpc),
            [pltpu.VMEM((ch, hid), jnp.float32)] * 2,
            pltpu.VMEM((ppw, hid), jnp.float32),
            pltpu.VMEM((hid,), jnp.float32),
            pltpu.VMEM((hid,), jnp.float32),
            [pltpu.SemaphoreType.DMA] * 2,
            pltpu.SemaphoreType.DMA,
            pltpu.SemaphoreType.DMA,
            [pltpu.SemaphoreType.DMA] * 2,
        ],
    )
    def sc_kernel(ids_hbm, tab_hbm, pos_hbm, gam_hbm, bet_hbm, out_hbm,
                  idx_v, rows_v, pos_v, gam_v, bet_v, sem_g, sem_p, sem_i,
                  sem_o):
        wid = lax.axis_index("s") * nc + lax.axis_index("c")
        pbase = wid * ppw

        def tok_base(cidx):
            bseg, j = divmod(cidx, cpp)
            return bseg * seq + pbase + j * ch, j * ch

        id_cps = [
            pltpu.async_copy(
                ids_hbm.at[pl.ds(tok_base(g // gpc)[0] + (g % gpc) * gch, gch)],
                idx_v[g], sem_i)
            for g in range(n_chunks * gpc)
        ]
        pos_cp = pltpu.async_copy(pos_hbm.at[pl.ds(pbase, ppw)], pos_v, sem_p)
        gam_cp = pltpu.async_copy(gam_hbm, gam_v, sem_p)
        bet_cp = pltpu.async_copy(bet_hbm, bet_v, sem_p)

        inv_h = jnp.float32(1.0 / hid)

        def start_fetch(cidx, b):
            return [
                pltpu.async_copy(
                    tab_hbm.at[idx_v[cidx * gpc + g]],
                    rows_v[b].at[pl.ds(g * gch, gch)], sem_g[b])
                for g in range(gpc)
            ]

        for cp in id_cps:
            cp.wait()
        out_cp = [None, None]
        fetch = {0: start_fetch(0, 0)}
        gam_cp.wait()
        bet_cp.wait()
        pos_cp.wait()
        gam = [gam_v[pl.ds(k * L, L)] for k in range(kf)]
        bet = [bet_v[pl.ds(k * L, L)] for k in range(kf)]
        for cidx in range(n_chunks):
            b = cidx & 1
            if cidx + 1 < n_chunks:
                nb = (cidx + 1) & 1
                if out_cp[nb] is not None:
                    out_cp[nb].wait()
                    out_cp[nb] = None
                fetch[cidx + 1] = start_fetch(cidx + 1, nb)
            for cp in fetch.pop(cidx):
                cp.wait()
            t0, poff = tok_base(cidx)
            rv = rows_v[b]

            def tok_body(t):
                tp = t + poff
                e = [rv[t, pl.ds(k * L, L)] + pos_v[tp, pl.ds(k * L, L)]
                     for k in range(kf)]
                ssum = jnp.sum(_tree_sum(e))
                q = e[0] * e[0]
                for v in e[1:]:
                    q = q + v * v
                sqsum = jnp.sum(q)
                mean = ssum * inv_h
                var = sqsum * inv_h - mean * mean
                rstd = jnp.full((L,), _rsqrt_scalar(var + EPS), jnp.float32)
                mv = jnp.full((L,), mean, jnp.float32)
                a = [rstd * g for g in gam]
                for k in range(kf):
                    rv[t, pl.ds(k * L, L)] = (e[k] - mv) * a[k] + bet[k]

            plsc.parallel_loop(0, ch, unroll=2)(tok_body)
            out_cp[b] = pltpu.async_copy(
                rv, out_hbm.at[pl.ds(t0, ch)], sem_o[b])
        for cp in out_cp:
            if cp is not None:
                cp.wait()

    return sc_kernel


def kernel(input_ids, word_embeddings, position_embeddings, ln_gamma, ln_beta):
    batch, seq = input_ids.shape
    vocab, hid = word_embeddings.shape
    sc_kernel = _build_sc_kernel(batch, seq, vocab, hid, 32)
    out = sc_kernel(input_ids.reshape(-1), word_embeddings,
                    position_embeddings, ln_gamma, ln_beta)
    return out.reshape(batch, seq, hid)

# --- scband reference (transcript-rebuilt; emitter-appended) ---
"""Pipeline reference for scband-edge-former-embeddings-21801253994868 (READ-ONLY COPY).

The authoritative reference and input builder live on the scoring server;
editing this copy changes nothing except your own understanding.
"""

import jax, jax.numpy as jnp
import numpy as np

VOCAB = 100000
HID = 128
MAXPOS = 8192
EPS = 1e-12
BATCH = 4
SEQ = 8192


def setup_inputs(seed: int = 0):
    key = jax.random.key(seed)
    k1, k2, k3 = jax.random.split(key, 3)
    input_ids = jax.random.randint(k1, (BATCH, SEQ), 0, VOCAB, dtype=jnp.int32)
    word_embeddings = jax.random.normal(k2, (VOCAB, HID), dtype=jnp.float32) * 0.02
    position_embeddings = jax.random.normal(k3, (MAXPOS, HID), dtype=jnp.float32) * 0.02
    ln_gamma = jnp.ones((HID,), dtype=jnp.float32)
    ln_beta = jnp.zeros((HID,), dtype=jnp.float32)
    return {
        'input_ids': input_ids,
        'word_embeddings': word_embeddings,
        'position_embeddings': position_embeddings,
        'ln_gamma': ln_gamma,
        'ln_beta': ln_beta,
    }


def reference(input_ids, word_embeddings, position_embeddings, ln_gamma, ln_beta):
    # word embedding lookup (gather)
    inputs_embeds = jnp.take(word_embeddings, input_ids, axis=0)
    seq_length = input_ids.shape[1]
    # position_ids = buffer arange, sliced to seq_length (seq_length <= max_position_embeddings here)
    position_ids = jnp.arange(seq_length, dtype=jnp.int32)[None, :]
    position_embeds = jnp.take(position_embeddings, position_ids, axis=0)
    embeddings = inputs_embeds + position_embeds
    # LayerNorm (population variance, matching torch.nn.LayerNorm)
    mean = jnp.mean(embeddings, axis=-1, keepdims=True)
    var = jnp.mean(jnp.square(embeddings - mean), axis=-1, keepdims=True)
    normed = (embeddings - mean) / jnp.sqrt(var + EPS)
    out = normed * ln_gamma + ln_beta
    # dropout is identity in eval mode
    return out

if __name__ == "__main__":
    import jax
    _d = setup_inputs()
    print(jax.jit(kernel)(*tuple(_d.values())))

</pallas_src>

<mosaic_0001>
#map = affine_map<(d0, d1) -> (0)>
#map1 = affine_map<(d0, d1) -> (0, 0)>
module attributes {stable_mosaic.version = 14 : i64} {
  func.func @sc_kernel(%arg0: i32, %arg1: i32, %arg2: memref<32768xi32, #tpu.memory_space<hbm>>, %arg3: memref<100000x128xf32, #tpu.memory_space<hbm>>, %arg4: memref<8192x128xf32, #tpu.memory_space<hbm>>, %arg5: memref<128xf32, #tpu.memory_space<hbm>>, %arg6: memref<128xf32, #tpu.memory_space<hbm>>, %arg7: memref<32768x128xf32, #tpu.memory_space<hbm>>, %arg8: memref<128xi32, #tpu.memory_space<vmem>>, %arg9: memref<128xi32, #tpu.memory_space<vmem>>, %arg10: memref<128xi32, #tpu.memory_space<vmem>>, %arg11: memref<128xi32, #tpu.memory_space<vmem>>, %arg12: memref<128xi32, #tpu.memory_space<vmem>>, %arg13: memref<128xi32, #tpu.memory_space<vmem>>, %arg14: memref<128xi32, #tpu.memory_space<vmem>>, %arg15: memref<128xi32, #tpu.memory_space<vmem>>, %arg16: memref<256x128xf32, #tpu.memory_space<vmem>>, %arg17: memref<256x128xf32, #tpu.memory_space<vmem>>, %arg18: memref<256x128xf32, #tpu.memory_space<vmem>>, %arg19: memref<128xf32, #tpu.memory_space<vmem>>, %arg20: memref<128xf32, #tpu.memory_space<vmem>>, %arg21: memref<!tpu.dma_semaphore, #tpu.memory_space<semaphore_mem>>, %arg22: memref<!tpu.dma_semaphore, #tpu.memory_space<semaphore_mem>>, %arg23: memref<!tpu.dma_semaphore, #tpu.memory_space<semaphore_mem>>, %arg24: memref<!tpu.dma_semaphore, #tpu.memory_space<semaphore_mem>>, %arg25: memref<!tpu.dma_semaphore, #tpu.memory_space<semaphore_mem>>, %arg26: memref<!tpu.dma_semaphore, #tpu.memory_space<semaphore_mem>>) attributes {dimension_semantics = [#tpu.dimension_semantics<core_parallel>, #tpu.dimension_semantics<subcore_parallel>], iteration_bounds = array<i64: 2, 16>, scalar_prefetch = 0 : i64, scratch_operands = 19 : i64, tpu.core_type = #tpu.core_type<sc_vector_subcore>, window_params = [{transform_indices = #map}, {transform_indices = #map1}, {transform_indices = #map1}, {transform_indices = #map}, {transform_indices = #map}, {transform_indices = #map1}]} {
    %mul3A = arith.constant 2 : i32
    %mul3A_0 = arith.muli %arg1, %mul3A : i32
    %add3A = arith.addi %mul3A_0, %arg0 : i32
    %mul3A_1 = arith.constant 256 : i32
    %mul3A_2 = arith.muli %add3A, %mul3A_1 : i32
    %add3A_3 = arith.constant 0 : i32
    %add3A_4 = arith.addi %add3A_3, %mul3A_2 : i32
    %add3A_5 = arith.constant 0 : i32
    %add3A_6 = arith.addi %add3A_4, %add3A_5 : i32
    %add3A_7 = arith.constant 0 : i32
    %add3A_8 = arith.addi %add3A_6, %add3A_7 : i32
    %dma_start3A = tpu.memref_slice %arg2[%add3A_8] : memref<32768xi32, #tpu.memory_space<hbm>> -> memref<128xi32, #tpu.memory_space<hbm>>
    %dma_start3A_9 = tpu.memref_slice %arg2[%add3A_8] : memref<32768xi32, #tpu.memory_space<hbm>> -> memref<128xi32, #tpu.memory_space<hbm>>
    tpu.enqueue_dma source(%dma_start3A_9 : memref<128xi32, #tpu.memory_space<hbm>>) target(%arg8 : memref<128xi32, #tpu.memory_space<vmem>>) target_semaphore(%arg24 : memref<!tpu.dma_semaphore, #tpu.memory_space<semaphore_mem>>)
    %add3A_10 = arith.constant 0 : i32
    %add3A_11 = arith.addi %add3A_10, %mul3A_2 : i32
    %add3A_12 = arith.constant 0 : i32
    %add3A_13 = arith.addi %add3A_11, %add3A_12 : i32
    %add3A_14 = arith.constant 128 : i32
    %add3A_15 = arith.addi %add3A_13, %add3A_14 : i32
    %dma_start3A_16 = tpu.memref_slice %arg2[%add3A_15] : memref<32768xi32, #tpu.memory_space<hbm>> -> memref<128xi32, #tpu.memory_space<hbm>>
    %dma_start3A_17 = tpu.memref_slice %arg2[%add3A_15] : memref<32768xi32, #tpu.memory_space<hbm>> -> memref<128xi32, #tpu.memory_space<hbm>>
    tpu.enqueue_dma source(%dma_start3A_17 : memref<128xi32, #tpu.memory_space<hbm>>) target(%arg9 : memref<128xi32, #tpu.memory_space<vmem>>) target_semaphore(%arg24 : memref<!tpu.dma_semaphore, #tpu.memory_space<semaphore_mem>>)
    %add3A_18 = arith.constant 8192 : i32
    %add3A_19 = arith.addi %add3A_18, %mul3A_2 : i32
    %add3A_20 = arith.constant 0 : i32
    %add3A_21 = arith.addi %add3A_19, %add3A_20 : i32
    %add3A_22 = arith.constant 0 : i32
    %add3A_23 = arith.addi %add3A_21, %add3A_22 : i32
    %dma_start3A_24 = tpu.memref_slice %arg2[%add3A_23] : memref<32768xi32, #tpu.memory_space<hbm>> -> memref<128xi32, #tpu.memory_space<hbm>>
    %dma_start3A_25 = tpu.memref_slice %arg2[%add3A_23] : memref<32768xi32, #tpu.memory_space<hbm>> -> memref<128xi32, #tpu.memory_space<hbm>>
    tpu.enqueue_dma source(%dma_start3A_25 : memref<128xi32, #tpu.memory_space<hbm>>) target(%arg10 : memref<128xi32, #tpu.memory_space<vmem>>) target_semaphore(%arg24 : memref<!tpu.dma_semaphore, #tpu.memory_space<semaphore_mem>>)
    %add3A_26 = arith.constant 8192 : i32
    %add3A_27 = arith.addi %add3A_26, %mul3A_2 : i32
    %add3A_28 = arith.constant 0 : i32
    %add3A_29 = arith.addi %add3A_27, %add3A_28 : i32
    %add3A_30 = arith.constant 128 : i32
    %add3A_31 = arith.addi %add3A_29, %add3A_30 : i32
    %dma_start3A_32 = tpu.memref_slice %arg2[%add3A_31] : memref<32768xi32, #tpu.memory_space<hbm>> -> memref<128xi32, #tpu.memory_space<hbm>>
    %dma_start3A_33 = tpu.memref_slice %arg2[%add3A_31] : memref<32768xi32, #tpu.memory_space<hbm>> -> memref<128xi32, #tpu.memory_space<hbm>>
    tpu.enqueue_dma source(%dma_start3A_33 : memref<128xi32, #tpu.memory_space<hbm>>) target(%arg11 : memref<128xi32, #tpu.memory_space<vmem>>) target_semaphore(%arg24 : memref<!tpu.dma_semaphore, #tpu.memory_space<semaphore_mem>>)
    %add3A_34 = arith.constant 16384 : i32
    %add3A_35 = arith.addi %add3A_34, %mul3A_2 : i32
    %add3A_36 = arith.constant 0 : i32
    %add3A_37 = arith.addi %add3A_35, %add3A_36 : i32
    %add3A_38 = arith.constant 0 : i32
    %add3A_39 = arith.addi %add3A_37, %add3A_38 : i32
    %dma_start3A_40 = tpu.memref_slice %arg2[%add3A_39] : memref<32768xi32, #tpu.memory_space<hbm>> -> memref<128xi32, #tpu.memory_space<hbm>>
    %dma_start3A_41 = tpu.memref_slice %arg2[%add3A_39] : memref<32768xi32, #tpu.memory_space<hbm>> -> memref<128xi32, #tpu.memory_space<hbm>>
    tpu.enqueue_dma source(%dma_start3A_41 : memref<128xi32, #tpu.memory_space<hbm>>) target(%arg12 : memref<128xi32, #tpu.memory_space<vmem>>) target_semaphore(%arg24 : memref<!tpu.dma_semaphore, #tpu.memory_space<semaphore_mem>>)
    %add3A_42 = arith.constant 16384 : i32
    %add3A_43 = arith.addi %add3A_42, %mul3A_2 : i32
    %add3A_44 = arith.constant 0 : i32
    %add3A_45 = arith.addi %add3A_43, %add3A_44 : i32
    %add3A_46 = arith.constant 128 : i32
    %add3A_47 = arith.addi %add3A_45, %add3A_46 : i32
    %dma_start3A_48 = tpu.memref_slice %arg2[%add3A_47] : memref<32768xi32, #tpu.memory_space<hbm>> -> memref<128xi32, #tpu.memory_space<hbm>>
    %dma_start3A_49 = tpu.memref_slice %arg2[%add3A_47] : memref<32768xi32, #tpu.memory_space<hbm>> -> memref<128xi32, #tpu.memory_space<hbm>>
    tpu.enqueue_dma source(%dma_start3A_49 : memref<128xi32, #tpu.memory_space<hbm>>) target(%arg13 : memref<128xi32, #tpu.memory_space<vmem>>) target_semaphore(%arg24 : memref<!tpu.dma_semaphore, #tpu.memory_space<semaphore_mem>>)
    %add3A_50 = arith.constant 24576 : i32
    %add3A_51 = arith.addi %add3A_50, %mul3A_2 : i32
    %add3A_52 = arith.constant 0 : i32
    %add3A_53 = arith.addi %add3A_51, %add3A_52 : i32
    %add3A_54 = arith.constant 0 : i32
    %add3A_55 = arith.addi %add3A_53, %add3A_54 : i32
    %dma_start3A_56 = tpu.memref_slice %arg2[%add3A_55] : memref<32768xi32, #tpu.memory_space<hbm>> -> memref<128xi32, #tpu.memory_space<hbm>>
    %dma_start3A_57 = tpu.memref_slice %arg2[%add3A_55] : memref<32768xi32, #tpu.memory_space<hbm>> -> memref<128xi32, #tpu.memory_space<hbm>>
    tpu.enqueue_dma source(%dma_start3A_57 : memref<128xi32, #tpu.memory_space<hbm>>) target(%arg14 : memref<128xi32, #tpu.memory_space<vmem>>) target_semaphore(%arg24 : memref<!tpu.dma_semaphore, #tpu.memory_space<semaphore_mem>>)
    %add3A_58 = arith.constant 24576 : i32
    %add3A_59 = arith.addi %add3A_58, %mul3A_2 : i32
    %add3A_60 = arith.constant 0 : i32
    %add3A_61 = arith.addi %add3A_59, %add3A_60 : i32
    %add3A_62 = arith.constant 128 : i32
    %add3A_63 = arith.addi %add3A_61, %add3A_62 : i32
    %dma_start3A_64 = tpu.memref_slice %arg2[%add3A_63] : memref<32768xi32, #tpu.memory_space<hbm>> -> memref<128xi32, #tpu.memory_space<hbm>>
    %dma_start3A_65 = tpu.memref_slice %arg2[%add3A_63] : memref<32768xi32, #tpu.memory_space<hbm>> -> memref<128xi32, #tpu.memory_space<hbm>>
    tpu.enqueue_dma source(%dma_start3A_65 : memref<128xi32, #tpu.memory_space<hbm>>) target(%arg15 : memref<128xi32, #tpu.memory_space<vmem>>) target_semaphore(%arg24 : memref<!tpu.dma_semaphore, #tpu.memory_space<semaphore_mem>>)
    %dma_start3A_66 = arith.constant 0 : i32
    %dma_start3A_67 = tpu.memref_slice %arg4[%mul3A_2, %dma_start3A_66] : memref<8192x128xf32, #tpu.memory_space<hbm>> -> memref<256x128xf32, #tpu.memory_space<hbm>>
    %dma_start3A_68 = arith.constant 0 : i32
    %dma_start3A_69 = tpu.memref_slice %arg4[%mul3A_2, %dma_start3A_68] : memref<8192x128xf32, #tpu.memory_space<hbm>> -> memref<256x128xf32, #tpu.memory_space<hbm>>
    tpu.enqueue_dma source(%dma_start3A_69 : memref<256x128xf32, #tpu.memory_space<hbm>>) target(%arg18 : memref<256x128xf32, #tpu.memory_space<vmem>>) target_semaphore(%arg23 : memref<!tpu.dma_semaphore, #tpu.memory_space<semaphore_mem>>)
    tpu.enqueue_dma source(%arg5 : memref<128xf32, #tpu.memory_space<hbm>>) target(%arg19 : memref<128xf32, #tpu.memory_space<vmem>>) target_semaphore(%arg23 : memref<!tpu.dma_semaphore, #tpu.memory_space<semaphore_mem>>)
    tpu.enqueue_dma source(%arg6 : memref<128xf32, #tpu.memory_space<hbm>>) target(%arg20 : memref<128xf32, #tpu.memory_space<vmem>>) target_semaphore(%arg23 : memref<!tpu.dma_semaphore, #tpu.memory_space<semaphore_mem>>)
    %dma_wait3A = tpu.memref_slice %arg2[%add3A_8] : memref<32768xi32, #tpu.memory_space<hbm>> -> memref<128xi32, #tpu.memory_space<hbm>>
    %dma_wait3A_70 = tpu.memref_slice %arg2[%add3A_8] : memref<32768xi32, #tpu.memory_space<hbm>> -> memref<128xi32, #tpu.memory_space<hbm>>
    tpu.wait_dma2 semaphore(%arg24 : memref<!tpu.dma_semaphore, #tpu.memory_space<semaphore_mem>>) src(%dma_wait3A_70 : memref<128xi32, #tpu.memory_space<hbm>>) dst(%arg8 : memref<128xi32, #tpu.memory_space<vmem>>)
    %dma_wait3A_71 = tpu.memref_slice %arg2[%add3A_15] : memref<32768xi32, #tpu.memory_space<hbm>> -> memref<128xi32, #tpu.memory_space<hbm>>
    %dma_wait3A_72 = tpu.memref_slice %arg2[%add3A_15] : memref<32768xi32, #tpu.memory_space<hbm>> -> memref<128xi32, #tpu.memory_space<hbm>>
    tpu.wait_dma2 semaphore(%arg24 : memref<!tpu.dma_semaphore, #tpu.memory_space<semaphore_mem>>) src(%dma_wait3A_72 : memref<128xi32, #tpu.memory_space<hbm>>) dst(%arg9 : memref<128xi32, #tpu.memory_space<vmem>>)
    %dma_wait3A_73 = tpu.memref_slice %arg2[%add3A_23] : memref<32768xi32, #tpu.memory_space<hbm>> -> memref<128xi32, #tpu.memory_space<hbm>>
    %dma_wait3A_74 = tpu.memref_slice %arg2[%add3A_23] : memref<32768xi32, #tpu.memory_space<hbm>> -> memref<128xi32, #tpu.memory_space<hbm>>
    tpu.wait_dma2 semaphore(%arg24 : memref<!tpu.dma_semaphore, #tpu.memory_space<semaphore_mem>>) src(%dma_wait3A_74 : memref<128xi32, #tpu.memory_space<hbm>>) dst(%arg10 : memref<128xi32, #tpu.memory_space<vmem>>)
    %dma_wait3A_75 = tpu.memref_slice %arg2[%add3A_31] : memref<32768xi32, #tpu.memory_space<hbm>> -> memref<128xi32, #tpu.memory_space<hbm>>
    %dma_wait3A_76 = tpu.memref_slice %arg2[%add3A_31] : memref<32768xi32, #tpu.memory_space<hbm>> -> memref<128xi32, #tpu.memory_space<hbm>>
    tpu.wait_dma2 semaphore(%arg24 : memref<!tpu.dma_semaphore, #tpu.memory_space<semaphore_mem>>) src(%dma_wait3A_76 : memref<128xi32, #tpu.memory_space<hbm>>) dst(%arg11 : memref<128xi32, #tpu.memory_space<vmem>>)
    %dma_wait3A_77 = tpu.memref_slice %arg2[%add3A_39] : memref<32768xi32, #tpu.memory_space<hbm>> -> memref<128xi32, #tpu.memory_space<hbm>>
    %dma_wait3A_78 = tpu.memref_slice %arg2[%add3A_39] : memref<32768xi32, #tpu.memory_space<hbm>> -> memref<128xi32, #tpu.memory_space<hbm>>
    tpu.wait_dma2 semaphore(%arg24 : memref<!tpu.dma_semaphore, #tpu.memory_space<semaphore_mem>>) src(%dma_wait3A_78 : memref<128xi32, #tpu.memory_space<hbm>>) dst(%arg12 : memref<128xi32, #tpu.memory_space<vmem>>)
    %dma_wait3A_79 = tpu.memref_slice %arg2[%add3A_47] : memref<32768xi32, #tpu.memory_space<hbm>> -> memref<128xi32, #tpu.memory_space<hbm>>
    %dma_wait3A_80 = tpu.memref_slice %arg2[%add3A_47] : memref<32768xi32, #tpu.memory_space<hbm>> -> memref<128xi32, #tpu.memory_space<hbm>>
    tpu.wait_dma2 semaphore(%arg24 : memref<!tpu.dma_semaphore, #tpu.memory_space<semaphore_mem>>) src(%dma_wait3A_80 : memref<128xi32, #tpu.memory_space<hbm>>) dst(%arg13 : memref<128xi32, #tpu.memory_space<vmem>>)
    %dma_wait3A_81 = tpu.memref_slice %arg2[%add3A_55] : memref<32768xi32, #tpu.memory_space<hbm>> -> memref<128xi32, #tpu.memory_space<hbm>>
    %dma_wait3A_82 = tpu.memref_slice %arg2[%add3A_55] : memref<32768xi32, #tpu.memory_space<hbm>> -> memref<128xi32, #tpu.memory_space<hbm>>
    tpu.wait_dma2 semaphore(%arg24 : memref<!tpu.dma_semaphore, #tpu.memory_space<semaphore_mem>>) src(%dma_wait3A_82 : memref<128xi32, #tpu.memory_space<hbm>>) dst(%arg14 : memref<128xi32, #tpu.memory_space<vmem>>)
    %dma_wait3A_83 = tpu.memref_slice %arg2[%add3A_63] : memref<32768xi32, #tpu.memory_space<hbm>> -> memref<128xi32, #tpu.memory_space<hbm>>
    %dma_wait3A_84 = tpu.memref_slice %arg2[%add3A_63] : memref<32768xi32, #tpu.memory_space<hbm>> -> memref<128xi32, #tpu.memory_space<hbm>>
    tpu.wait_dma2 semaphore(%arg24 : memref<!tpu.dma_semaphore, #tpu.memory_space<semaphore_mem>>) src(%dma_wait3A_84 : memref<128xi32, #tpu.memory_space<hbm>>) dst(%arg15 : memref<128xi32, #tpu.memory_space<vmem>>)
    %dma_start3A_85 = arith.constant 0 : i32
    %dma_start3A_86 = arith.constant 0 : i32
    %dma_start3A_87 = tpu.memref_slice %arg16[%dma_start3A_85, %dma_start3A_86] : memref<256x128xf32, #tpu.memory_space<vmem>> -> memref<128x128xf32, #tpu.memory_space<vmem>>
    %dma_start3A_88 = arith.constant 0 : i32
    %dma_start3A_89 = arith.constant 0 : i32
    %dma_start3A_90 = tpu.memref_slice %arg3[%dma_start3A_88, %dma_start3A_89] : memref<100000x128xf32, #tpu.memory_space<hbm>> -> memref<100000x128xf32, #tpu.memory_space<hbm>>
    tpu.enqueue_indirect_dma source(%dma_start3A_90 : memref<100000x128xf32, #tpu.memory_space<hbm>>) target(%dma_start3A_87 : memref<128x128xf32, #tpu.memory_space<vmem>>) offsets(%arg8 : memref<128xi32, #tpu.memory_space<vmem>>) semaphore(%arg21 : memref<!tpu.dma_semaphore, #tpu.memory_space<semaphore_mem>>)
    %dma_start3A_91 = arith.constant 128 : i32
    %dma_start3A_92 = arith.constant 0 : i32
    %dma_start3A_93 = tpu.memref_slice %arg16[%dma_start3A_91, %dma_start3A_92] : memref<256x128xf32, #tpu.memory_space<vmem>> -> memref<128x128xf32, #tpu.memory_space<vmem>>
    %dma_start3A_94 = arith.constant 0 : i32
    %dma_start3A_95 = arith.constant 0 : i32
    %dma_start3A_96 = tpu.memref_slice %arg3[%dma_start3A_94, %dma_start3A_95] : memref<100000x128xf32, #tpu.memory_space<hbm>> -> memref<100000x128xf32, #tpu.memory_space<hbm>>
    tpu.enqueue_indirect_dma source(%dma_start3A_96 : memref<100000x128xf32, #tpu.memory_space<hbm>>) target(%dma_start3A_93 : memref<128x128xf32, #tpu.memory_space<vmem>>) offsets(%arg9 : memref<128xi32, #tpu.memory_space<vmem>>) semaphore(%arg21 : memref<!tpu.dma_semaphore, #tpu.memory_space<semaphore_mem>>)
    tpu.wait_dma2 semaphore(%arg23 : memref<!tpu.dma_semaphore, #tpu.memory_space<semaphore_mem>>) src(%arg5 : memref<128xf32, #tpu.memory_space<hbm>>) dst(%arg19 : memref<128xf32, #tpu.memory_space<vmem>>)
    tpu.wait_dma2 semaphore(%arg23 : memref<!tpu.dma_semaphore, #tpu.memory_space<semaphore_mem>>) src(%arg6 : memref<128xf32, #tpu.memory_space<hbm>>) dst(%arg20 : memref<128xf32, #tpu.memory_space<vmem>>)
    %dma_wait3A_97 = arith.constant 0 : i32
    %dma_wait3A_98 = tpu.memref_slice %arg4[%mul3A_2, %dma_wait3A_97] : memref<8192x128xf32, #tpu.memory_space<hbm>> -> memref<256x128xf32, #tpu.memory_space<hbm>>
    %dma_wait3A_99 = arith.constant 0 : i32
    %dma_wait3A_100 = tpu.memref_slice %arg4[%mul3A_2, %dma_wait3A_99] : memref<8192x128xf32, #tpu.memory_space<hbm>> -> memref<256x128xf32, #tpu.memory_space<hbm>>
    tpu.wait_dma2 semaphore(%arg23 : memref<!tpu.dma_semaphore, #tpu.memory_space<semaphore_mem>>) src(%dma_wait3A_100 : memref<256x128xf32, #tpu.memory_space<hbm>>) dst(%arg18 : memref<256x128xf32, #tpu.memory_space<vmem>>)
    %get3A = arith.constant 0 : index
    %get3A_101 = tpu.vector_load %arg19[%get3A] {strides = array<i32>} : memref<128xf32, #tpu.memory_space<vmem>>, vector<16xf32>,
    %get3A_102 = arith.constant 16 : index
    %get3A_103 = tpu.vector_load %arg19[%get3A_102] {strides = array<i32>} : memref<128xf32, #tpu.memory_space<vmem>>, vector<16xf32>,
    %get3A_104 = arith.constant 32 : index
    %get3A_105 = tpu.vector_load %arg19[%get3A_104] {strides = array<i32>} : memref<128xf32, #tpu.memory_space<vmem>>, vector<16xf32>,
    %get3A_106 = arith.constant 48 : index
    %get3A_107 = tpu.vector_load %arg19[%get3A_106] {strides = array<i32>} : memref<128xf32, #tpu.memory_space<vmem>>, vector<16xf32>,
    %get3A_108 = arith.constant 64 : index
    %get3A_109 = tpu.vector_load %arg19[%get3A_108] {strides = array<i32>} : memref<128xf32, #tpu.memory_space<vmem>>, vector<16xf32>,
    %get3A_110 = arith.constant 80 : index
    %get3A_111 = tpu.vector_load %arg19[%get3A_110] {strides = array<i32>} : memref<128xf32, #tpu.memory_space<vmem>>, vector<16xf32>,
    %get3A_112 = arith.constant 96 : index
    %get3A_113 = tpu.vector_load %arg19[%get3A_112] {strides = array<i32>} : memref<128xf32, #tpu.memory_space<vmem>>, vector<16xf32>,
    %get3A_114 = arith.constant 112 : index
    %get3A_115 = tpu.vector_load %arg19[%get3A_114] {strides = array<i32>} : memref<128xf32, #tpu.memory_space<vmem>>, vector<16xf32>,
    %get3A_116 = arith.constant 0 : index
    %get3A_117 = tpu.vector_load %arg20[%get3A_116] {strides = array<i32>} : memref<128xf32, #tpu.memory_space<vmem>>, vector<16xf32>,
    %get3A_118 = arith.constant 16 : index
    %get3A_119 = tpu.vector_load %arg20[%get3A_118] {strides = array<i32>} : memref<128xf32, #tpu.memory_space<vmem>>, vector<16xf32>,
    %get3A_120 = arith.constant 32 : index
    %get3A_121 = tpu.vector_load %arg20[%get3A_120] {strides = array<i32>} : memref<128xf32, #tpu.memory_space<vmem>>, vector<16xf32>,
    %get3A_122 = arith.constant 48 : index
    %get3A_123 = tpu.vector_load %arg20[%get3A_122] {strides = array<i32>} : memref<128xf32, #tpu.memory_space<vmem>>, vector<16xf32>,
    %get3A_124 = arith.constant 64 : index
    %get3A_125 = tpu.vector_load %arg20[%get3A_124] {strides = array<i32>} : memref<128xf32, #tpu.memory_space<vmem>>, vector<16xf32>,
    %get3A_126 = arith.constant 80 : index
    %get3A_127 = tpu.vector_load %arg20[%get3A_126] {strides = array<i32>} : memref<128xf32, #tpu.memory_space<vmem>>, vector<16xf32>,
    %get3A_128 = arith.constant 96 : index
    %get3A_129 = tpu.vector_load %arg20[%get3A_128] {strides = array<i32>} : memref<128xf32, #tpu.memory_space<vmem>>, vector<16xf32>,
    %get3A_130 = arith.constant 112 : index
    %get3A_131 = tpu.vector_load %arg20[%get3A_130] {strides = array<i32>} : memref<128xf32, #tpu.memory_space<vmem>>, vector<16xf32>,
    %dma_start3A_132 = arith.constant 0 : i32
    %dma_start3A_133 = arith.constant 0 : i32
    %dma_start3A_134 = tpu.memref_slice %arg17[%dma_start3A_132, %dma_start3A_133] : memref<256x128xf32, #tpu.memory_space<vmem>> -> memref<128x128xf32, #tpu.memory_space<vmem>>
    %dma_start3A_135 = arith.constant 0 : i32
    %dma_start3A_136 = arith.constant 0 : i32
    %dma_start3A_137 = tpu.memref_slice %arg3[%dma_start3A_135, %dma_start3A_136] : memref<100000x128xf32, #tpu.memory_space<hbm>> -> memref<100000x128xf32, #tpu.memory_space<hbm>>
    tpu.enqueue_indirect_dma source(%dma_start3A_137 : memref<100000x128xf32, #tpu.memory_space<hbm>>) target(%dma_start3A_134 : memref<128x128xf32, #tpu.memory_space<vmem>>) offsets(%arg10 : memref<128xi32, #tpu.memory_space<vmem>>) semaphore(%arg22 : memref<!tpu.dma_semaphore, #tpu.memory_space<semaphore_mem>>)
    %dma_start3A_138 = arith.constant 128 : i32
    %dma_start3A_139 = arith.constant 0 : i32
    %dma_start3A_140 = tpu.memref_slice %arg17[%dma_start3A_138, %dma_start3A_139] : memref<256x128xf32, #tpu.memory_space<vmem>> -> memref<128x128xf32, #tpu.memory_space<vmem>>
    %dma_start3A_141 = arith.constant 0 : i32
    %dma_start3A_142 = arith.constant 0 : i32
    %dma_start3A_143 = tpu.memref_slice %arg3[%dma_start3A_141, %dma_start3A_142] : memref<100000x128xf32, #tpu.memory_space<hbm>> -> memref<100000x128xf32, #tpu.memory_space<hbm>>
    tpu.enqueue_indirect_dma source(%dma_start3A_143 : memref<100000x128xf32, #tpu.memory_space<hbm>>) target(%dma_start3A_140 : memref<128x128xf32, #tpu.memory_space<vmem>>) offsets(%arg11 : memref<128xi32, #tpu.memory_space<vmem>>) semaphore(%arg22 : memref<!tpu.dma_semaphore, #tpu.memory_space<semaphore_mem>>)
    %dma_wait3A_144 = arith.constant 0 : i32
    %dma_wait3A_145 = arith.constant 0 : i32
    %dma_wait3A_146 = tpu.memref_slice %arg16[%dma_wait3A_144, %dma_wait3A_145] : memref<256x128xf32, #tpu.memory_space<vmem>> -> memref<128x128xf32, #tpu.memory_space<vmem>>
    %dma_wait3A_147 = arith.constant 0 : i32
    %dma_wait3A_148 = arith.constant 0 : i32
    %dma_wait3A_149 = tpu.memref_slice %arg3[%dma_wait3A_147, %dma_wait3A_148] : memref<100000x128xf32, #tpu.memory_space<hbm>> -> memref<100000x128xf32, #tpu.memory_space<hbm>>
    tpu.wait_indirect_dma semaphore(%arg21 : memref<!tpu.dma_semaphore, #tpu.memory_space<semaphore_mem>>) src(%dma_wait3A_149 : memref<100000x128xf32, #tpu.memory_space<hbm>>) dst(%dma_wait3A_146 : memref<128x128xf32, #tpu.memory_space<vmem>>)
    %dma_wait3A_150 = arith.constant 128 : i32
    %dma_wait3A_151 = arith.constant 0 : i32
    %dma_wait3A_152 = tpu.memref_slice %arg16[%dma_wait3A_150, %dma_wait3A_151] : memref<256x128xf32, #tpu.memory_space<vmem>> -> memref<128x128xf32, #tpu.memory_space<vmem>>
    %dma_wait3A_153 = arith.constant 0 : i32
    %dma_wait3A_154 = arith.constant 0 : i32
    %dma_wait3A_155 = tpu.memref_slice %arg3[%dma_wait3A_153, %dma_wait3A_154] : memref<100000x128xf32, #tpu.memory_space<hbm>> -> memref<100000x128xf32, #tpu.memory_space<hbm>>
    tpu.wait_indirect_dma semaphore(%arg21 : memref<!tpu.dma_semaphore, #tpu.memory_space<semaphore_mem>>) src(%dma_wait3A_155 : memref<100000x128xf32, #tpu.memory_space<hbm>>) dst(%dma_wait3A_152 : memref<128x128xf32, #tpu.memory_space<vmem>>)
    %add3A_156 = arith.constant 0 : i32
    %add3A_157 = arith.addi %add3A_156, %mul3A_2 : i32
    %add3A_158 = arith.constant 0 : i32
    %add3A_159 = arith.addi %add3A_157, %add3A_158 : i32
    %parallel_loop3A = arith.constant 0 : i32
    %parallel_loop3A_160 = arith.constant 256 : i32
    %parallel_loop3A_161 = arith.constant 1 : i32
    %parallel_loop3A_162 = arith.constant 7.812500e-03 : f32
    scf.for %parallel_loop3A_279 = %parallel_loop3A to %parallel_loop3A_160 step %parallel_loop3A_161  : i32 {
      %parallel_loop3A_280 = arith.constant 0 : i32
      %parallel_loop3A_281 = arith.addi %parallel_loop3A_279, %parallel_loop3A_280 : i32
      %parallel_loop3A_282 = arith.index_cast %parallel_loop3A_279 : i32 to index
      %parallel_loop3A_283 = arith.constant 0 : index
      %parallel_loop3A_284 = tpu.vector_load %arg16[%parallel_loop3A_282, %parallel_loop3A_283] {strides = array<i32>} : memref<256x128xf32, #tpu.memory_space<vmem>>, vector<16xf32>,
      %parallel_loop3A_285 = arith.index_cast %parallel_loop3A_281 : i32 to index
      %parallel_loop3A_286 = arith.constant 0 : index
      %parallel_loop3A_287 = tpu.vector_load %arg18[%parallel_loop3A_285, %parallel_loop3A_286] {strides = array<i32>} : memref<256x128xf32, #tpu.memory_space<vmem>>, vector<16xf32>,
      %parallel_loop3A_288 = arith.addf %parallel_loop3A_284, %parallel_loop3A_287 : vector<16xf32>
      %parallel_loop3A_289 = arith.index_cast %parallel_loop3A_279 : i32 to index
      %parallel_loop3A_290 = arith.constant 16 : index
      %parallel_loop3A_291 = tpu.vector_load %arg16[%parallel_loop3A_289, %parallel_loop3A_290] {strides = array<i32>} : memref<256x128xf32, #tpu.memory_space<vmem>>, vector<16xf32>,
      %parallel_loop3A_292 = arith.index_cast %parallel_loop3A_281 : i32 to index
      %parallel_loop3A_293 = arith.constant 16 : index
      %parallel_loop3A_294 = tpu.vector_load %arg18[%parallel_loop3A_292, %parallel_loop3A_293] {strides = array<i32>} : memref<256x128xf32, #tpu.memory_space<vmem>>, vector<16xf32>,
      %parallel_loop3A_295 = arith.addf %parallel_loop3A_291, %parallel_loop3A_294 : vector<16xf32>
      %parallel_loop3A_296 = arith.index_cast %parallel_loop3A_279 : i32 to index
      %parallel_loop3A_297 = arith.constant 32 : index
      %parallel_loop3A_298 = tpu.vector_load %arg16[%parallel_loop3A_296, %parallel_loop3A_297] {strides = array<i32>} : memref<256x128xf32, #tpu.memory_space<vmem>>, vector<16xf32>,
      %parallel_loop3A_299 = arith.index_cast %parallel_loop3A_281 : i32 to index
      %parallel_loop3A_300 = arith.constant 32 : index
      %parallel_loop3A_301 = tpu.vector_load %arg18[%parallel_loop3A_299, %parallel_loop3A_300] {strides = array<i32>} : memref<256x128xf32, #tpu.memory_space<vmem>>, vector<16xf32>,
      %parallel_loop3A_302 = arith.addf %parallel_loop3A_298, %parallel_loop3A_301 : vector<16xf32>
      %parallel_loop3A_303 = arith.index_cast %parallel_loop3A_279 : i32 to index
      %parallel_loop3A_304 = arith.constant 48 : index
      %parallel_loop3A_305 = tpu.vector_load %arg16[%parallel_loop3A_303, %parallel_loop3A_304] {strides = array<i32>} : memref<256x128xf32, #tpu.memory_space<vmem>>, vector<16xf32>,
      %parallel_loop3A_306 = arith.index_cast %parallel_loop3A_281 : i32 to index
      %parallel_loop3A_307 = arith.constant 48 : index
      %parallel_loop3A_308 = tpu.vector_load %arg18[%parallel_loop3A_306, %parallel_loop3A_307] {strides = array<i32>} : memref<256x128xf32, #tpu.memory_space<vmem>>, vector<16xf32>,
      %parallel_loop3A_309 = arith.addf %parallel_loop3A_305, %parallel_loop3A_308 : vector<16xf32>
      %parallel_loop3A_310 = arith.index_cast %parallel_loop3A_279 : i32 to index
      %parallel_loop3A_311 = arith.constant 64 : index
      %parallel_loop3A_312 = tpu.vector_load %arg16[%parallel_loop3A_310, %parallel_loop3A_311] {strides = array<i32>} : memref<256x128xf32, #tpu.memory_space<vmem>>, vector<16xf32>,
      %parallel_loop3A_313 = arith.index_cast %parallel_loop3A_281 : i32 to index
      %parallel_loop3A_314 = arith.constant 64 : index
      %parallel_loop3A_315 = tpu.vector_load %arg18[%parallel_loop3A_313, %parallel_loop3A_314] {strides = array<i32>} : memref<256x128xf32, #tpu.memory_space<vmem>>, vector<16xf32>,
      %parallel_loop3A_316 = arith.addf %parallel_loop3A_312, %parallel_loop3A_315 : vector<16xf32>
      %parallel_loop3A_317 = arith.index_cast %parallel_loop3A_279 : i32 to index
      %parallel_loop3A_318 = arith.constant 80 : index
      %parallel_loop3A_319 = tpu.vector_load %arg16[%parallel_loop3A_317, %parallel_loop3A_318] {strides = array<i32>} : memref<256x128xf32, #tpu.memory_space<vmem>>, vector<16xf32>,
      %parallel_loop3A_320 = arith.index_cast %parallel_loop3A_281 : i32 to index
      %parallel_loop3A_321 = arith.constant 80 : index
      %parallel_loop3A_322 = tpu.vector_load %arg18[%parallel_loop3A_320, %parallel_loop3A_321] {strides = array<i32>} : memref<256x128xf32, #tpu.memory_space<vmem>>, vector<16xf32>,
      %parallel_loop3A_323 = arith.addf %parallel_loop3A_319, %parallel_loop3A_322 : vector<16xf32>
      %parallel_loop3A_324 = arith.index_cast %parallel_loop3A_279 : i32 to index
      %parallel_loop3A_325 = arith.constant 96 : index
      %parallel_loop3A_326 = tpu.vector_load %arg16[%parallel_loop3A_324, %parallel_loop3A_325] {strides = array<i32>} : memref<256x128xf32, #tpu.memory_space<vmem>>, vector<16xf32>,
      %parallel_loop3A_327 = arith.index_cast %parallel_loop3A_281 : i32 to index
      %parallel_loop3A_328 = arith.constant 96 : index
      %parallel_loop3A_329 = tpu.vector_load %arg18[%parallel_loop3A_327, %parallel_loop3A_328] {strides = array<i32>} : memref<256x128xf32, #tpu.memory_space<vmem>>, vector<16xf32>,
      %parallel_loop3A_330 = arith.addf %parallel_loop3A_326, %parallel_loop3A_329 : vector<16xf32>
      %parallel_loop3A_331 = arith.index_cast %parallel_loop3A_279 : i32 to index
      %parallel_loop3A_332 = arith.constant 112 : index
      %parallel_loop3A_333 = tpu.vector_load %arg16[%parallel_loop3A_331, %parallel_loop3A_332] {strides = array<i32>} : memref<256x128xf32, #tpu.memory_space<vmem>>, vector<16xf32>,
      %parallel_loop3A_334 = arith.index_cast %parallel_loop3A_281 : i32 to index
      %parallel_loop3A_335 = arith.constant 112 : index
      %parallel_loop3A_336 = tpu.vector_load %arg18[%parallel_loop3A_334, %parallel_loop3A_335] {strides = array<i32>} : memref<256x128xf32, #tpu.memory_space<vmem>>, vector<16xf32>,
      %parallel_loop3A_337 = arith.addf %parallel_loop3A_333, %parallel_loop3A_336 : vector<16xf32>
      %parallel_loop3A_338 = arith.addf %parallel_loop3A_288, %parallel_loop3A_295 : vector<16xf32>
      %parallel_loop3A_339 = arith.addf %parallel_loop3A_302, %parallel_loop3A_309 : vector<16xf32>
      %parallel_loop3A_340 = arith.addf %parallel_loop3A_316, %parallel_loop3A_323 : vector<16xf32>
      %parallel_loop3A_341 = arith.addf %parallel_loop3A_330, %parallel_loop3A_337 : vector<16xf32>
      %parallel_loop3A_342 = arith.addf %parallel_loop3A_338, %parallel_loop3A_339 : vector<16xf32>
      %parallel_loop3A_343 = arith.addf %parallel_loop3A_340, %parallel_loop3A_341 : vector<16xf32>
      %parallel_loop3A_344 = arith.addf %parallel_loop3A_342, %parallel_loop3A_343 : vector<16xf32>
      %parallel_loop3A_345 = arith.constant true
      %parallel_loop3A_346 = vector.broadcast %parallel_loop3A_345 : i1 to vector<16xi1>
      %parallel_loop3A_347 = tpu.scan <sum>, %parallel_loop3A_344 masked %parallel_loop3A_346 : vector<16xf32>, vector<16xi1> -> vector<16xf32>
      %parallel_loop3A_348 = vector.extract %parallel_loop3A_347[15] : f32 from vector<16xf32>
      %parallel_loop3A_349 = arith.mulf %parallel_loop3A_288, %parallel_loop3A_288 : vector<16xf32>
      %parallel_loop3A_350 = arith.mulf %parallel_loop3A_295, %parallel_loop3A_295 : vector<16xf32>
      %parallel_loop3A_351 = arith.addf %parallel_loop3A_349, %parallel_loop3A_350 : vector<16xf32>
      %parallel_loop3A_352 = arith.mulf %parallel_loop3A_302, %parallel_loop3A_302 : vector<16xf32>
      %parallel_loop3A_353 = arith.addf %parallel_loop3A_351, %parallel_loop3A_352 : vector<16xf32>
      %parallel_loop3A_354 = arith.mulf %parallel_loop3A_309, %parallel_loop3A_309 : vector<16xf32>
      %parallel_loop3A_355 = arith.addf %parallel_loop3A_353, %parallel_loop3A_354 : vector<16xf32>
      %parallel_loop3A_356 = arith.mulf %parallel_loop3A_316, %parallel_loop3A_316 : vector<16xf32>
      %parallel_loop3A_357 = arith.addf %parallel_loop3A_355, %parallel_loop3A_356 : vector<16xf32>
      %parallel_loop3A_358 = arith.mulf %parallel_loop3A_323, %parallel_loop3A_323 : vector<16xf32>
      %parallel_loop3A_359 = arith.addf %parallel_loop3A_357, %parallel_loop3A_358 : vector<16xf32>
      %parallel_loop3A_360 = arith.mulf %parallel_loop3A_330, %parallel_loop3A_330 : vector<16xf32>
      %parallel_loop3A_361 = arith.addf %parallel_loop3A_359, %parallel_loop3A_360 : vector<16xf32>
      %parallel_loop3A_362 = arith.mulf %parallel_loop3A_337, %parallel_loop3A_337 : vector<16xf32>
      %parallel_loop3A_363 = arith.addf %parallel_loop3A_361, %parallel_loop3A_362 : vector<16xf32>
      %parallel_loop3A_364 = arith.constant true
      %parallel_loop3A_365 = vector.broadcast %parallel_loop3A_364 : i1 to vector<16xi1>
      %parallel_loop3A_366 = tpu.scan <sum>, %parallel_loop3A_363 masked %parallel_loop3A_365 : vector<16xf32>, vector<16xi1> -> vector<16xf32>
      %parallel_loop3A_367 = vector.extract %parallel_loop3A_366[15] : f32 from vector<16xf32>
      %parallel_loop3A_368 = arith.mulf %parallel_loop3A_348, %parallel_loop3A_162 : f32
      %parallel_loop3A_369 = arith.mulf %parallel_loop3A_367, %parallel_loop3A_162 : f32
      %parallel_loop3A_370 = arith.mulf %parallel_loop3A_368, %parallel_loop3A_368 : f32
      %parallel_loop3A_371 = arith.subf %parallel_loop3A_369, %parallel_loop3A_370 : f32
      %parallel_loop3A_372 = arith.constant 9.99999996E-13 : f32
      %parallel_loop3A_373 = arith.addf %parallel_loop3A_371, %parallel_loop3A_372 : f32
      %parallel_loop3A_374 = arith.bitcast %parallel_loop3A_373 : f32 to i32
      %parallel_loop3A_375 = arith.constant 1 : i32
      %parallel_loop3A_376 = arith.shrsi %parallel_loop3A_374, %parallel_loop3A_375 : i32
      %parallel_loop3A_377 = arith.constant 1597463007 : i32
      %parallel_loop3A_378 = arith.subi %parallel_loop3A_377, %parallel_loop3A_376 : i32
      %parallel_loop3A_379 = arith.bitcast %parallel_loop3A_378 : i32 to f32
      %parallel_loop3A_380 = arith.constant 5.000000e-01 : f32
      %parallel_loop3A_381 = arith.mulf %parallel_loop3A_380, %parallel_loop3A_373 : f32
      %parallel_loop3A_382 = arith.mulf %parallel_loop3A_381, %parallel_loop3A_379 : f32
      %parallel_loop3A_383 = arith.mulf %parallel_loop3A_382, %parallel_loop3A_379 : f32
      %parallel_loop3A_384 = arith.constant 1.500000e+00 : f32
      %parallel_loop3A_385 = arith.subf %parallel_loop3A_384, %parallel_loop3A_383 : f32
      %parallel_loop3A_386 = arith.mulf %parallel_loop3A_379, %parallel_loop3A_385 : f32
      %parallel_loop3A_387 = arith.mulf %parallel_loop3A_381, %parallel_loop3A_386 : f32
      %parallel_loop3A_388 = arith.mulf %parallel_loop3A_387, %parallel_loop3A_386 : f32
      %parallel_loop3A_389 = arith.constant 1.500000e+00 : f32
      %parallel_loop3A_390 = arith.subf %parallel_loop3A_389, %parallel_loop3A_388 : f32
      %parallel_loop3A_391 = arith.mulf %parallel_loop3A_386, %parallel_loop3A_390 : f32
      %parallel_loop3A_392 = vector.broadcast %parallel_loop3A_391 : f32 to vector<16xf32>
      %parallel_loop3A_393 = vector.broadcast %parallel_loop3A_368 : f32 to vector<16xf32>
      %parallel_loop3A_394 = arith.mulf %parallel_loop3A_392, %get3A_101 : vector<16xf32>
      %parallel_loop3A_395 = arith.mulf %parallel_loop3A_392, %get3A_103 : vector<16xf32>
      %parallel_loop3A_396 = arith.mulf %parallel_loop3A_392, %get3A_105 : vector<16xf32>
      %parallel_loop3A_397 = arith.mulf %parallel_loop3A_392, %get3A_107 : vector<16xf32>
      %parallel_loop3A_398 = arith.mulf %parallel_loop3A_392, %get3A_109 : vector<16xf32>
      %parallel_loop3A_399 = arith.mulf %parallel_loop3A_392, %get3A_111 : vector<16xf32>
      %parallel_loop3A_400 = arith.mulf %parallel_loop3A_392, %get3A_113 : vector<16xf32>
      %parallel_loop3A_401 = arith.mulf %parallel_loop3A_392, %get3A_115 : vector<16xf32>
      %parallel_loop3A_402 = arith.subf %parallel_loop3A_288, %parallel_loop3A_393 : vector<16xf32>
      %parallel_loop3A_403 = arith.mulf %parallel_loop3A_402, %parallel_loop3A_394 : vector<16xf32>
      %parallel_loop3A_404 = arith.addf %parallel_loop3A_403, %get3A_117 : vector<16xf32>
      %parallel_loop3A_405 = arith.index_cast %parallel_loop3A_279 : i32 to index
      %parallel_loop3A_406 = arith.constant 0 : index
      %parallel_loop3A_407 = tpu.vector_load %arg16[%parallel_loop3A_405, %parallel_loop3A_406] {strides = array<i32>} : memref<256x128xf32, #tpu.memory_space<vmem>>, vector<16xf32>,
      tpu.vector_store %arg16[%parallel_loop3A_405, %parallel_loop3A_406], %parallel_loop3A_404 {strides = array<i32>} : memref<256x128xf32, #tpu.memory_space<vmem>>, vector<16xf32>,
      %parallel_loop3A_408 = arith.subf %parallel_loop3A_295, %parallel_loop3A_393 : vector<16xf32>
      %parallel_loop3A_409 = arith.mulf %parallel_loop3A_408, %parallel_loop3A_395 : vector<16xf32>
      %parallel_loop3A_410 = arith.addf %parallel_loop3A_409, %get3A_119 : vector<16xf32>
      %parallel_loop3A_411 = arith.index_cast %parallel_loop3A_279 : i32 to index
      %parallel_loop3A_412 = arith.constant 16 : index
      %parallel_loop3A_413 = tpu.vector_load %arg16[%parallel_loop3A_411, %parallel_loop3A_412] {strides = array<i32>} : memref<256x128xf32, #tpu.memory_space<vmem>>, vector<16xf32>,
      tpu.vector_store %arg16[%parallel_loop3A_411, %parallel_loop3A_412], %parallel_loop3A_410 {strides = array<i32>} : memref<256x128xf32, #tpu.memory_space<vmem>>, vector<16xf32>,
      %parallel_loop3A_414 = arith.subf %parallel_loop3A_302, %parallel_loop3A_393 : vector<16xf32>
      %parallel_loop3A_415 = arith.mulf %parallel_loop3A_414, %parallel_loop3A_396 : vector<16xf32>
      %parallel_loop3A_416 = arith.addf %parallel_loop3A_415, %get3A_121 : vector<16xf32>
      %parallel_loop3A_417 = arith.index_cast %parallel_loop3A_279 : i32 to index
      %parallel_loop3A_418 = arith.constant 32 : index
      %parallel_loop3A_419 = tpu.vector_load %arg16[%parallel_loop3A_417, %parallel_loop3A_418] {strides = array<i32>} : memref<256x128xf32, #tpu.memory_space<vmem>>, vector<16xf32>,
      tpu.vector_store %arg16[%parallel_loop3A_417, %parallel_loop3A_418], %parallel_loop3A_416 {strides = array<i32>} : memref<256x128xf32, #tpu.memory_space<vmem>>, vector<16xf32>,
      %parallel_loop3A_420 = arith.subf %parallel_loop3A_309, %parallel_loop3A_393 : vector<16xf32>
      %parallel_loop3A_421 = arith.mulf %parallel_loop3A_420, %parallel_loop3A_397 : vector<16xf32>
      %parallel_loop3A_422 = arith.addf %parallel_loop3A_421, %get3A_123 : vector<16xf32>
      %parallel_loop3A_423 = arith.index_cast %parallel_loop3A_279 : i32 to index
      %parallel_loop3A_424 = arith.constant 48 : index
      %parallel_loop3A_425 = tpu.vector_load %arg16[%parallel_loop3A_423, %parallel_loop3A_424] {strides = array<i32>} : memref<256x128xf32, #tpu.memory_space<vmem>>, vector<16xf32>,
      tpu.vector_store %arg16[%parallel_loop3A_423, %parallel_loop3A_424], %parallel_loop3A_422 {strides = array<i32>} : memref<256x128xf32, #tpu.memory_space<vmem>>, vector<16xf32>,
      %parallel_loop3A_426 = arith.subf %parallel_loop3A_316, %parallel_loop3A_393 : vector<16xf32>
      %parallel_loop3A_427 = arith.mulf %parallel_loop3A_426, %parallel_loop3A_398 : vector<16xf32>
      %parallel_loop3A_428 = arith.addf %parallel_loop3A_427, %get3A_125 : vector<16xf32>
      %parallel_loop3A_429 = arith.index_cast %parallel_loop3A_279 : i32 to index
      %parallel_loop3A_430 = arith.constant 64 : index
      %parallel_loop3A_431 = tpu.vector_load %arg16[%parallel_loop3A_429, %parallel_loop3A_430] {strides = array<i32>} : memref<256x128xf32, #tpu.memory_space<vmem>>, vector<16xf32>,
      tpu.vector_store %arg16[%parallel_loop3A_429, %parallel_loop3A_430], %parallel_loop3A_428 {strides = array<i32>} : memref<256x128xf32, #tpu.memory_space<vmem>>, vector<16xf32>,
      %parallel_loop3A_432 = arith.subf %parallel_loop3A_323, %parallel_loop3A_393 : vector<16xf32>
      %parallel_loop3A_433 = arith.mulf %parallel_loop3A_432, %parallel_loop3A_399 : vector<16xf32>
      %parallel_loop3A_434 = arith.addf %parallel_loop3A_433, %get3A_127 : vector<16xf32>
      %parallel_loop3A_435 = arith.index_cast %parallel_loop3A_279 : i32 to index
      %parallel_loop3A_436 = arith.constant 80 : index
      %parallel_loop3A_437 = tpu.vector_load %arg16[%parallel_loop3A_435, %parallel_loop3A_436] {strides = array<i32>} : memref<256x128xf32, #tpu.memory_space<vmem>>, vector<16xf32>,
      tpu.vector_store %arg16[%parallel_loop3A_435, %parallel_loop3A_436], %parallel_loop3A_434 {strides = array<i32>} : memref<256x128xf32, #tpu.memory_space<vmem>>, vector<16xf32>,
      %parallel_loop3A_438 = arith.subf %parallel_loop3A_330, %parallel_loop3A_393 : vector<16xf32>
      %parallel_loop3A_439 = arith.mulf %parallel_loop3A_438, %parallel_loop3A_400 : vector<16xf32>
      %parallel_loop3A_440 = arith.addf %parallel_loop3A_439, %get3A_129 : vector<16xf32>
      %parallel_loop3A_441 = arith.index_cast %parallel_loop3A_279 : i32 to index
      %parallel_loop3A_442 = arith.constant 96 : index
      %parallel_loop3A_443 = tpu.vector_load %arg16[%parallel_loop3A_441, %parallel_loop3A_442] {strides = array<i32>} : memref<256x128xf32, #tpu.memory_space<vmem>>, vector<16xf32>,
      tpu.vector_store %arg16[%parallel_loop3A_441, %parallel_loop3A_442], %parallel_loop3A_440 {strides = array<i32>} : memref<256x128xf32, #tpu.memory_space<vmem>>, vector<16xf32>,
      %parallel_loop3A_444 = arith.subf %parallel_loop3A_337, %parallel_loop3A_393 : vector<16xf32>
      %parallel_loop3A_445 = arith.mulf %parallel_loop3A_444, %parallel_loop3A_401 : vector<16xf32>
      %parallel_loop3A_446 = arith.addf %parallel_loop3A_445, %get3A_131 : vector<16xf32>
      %parallel_loop3A_447 = arith.index_cast %parallel_loop3A_279 : i32 to index
      %parallel_loop3A_448 = arith.constant 112 : index
      %parallel_loop3A_449 = tpu.vector_load %arg16[%parallel_loop3A_447, %parallel_loop3A_448] {strides = array<i32>} : memref<256x128xf32, #tpu.memory_space<vmem>>, vector<16xf32>,
      tpu.vector_store %arg16[%parallel_loop3A_447, %parallel_loop3A_448], %parallel_loop3A_446 {strides = array<i32>} : memref<256x128xf32, #tpu.memory_space<vmem>>, vector<16xf32>,
    } {sc.loop_unroll_factor = 2 : i64, sc.parallel_access}
    %dma_start3A_163 = arith.constant 0 : i32
    %dma_start3A_164 = tpu.memref_slice %arg7[%add3A_159, %dma_start3A_163] : memref<32768x128xf32, #tpu.memory_space<hbm>> -> memref<256x128xf32, #tpu.memory_space<hbm>>
    %dma_start3A_165 = arith.constant 0 : i32
    %dma_start3A_166 = tpu.memref_slice %arg7[%add3A_159, %dma_start3A_165] : memref<32768x128xf32, #tpu.memory_space<hbm>> -> memref<256x128xf32, #tpu.memory_space<hbm>>
    tpu.enqueue_dma source(%arg16 : memref<256x128xf32, #tpu.memory_space<vmem>>) target(%dma_start3A_166 : memref<256x128xf32, #tpu.memory_space<hbm>>) target_semaphore(%arg25 : memref<!tpu.dma_semaphore, #tpu.memory_space<semaphore_mem>>)
    %dma_wait3A_167 = arith.constant 0 : i32
    %dma_wait3A_168 = tpu.memref_slice %arg7[%add3A_159, %dma_wait3A_167] : memref<32768x128xf32, #tpu.memory_space<hbm>> -> memref<256x128xf32, #tpu.memory_space<hbm>>
    %dma_wait3A_169 = arith.constant 0 : i32
    %dma_wait3A_170 = tpu.memref_slice %arg7[%add3A_159, %dma_wait3A_169] : memref<32768x128xf32, #tpu.memory_space<hbm>> -> memref<256x128xf32, #tpu.memory_space<hbm>>
    tpu.wait_dma2 semaphore(%arg25 : memref<!tpu.dma_semaphore, #tpu.memory_space<semaphore_mem>>) src(%arg16 : memref<256x128xf32, #tpu.memory_space<vmem>>) dst(%dma_wait3A_170 : memref<256x128xf32, #tpu.memory_space<hbm>>)
    %dma_start3A_171 = arith.constant 0 : i32
    %dma_start3A_172 = arith.constant 0 : i32
    %dma_start3A_173 = tpu.memref_slice %arg16[%dma_start3A_171, %dma_start3A_172] : memref<256x128xf32, #tpu.memory_space<vmem>> -> memref<128x128xf32, #tpu.memory_space<vmem>>
    %dma_start3A_174 = arith.constant 0 : i32
    %dma_start3A_175 = arith.constant 0 : i32
    %dma_start3A_176 = tpu.memref_slice %arg3[%dma_start3A_174, %dma_start3A_175] : memref<100000x128xf32, #tpu.memory_space<hbm>> -> memref<100000x128xf32, #tpu.memory_space<hbm>>
    tpu.enqueue_indirect_dma source(%dma_start3A_176 : memref<100000x128xf32, #tpu.memory_space<hbm>>) target(%dma_start3A_173 : memref<128x128xf32, #tpu.memory_space<vmem>>) offsets(%arg12 : memref<128xi32, #tpu.memory_space<vmem>>) semaphore(%arg21 : memref<!tpu.dma_semaphore, #tpu.memory_space<semaphore_mem>>)
    %dma_start3A_177 = arith.constant 128 : i32
    %dma_start3A_178 = arith.constant 0 : i32
    %dma_start3A_179 = tpu.memref_slice %arg16[%dma_start3A_177, %dma_start3A_178] : memref<256x128xf32, #tpu.memory_space<vmem>> -> memref<128x128xf32, #tpu.memory_space<vmem>>
    %dma_start3A_180 = arith.constant 0 : i32
    %dma_start3A_181 = arith.constant 0 : i32
    %dma_start3A_182 = tpu.memref_slice %arg3[%dma_start3A_180, %dma_start3A_181] : memref<100000x128xf32, #tpu.memory_space<hbm>> -> memref<100000x128xf32, #tpu.memory_space<hbm>>
    tpu.enqueue_indirect_dma source(%dma_start3A_182 : memref<100000x128xf32, #tpu.memory_space<hbm>>) target(%dma_start3A_179 : memref<128x128xf32, #tpu.memory_space<vmem>>) offsets(%arg13 : memref<128xi32, #tpu.memory_space<vmem>>) semaphore(%arg21 : memref<!tpu.dma_semaphore, #tpu.memory_space<semaphore_mem>>)
    %dma_wait3A_183 = arith.constant 0 : i32
    %dma_wait3A_184 = arith.constant 0 : i32
    %dma_wait3A_185 = tpu.memref_slice %arg17[%dma_wait3A_183, %dma_wait3A_184] : memref<256x128xf32, #tpu.memory_space<vmem>> -> memref<128x128xf32, #tpu.memory_space<vmem>>
    %dma_wait3A_186 = arith.constant 0 : i32
    %dma_wait3A_187 = arith.constant 0 : i32
    %dma_wait3A_188 = tpu.memref_slice %arg3[%dma_wait3A_186, %dma_wait3A_187] : memref<100000x128xf32, #tpu.memory_space<hbm>> -> memref<100000x128xf32, #tpu.memory_space<hbm>>
    tpu.wait_indirect_dma semaphore(%arg22 : memref<!tpu.dma_semaphore, #tpu.memory_space<semaphore_mem>>) src(%dma_wait3A_188 : memref<100000x128xf32, #tpu.memory_space<hbm>>) dst(%dma_wait3A_185 : memref<128x128xf32, #tpu.memory_space<vmem>>)
    %dma_wait3A_189 = arith.constant 128 : i32
    %dma_wait3A_190 = arith.constant 0 : i32
    %dma_wait3A_191 = tpu.memref_slice %arg17[%dma_wait3A_189, %dma_wait3A_190] : memref<256x128xf32, #tpu.memory_space<vmem>> -> memref<128x128xf32, #tpu.memory_space<vmem>>
    %dma_wait3A_192 = arith.constant 0 : i32
    %dma_wait3A_193 = arith.constant 0 : i32
    %dma_wait3A_194 = tpu.memref_slice %arg3[%dma_wait3A_192, %dma_wait3A_193] : memref<100000x128xf32, #tpu.memory_space<hbm>> -> memref<100000x128xf32, #tpu.memory_space<hbm>>
    tpu.wait_indirect_dma semaphore(%arg22 : memref<!tpu.dma_semaphore, #tpu.memory_space<semaphore_mem>>) src(%dma_wait3A_194 : memref<100000x128xf32, #tpu.memory_space<hbm>>) dst(%dma_wait3A_191 : memref<128x128xf32, #tpu.memory_space<vmem>>)
    %add3A_195 = arith.constant 8192 : i32
    %add3A_196 = arith.addi %add3A_195, %mul3A_2 : i32
    %add3A_197 = arith.constant 0 : i32
    %add3A_198 = arith.addi %add3A_196, %add3A_197 : i32
    %parallel_loop3A_199 = arith.constant 0 : i32
    %parallel_loop3A_200 = arith.constant 256 : i32
    %parallel_loop3A_201 = arith.constant 1 : i32
    %parallel_loop3A_202 = arith.constant 7.812500e-03 : f32
    scf.for %parallel_loop3A_279 = %parallel_loop3A_199 to %parallel_loop3A_200 step %parallel_loop3A_201  : i32 {
      %parallel_loop3A_280 = arith.constant 0 : i32
      %parallel_loop3A_281 = arith.addi %parallel_loop3A_279, %parallel_loop3A_280 : i32
      %parallel_loop3A_282 = arith.index_cast %parallel_loop3A_279 : i32 to index
      %parallel_loop3A_283 = arith.constant 0 : index
      %parallel_loop3A_284 = tpu.vector_load %arg17[%parallel_loop3A_282, %parallel_loop3A_283] {strides = array<i32>} : memref<256x128xf32, #tpu.memory_space<vmem>>, vector<16xf32>,
      %parallel_loop3A_285 = arith.index_cast %parallel_loop3A_281 : i32 to index
      %parallel_loop3A_286 = arith.constant 0 : index
      %parallel_loop3A_287 = tpu.vector_load %arg18[%parallel_loop3A_285, %parallel_loop3A_286] {strides = array<i32>} : memref<256x128xf32, #tpu.memory_space<vmem>>, vector<16xf32>,
      %parallel_loop3A_288 = arith.addf %parallel_loop3A_284, %parallel_loop3A_287 : vector<16xf32>
      %parallel_loop3A_289 = arith.index_cast %parallel_loop3A_279 : i32 to index
      %parallel_loop3A_290 = arith.constant 16 : index
      %parallel_loop3A_291 = tpu.vector_load %arg17[%parallel_loop3A_289, %parallel_loop3A_290] {strides = array<i32>} : memref<256x128xf32, #tpu.memory_space<vmem>>, vector<16xf32>,
      %parallel_loop3A_292 = arith.index_cast %parallel_loop3A_281 : i32 to index
      %parallel_loop3A_293 = arith.constant 16 : index
      %parallel_loop3A_294 = tpu.vector_load %arg18[%parallel_loop3A_292, %parallel_loop3A_293] {strides = array<i32>} : memref<256x128xf32, #tpu.memory_space<vmem>>, vector<16xf32>,
      %parallel_loop3A_295 = arith.addf %parallel_loop3A_291, %parallel_loop3A_294 : vector<16xf32>
      %parallel_loop3A_296 = arith.index_cast %parallel_loop3A_279 : i32 to index
      %parallel_loop3A_297 = arith.constant 32 : index
      %parallel_loop3A_298 = tpu.vector_load %arg17[%parallel_loop3A_296, %parallel_loop3A_297] {strides = array<i32>} : memref<256x128xf32, #tpu.memory_space<vmem>>, vector<16xf32>,
      %parallel_loop3A_299 = arith.index_cast %parallel_loop3A_281 : i32 to index
      %parallel_loop3A_300 = arith.constant 32 : index
      %parallel_loop3A_301 = tpu.vector_load %arg18[%parallel_loop3A_299, %parallel_loop3A_300] {strides = array<i32>} : memref<256x128xf32, #tpu.memory_space<vmem>>, vector<16xf32>,
      %parallel_loop3A_302 = arith.addf %parallel_loop3A_298, %parallel_loop3A_301 : vector<16xf32>
      %parallel_loop3A_303 = arith.index_cast %parallel_loop3A_279 : i32 to index
      %parallel_loop3A_304 = arith.constant 48 : index
      %parallel_loop3A_305 = tpu.vector_load %arg17[%parallel_loop3A_303, %parallel_loop3A_304] {strides = array<i32>} : memref<256x128xf32, #tpu.memory_space<vmem>>, vector<16xf32>,
      %parallel_loop3A_306 = arith.index_cast %parallel_loop3A_281 : i32 to index
      %parallel_loop3A_307 = arith.constant 48 : index
      %parallel_loop3A_308 = tpu.vector_load %arg18[%parallel_loop3A_306, %parallel_loop3A_307] {strides = array<i32>} : memref<256x128xf32, #tpu.memory_space<vmem>>, vector<16xf32>,
      %parallel_loop3A_309 = arith.addf %parallel_loop3A_305, %parallel_loop3A_308 : vector<16xf32>
      %parallel_loop3A_310 = arith.index_cast %parallel_loop3A_279 : i32 to index
      %parallel_loop3A_311 = arith.constant 64 : index
      %parallel_loop3A_312 = tpu.vector_load %arg17[%parallel_loop3A_310, %parallel_loop3A_311] {strides = array<i32>} : memref<256x128xf32, #tpu.memory_space<vmem>>, vector<16xf32>,
      %parallel_loop3A_313 = arith.index_cast %parallel_loop3A_281 : i32 to index
      %parallel_loop3A_314 = arith.constant 64 : index
      %parallel_loop3A_315 = tpu.vector_load %arg18[%parallel_loop3A_313, %parallel_loop3A_314] {strides = array<i32>} : memref<256x128xf32, #tpu.memory_space<vmem>>, vector<16xf32>,
      %parallel_loop3A_316 = arith.addf %parallel_loop3A_312, %parallel_loop3A_315 : vector<16xf32>
      %parallel_loop3A_317 = arith.index_cast %parallel_loop3A_279 : i32 to index
      %parallel_loop3A_318 = arith.constant 80 : index
      %parallel_loop3A_319 = tpu.vector_load %arg17[%parallel_loop3A_317, %parallel_loop3A_318] {strides = array<i32>} : memref<256x128xf32, #tpu.memory_space<vmem>>, vector<16xf32>,
      %parallel_loop3A_320 = arith.index_cast %parallel_loop3A_281 : i32 to index
      %parallel_loop3A_321 = arith.constant 80 : index
      %parallel_loop3A_322 = tpu.vector_load %arg18[%parallel_loop3A_320, %parallel_loop3A_321] {strides = array<i32>} : memref<256x128xf32, #tpu.memory_space<vmem>>, vector<16xf32>,
      %parallel_loop3A_323 = arith.addf %parallel_loop3A_319, %parallel_loop3A_322 : vector<16xf32>
      %parallel_loop3A_324 = arith.index_cast %parallel_loop3A_279 : i32 to index
      %parallel_loop3A_325 = arith.constant 96 : index
      %parallel_loop3A_326 = tpu.vector_load %arg17[%parallel_loop3A_324, %parallel_loop3A_325] {strides = array<i32>} : memref<256x128xf32, #tpu.memory_space<vmem>>, vector<16xf32>,
      %parallel_loop3A_327 = arith.index_cast %parallel_loop3A_281 : i32 to index
      %parallel_loop3A_328 = arith.constant 96 : index
      %parallel_loop3A_329 = tpu.vector_load %arg18[%parallel_loop3A_327, %parallel_loop3A_328] {strides = array<i32>} : memref<256x128xf32, #tpu.memory_space<vmem>>, vector<16xf32>,
      %parallel_loop3A_330 = arith.addf %parallel_loop3A_326, %parallel_loop3A_329 : vector<16xf32>
      %parallel_loop3A_331 = arith.index_cast %parallel_loop3A_279 : i32 to index
      %parallel_loop3A_332 = arith.constant 112 : index
      %parallel_loop3A_333 = tpu.vector_load %arg17[%parallel_loop3A_331, %parallel_loop3A_332] {strides = array<i32>} : memref<256x128xf32, #tpu.memory_space<vmem>>, vector<16xf32>,
      %parallel_loop3A_334 = arith.index_cast %parallel_loop3A_281 : i32 to index
      %parallel_loop3A_335 = arith.constant 112 : index
      %parallel_loop3A_336 = tpu.vector_load %arg18[%parallel_loop3A_334, %parallel_loop3A_335] {strides = array<i32>} : memref<256x128xf32, #tpu.memory_space<vmem>>, vector<16xf32>,
      %parallel_loop3A_337 = arith.addf %parallel_loop3A_333, %parallel_loop3A_336 : vector<16xf32>
      %parallel_loop3A_338 = arith.addf %parallel_loop3A_288, %parallel_loop3A_295 : vector<16xf32>
      %parallel_loop3A_339 = arith.addf %parallel_loop3A_302, %parallel_loop3A_309 : vector<16xf32>
      %parallel_loop3A_340 = arith.addf %parallel_loop3A_316, %parallel_loop3A_323 : vector<16xf32>
      %parallel_loop3A_341 = arith.addf %parallel_loop3A_330, %parallel_loop3A_337 : vector<16xf32>
      %parallel_loop3A_342 = arith.addf %parallel_loop3A_338, %parallel_loop3A_339 : vector<16xf32>
      %parallel_loop3A_343 = arith.addf %parallel_loop3A_340, %parallel_loop3A_341 : vector<16xf32>
      %parallel_loop3A_344 = arith.addf %parallel_loop3A_342, %parallel_loop3A_343 : vector<16xf32>
      %parallel_loop3A_345 = arith.constant true
      %parallel_loop3A_346 = vector.broadcast %parallel_loop3A_345 : i1 to vector<16xi1>
      %parallel_loop3A_347 = tpu.scan <sum>, %parallel_loop3A_344 masked %parallel_loop3A_346 : vector<16xf32>, vector<16xi1> -> vector<16xf32>
      %parallel_loop3A_348 = vector.extract %parallel_loop3A_347[15] : f32 from vector<16xf32>
      %parallel_loop3A_349 = arith.mulf %parallel_loop3A_288, %parallel_loop3A_288 : vector<16xf32>
      %parallel_loop3A_350 = arith.mulf %parallel_loop3A_295, %parallel_loop3A_295 : vector<16xf32>
      %parallel_loop3A_351 = arith.addf %parallel_loop3A_349, %parallel_loop3A_350 : vector<16xf32>
      %parallel_loop3A_352 = arith.mulf %parallel_loop3A_302, %parallel_loop3A_302 : vector<16xf32>
      %parallel_loop3A_353 = arith.addf %parallel_loop3A_351, %parallel_loop3A_352 : vector<16xf32>
      %parallel_loop3A_354 = arith.mulf %parallel_loop3A_309, %parallel_loop3A_309 : vector<16xf32>
      %parallel_loop3A_355 = arith.addf %parallel_loop3A_353, %parallel_loop3A_354 : vector<16xf32>
      %parallel_loop3A_356 = arith.mulf %parallel_loop3A_316, %parallel_loop3A_316 : vector<16xf32>
      %parallel_loop3A_357 = arith.addf %parallel_loop3A_355, %parallel_loop3A_356 : vector<16xf32>
      %parallel_loop3A_358 = arith.mulf %parallel_loop3A_323, %parallel_loop3A_323 : vector<16xf32>
      %parallel_loop3A_359 = arith.addf %parallel_loop3A_357, %parallel_loop3A_358 : vector<16xf32>
      %parallel_loop3A_360 = arith.mulf %parallel_loop3A_330, %parallel_loop3A_330 : vector<16xf32>
      %parallel_loop3A_361 = arith.addf %parallel_loop3A_359, %parallel_loop3A_360 : vector<16xf32>
      %parallel_loop3A_362 = arith.mulf %parallel_loop3A_337, %parallel_loop3A_337 : vector<16xf32>
      %parallel_loop3A_363 = arith.addf %parallel_loop3A_361, %parallel_loop3A_362 : vector<16xf32>
      %parallel_loop3A_364 = arith.constant true
      %parallel_loop3A_365 = vector.broadcast %parallel_loop3A_364 : i1 to vector<16xi1>
      %parallel_loop3A_366 = tpu.scan <sum>, %parallel_loop3A_363 masked %parallel_loop3A_365 : vector<16xf32>, vector<16xi1> -> vector<16xf32>
      %parallel_loop3A_367 = vector.extract %parallel_loop3A_366[15] : f32 from vector<16xf32>
      %parallel_loop3A_368 = arith.mulf %parallel_loop3A_348, %parallel_loop3A_202 : f32
      %parallel_loop3A_369 = arith.mulf %parallel_loop3A_367, %parallel_loop3A_202 : f32
      %parallel_loop3A_370 = arith.mulf %parallel_loop3A_368, %parallel_loop3A_368 : f32
      %parallel_loop3A_371 = arith.subf %parallel_loop3A_369, %parallel_loop3A_370 : f32
      %parallel_loop3A_372 = arith.constant 9.99999996E-13 : f32
      %parallel_loop3A_373 = arith.addf %parallel_loop3A_371, %parallel_loop3A_372 : f32
      %parallel_loop3A_374 = arith.bitcast %parallel_loop3A_373 : f32 to i32
      %parallel_loop3A_375 = arith.constant 1 : i32
      %parallel_loop3A_376 = arith.shrsi %parallel_loop3A_374, %parallel_loop3A_375 : i32
      %parallel_loop3A_377 = arith.constant 1597463007 : i32
      %parallel_loop3A_378 = arith.subi %parallel_loop3A_377, %parallel_loop3A_376 : i32
      %parallel_loop3A_379 = arith.bitcast %parallel_loop3A_378 : i32 to f32
      %parallel_loop3A_380 = arith.constant 5.000000e-01 : f32
      %parallel_loop3A_381 = arith.mulf %parallel_loop3A_380, %parallel_loop3A_373 : f32
      %parallel_loop3A_382 = arith.mulf %parallel_loop3A_381, %parallel_loop3A_379 : f32
      %parallel_loop3A_383 = arith.mulf %parallel_loop3A_382, %parallel_loop3A_379 : f32
      %parallel_loop3A_384 = arith.constant 1.500000e+00 : f32
      %parallel_loop3A_385 = arith.subf %parallel_loop3A_384, %parallel_loop3A_383 : f32
      %parallel_loop3A_386 = arith.mulf %parallel_loop3A_379, %parallel_loop3A_385 : f32
      %parallel_loop3A_387 = arith.mulf %parallel_loop3A_381, %parallel_loop3A_386 : f32
      %parallel_loop3A_388 = arith.mulf %parallel_loop3A_387, %parallel_loop3A_386 : f32
      %parallel_loop3A_389 = arith.constant 1.500000e+00 : f32
      %parallel_loop3A_390 = arith.subf %parallel_loop3A_389, %parallel_loop3A_388 : f32
      %parallel_loop3A_391 = arith.mulf %parallel_loop3A_386, %parallel_loop3A_390 : f32
      %parallel_loop3A_392 = vector.broadcast %parallel_loop3A_391 : f32 to vector<16xf32>
      %parallel_loop3A_393 = vector.broadcast %parallel_loop3A_368 : f32 to vector<16xf32>
      %parallel_loop3A_394 = arith.mulf %parallel_loop3A_392, %get3A_101 : vector<16xf32>
      %parallel_loop3A_395 = arith.mulf %parallel_loop3A_392, %get3A_103 : vector<16xf32>
      %parallel_loop3A_396 = arith.mulf %parallel_loop3A_392, %get3A_105 : vector<16xf32>
      %parallel_loop3A_397 = arith.mulf %parallel_loop3A_392, %get3A_107 : vector<16xf32>
      %parallel_loop3A_398 = arith.mulf %parallel_loop3A_392, %get3A_109 : vector<16xf32>
      %parallel_loop3A_399 = arith.mulf %parallel_loop3A_392, %get3A_111 : vector<16xf32>
      %parallel_loop3A_400 = arith.mulf %parallel_loop3A_392, %get3A_113 : vector<16xf32>
      %parallel_loop3A_401 = arith.mulf %parallel_loop3A_392, %get3A_115 : vector<16xf32>
      %parallel_loop3A_402 = arith.subf %parallel_loop3A_288, %parallel_loop3A_393 : vector<16xf32>
      %parallel_loop3A_403 = arith.mulf %parallel_loop3A_402, %parallel_loop3A_394 : vector<16xf32>
      %parallel_loop3A_404 = arith.addf %parallel_loop3A_403, %get3A_117 : vector<16xf32>
      %parallel_loop3A_405 = arith.index_cast %parallel_loop3A_279 : i32 to index
      %parallel_loop3A_406 = arith.constant 0 : index
      %parallel_loop3A_407 = tpu.vector_load %arg17[%parallel_loop3A_405, %parallel_loop3A_406] {strides = array<i32>} : memref<256x128xf32, #tpu.memory_space<vmem>>, vector<16xf32>,
      tpu.vector_store %arg17[%parallel_loop3A_405, %parallel_loop3A_406], %parallel_loop3A_404 {strides = array<i32>} : memref<256x128xf32, #tpu.memory_space<vmem>>, vector<16xf32>,
      %parallel_loop3A_408 = arith.subf %parallel_loop3A_295, %parallel_loop3A_393 : vector<16xf32>
      %parallel_loop3A_409 = arith.mulf %parallel_loop3A_408, %parallel_loop3A_395 : vector<16xf32>
      %parallel_loop3A_410 = arith.addf %parallel_loop3A_409, %get3A_119 : vector<16xf32>
      %parallel_loop3A_411 = arith.index_cast %parallel_loop3A_279 : i32 to index
      %parallel_loop3A_412 = arith.constant 16 : index
      %parallel_loop3A_413 = tpu.vector_load %arg17[%parallel_loop3A_411, %parallel_loop3A_412] {strides = array<i32>} : memref<256x128xf32, #tpu.memory_space<vmem>>, vector<16xf32>,
      tpu.vector_store %arg17[%parallel_loop3A_411, %parallel_loop3A_412], %parallel_loop3A_410 {strides = array<i32>} : memref<256x128xf32, #tpu.memory_space<vmem>>, vector<16xf32>,
      %parallel_loop3A_414 = arith.subf %parallel_loop3A_302, %parallel_loop3A_393 : vector<16xf32>
      %parallel_loop3A_415 = arith.mulf %parallel_loop3A_414, %parallel_loop3A_396 : vector<16xf32>
      %parallel_loop3A_416 = arith.addf %parallel_loop3A_415, %get3A_121 : vector<16xf32>
      %parallel_loop3A_417 = arith.index_cast %parallel_loop3A_279 : i32 to index
      %parallel_loop3A_418 = arith.constant 32 : index
      %parallel_loop3A_419 = tpu.vector_load %arg17[%parallel_loop3A_417, %parallel_loop3A_418] {strides = array<i32>} : memref<256x128xf32, #tpu.memory_space<vmem>>, vector<16xf32>,
      tpu.vector_store %arg17[%parallel_loop3A_417, %parallel_loop3A_418], %parallel_loop3A_416 {strides = array<i32>} : memref<256x128xf32, #tpu.memory_space<vmem>>, vector<16xf32>,
      %parallel_loop3A_420 = arith.subf %parallel_loop3A_309, %parallel_loop3A_393 : vector<16xf32>
      %parallel_loop3A_421 = arith.mulf %parallel_loop3A_420, %parallel_loop3A_397 : vector<16xf32>
      %parallel_loop3A_422 = arith.addf %parallel_loop3A_421, %get3A_123 : vector<16xf32>
      %parallel_loop3A_423 = arith.index_cast %parallel_loop3A_279 : i32 to index
      %parallel_loop3A_424 = arith.constant 48 : index
      %parallel_loop3A_425 = tpu.vector_load %arg17[%parallel_loop3A_423, %parallel_loop3A_424] {strides = array<i32>} : memref<256x128xf32, #tpu.memory_space<vmem>>, vector<16xf32>,
      tpu.vector_store %arg17[%parallel_loop3A_423, %parallel_loop3A_424], %parallel_loop3A_422 {strides = array<i32>} : memref<256x128xf32, #tpu.memory_space<vmem>>, vector<16xf32>,
      %parallel_loop3A_426 = arith.subf %parallel_loop3A_316, %parallel_loop3A_393 : vector<16xf32>
      %parallel_loop3A_427 = arith.mulf %parallel_loop3A_426, %parallel_loop3A_398 : vector<16xf32>
      %parallel_loop3A_428 = arith.addf %parallel_loop3A_427, %get3A_125 : vector<16xf32>
      %parallel_loop3A_429 = arith.index_cast %parallel_loop3A_279 : i32 to index
      %parallel_loop3A_430 = arith.constant 64 : index
      %parallel_loop3A_431 = tpu.vector_load %arg17[%parallel_loop3A_429, %parallel_loop3A_430] {strides = array<i32>} : memref<256x128xf32, #tpu.memory_space<vmem>>, vector<16xf32>,
      tpu.vector_store %arg17[%parallel_loop3A_429, %parallel_loop3A_430], %parallel_loop3A_428 {strides = array<i32>} : memref<256x128xf32, #tpu.memory_space<vmem>>, vector<16xf32>,
      %parallel_loop3A_432 = arith.subf %parallel_loop3A_323, %parallel_loop3A_393 : vector<16xf32>
      %parallel_loop3A_433 = arith.mulf %parallel_loop3A_432, %parallel_loop3A_399 : vector<16xf32>
      %parallel_loop3A_434 = arith.addf %parallel_loop3A_433, %get3A_127 : vector<16xf32>
      %parallel_loop3A_435 = arith.index_cast %parallel_loop3A_279 : i32 to index
      %parallel_loop3A_436 = arith.constant 80 : index
      %parallel_loop3A_437 = tpu.vector_load %arg17[%parallel_loop3A_435, %parallel_loop3A_436] {strides = array<i32>} : memref<256x128xf32, #tpu.memory_space<vmem>>, vector<16xf32>,
      tpu.vector_store %arg17[%parallel_loop3A_435, %parallel_loop3A_436], %parallel_loop3A_434 {strides = array<i32>} : memref<256x128xf32, #tpu.memory_space<vmem>>, vector<16xf32>,
      %parallel_loop3A_438 = arith.subf %parallel_loop3A_330, %parallel_loop3A_393 : vector<16xf32>
      %parallel_loop3A_439 = arith.mulf %parallel_loop3A_438, %parallel_loop3A_400 : vector<16xf32>
      %parallel_loop3A_440 = arith.addf %parallel_loop3A_439, %get3A_129 : vector<16xf32>
      %parallel_loop3A_441 = arith.index_cast %parallel_loop3A_279 : i32 to index
      %parallel_loop3A_442 = arith.constant 96 : index
      %parallel_loop3A_443 = tpu.vector_load %arg17[%parallel_loop3A_441, %parallel_loop3A_442] {strides = array<i32>} : memref<256x128xf32, #tpu.memory_space<vmem>>, vector<16xf32>,
      tpu.vector_store %arg17[%parallel_loop3A_441, %parallel_loop3A_442], %parallel_loop3A_440 {strides = array<i32>} : memref<256x128xf32, #tpu.memory_space<vmem>>, vector<16xf32>,
      %parallel_loop3A_444 = arith.subf %parallel_loop3A_337, %parallel_loop3A_393 : vector<16xf32>
      %parallel_loop3A_445 = arith.mulf %parallel_loop3A_444, %parallel_loop3A_401 : vector<16xf32>
      %parallel_loop3A_446 = arith.addf %parallel_loop3A_445, %get3A_131 : vector<16xf32>
      %parallel_loop3A_447 = arith.index_cast %parallel_loop3A_279 : i32 to index
      %parallel_loop3A_448 = arith.constant 112 : index
      %parallel_loop3A_449 = tpu.vector_load %arg17[%parallel_loop3A_447, %parallel_loop3A_448] {strides = array<i32>} : memref<256x128xf32, #tpu.memory_space<vmem>>, vector<16xf32>,
      tpu.vector_store %arg17[%parallel_loop3A_447, %parallel_loop3A_448], %parallel_loop3A_446 {strides = array<i32>} : memref<256x128xf32, #tpu.memory_space<vmem>>, vector<16xf32>,
    } {sc.loop_unroll_factor = 2 : i64, sc.parallel_access}
    %dma_start3A_203 = arith.constant 0 : i32
    %dma_start3A_204 = tpu.memref_slice %arg7[%add3A_198, %dma_start3A_203] : memref<32768x128xf32, #tpu.memory_space<hbm>> -> memref<256x128xf32, #tpu.memory_space<hbm>>
    %dma_start3A_205 = arith.constant 0 : i32
    %dma_start3A_206 = tpu.memref_slice %arg7[%add3A_198, %dma_start3A_205] : memref<32768x128xf32, #tpu.memory_space<hbm>> -> memref<256x128xf32, #tpu.memory_space<hbm>>
    tpu.enqueue_dma source(%arg17 : memref<256x128xf32, #tpu.memory_space<vmem>>) target(%dma_start3A_206 : memref<256x128xf32, #tpu.memory_space<hbm>>) target_semaphore(%arg26 : memref<!tpu.dma_semaphore, #tpu.memory_space<semaphore_mem>>)
    %dma_wait3A_207 = arith.constant 0 : i32
    %dma_wait3A_208 = tpu.memref_slice %arg7[%add3A_198, %dma_wait3A_207] : memref<32768x128xf32, #tpu.memory_space<hbm>> -> memref<256x128xf32, #tpu.memory_space<hbm>>
    %dma_wait3A_209 = arith.constant 0 : i32
    %dma_wait3A_210 = tpu.memref_slice %arg7[%add3A_198, %dma_wait3A_209] : memref<32768x128xf32, #tpu.memory_space<hbm>> -> memref<256x128xf32, #tpu.memory_space<hbm>>
    tpu.wait_dma2 semaphore(%arg26 : memref<!tpu.dma_semaphore, #tpu.memory_space<semaphore_mem>>) src(%arg17 : memref<256x128xf32, #tpu.memory_space<vmem>>) dst(%dma_wait3A_210 : memref<256x128xf32, #tpu.memory_space<hbm>>)
    %dma_start3A_211 = arith.constant 0 : i32
    %dma_start3A_212 = arith.constant 0 : i32
    %dma_start3A_213 = tpu.memref_slice %arg17[%dma_start3A_211, %dma_start3A_212] : memref<256x128xf32, #tpu.memory_space<vmem>> -> memref<128x128xf32, #tpu.memory_space<vmem>>
    %dma_start3A_214 = arith.constant 0 : i32
    %dma_start3A_215 = arith.constant 0 : i32
    %dma_start3A_216 = tpu.memref_slice %arg3[%dma_start3A_214, %dma_start3A_215] : memref<100000x128xf32, #tpu.memory_space<hbm>> -> memref<100000x128xf32, #tpu.memory_space<hbm>>
    tpu.enqueue_indirect_dma source(%dma_start3A_216 : memref<100000x128xf32, #tpu.memory_space<hbm>>) target(%dma_start3A_213 : memref<128x128xf32, #tpu.memory_space<vmem>>) offsets(%arg14 : memref<128xi32, #tpu.memory_space<vmem>>) semaphore(%arg22 : memref<!tpu.dma_semaphore, #tpu.memory_space<semaphore_mem>>)
    %dma_start3A_217 = arith.constant 128 : i32
    %dma_start3A_218 = arith.constant 0 : i32
    %dma_start3A_219 = tpu.memref_slice %arg17[%dma_start3A_217, %dma_start3A_218] : memref<256x128xf32, #tpu.memory_space<vmem>> -> memref<128x128xf32, #tpu.memory_space<vmem>>
    %dma_start3A_220 = arith.constant 0 : i32
    %dma_start3A_221 = arith.constant 0 : i32
    %dma_start3A_222 = tpu.memref_slice %arg3[%dma_start3A_220, %dma_start3A_221] : memref<100000x128xf32, #tpu.memory_space<hbm>> -> memref<100000x128xf32, #tpu.memory_space<hbm>>
    tpu.enqueue_indirect_dma source(%dma_start3A_222 : memref<100000x128xf32, #tpu.memory_space<hbm>>) target(%dma_start3A_219 : memref<128x128xf32, #tpu.memory_space<vmem>>) offsets(%arg15 : memref<128xi32, #tpu.memory_space<vmem>>) semaphore(%arg22 : memref<!tpu.dma_semaphore, #tpu.memory_space<semaphore_mem>>)
    %dma_wait3A_223 = arith.constant 0 : i32
    %dma_wait3A_224 = arith.constant 0 : i32
    %dma_wait3A_225 = tpu.memref_slice %arg16[%dma_wait3A_223, %dma_wait3A_224] : memref<256x128xf32, #tpu.memory_space<vmem>> -> memref<128x128xf32, #tpu.memory_space<vmem>>
    %dma_wait3A_226 = arith.constant 0 : i32
    %dma_wait3A_227 = arith.constant 0 : i32
    %dma_wait3A_228 = tpu.memref_slice %arg3[%dma_wait3A_226, %dma_wait3A_227] : memref<100000x128xf32, #tpu.memory_space<hbm>> -> memref<100000x128xf32, #tpu.memory_space<hbm>>
    tpu.wait_indirect_dma semaphore(%arg21 : memref<!tpu.dma_semaphore, #tpu.memory_space<semaphore_mem>>) src(%dma_wait3A_228 : memref<100000x128xf32, #tpu.memory_space<hbm>>) dst(%dma_wait3A_225 : memref<128x128xf32, #tpu.memory_space<vmem>>)
    %dma_wait3A_229 = arith.constant 128 : i32
    %dma_wait3A_230 = arith.constant 0 : i32
    %dma_wait3A_231 = tpu.memref_slice %arg16[%dma_wait3A_229, %dma_wait3A_230] : memref<256x128xf32, #tpu.memory_space<vmem>> -> memref<128x128xf32, #tpu.memory_space<vmem>>
    %dma_wait3A_232 = arith.constant 0 : i32
    %dma_wait3A_233 = arith.constant 0 : i32
    %dma_wait3A_234 = tpu.memref_slice %arg3[%dma_wait3A_232, %dma_wait3A_233] : memref<100000x128xf32, #tpu.memory_space<hbm>> -> memref<100000x128xf32, #tpu.memory_space<hbm>>
    tpu.wait_indirect_dma semaphore(%arg21 : memref<!tpu.dma_semaphore, #tpu.memory_space<semaphore_mem>>) src(%dma_wait3A_234 : memref<100000x128xf32, #tpu.memory_space<hbm>>) dst(%dma_wait3A_231 : memref<128x128xf32, #tpu.memory_space<vmem>>)
    %add3A_235 = arith.constant 16384 : i32
    %add3A_236 = arith.addi %add3A_235, %mul3A_2 : i32
    %add3A_237 = arith.constant 0 : i32
    %add3A_238 = arith.addi %add3A_236, %add3A_237 : i32
    %parallel_loop3A_239 = arith.constant 0 : i32
    %parallel_loop3A_240 = arith.constant 256 : i32
    %parallel_loop3A_241 = arith.constant 1 : i32
    %parallel_loop3A_242 = arith.constant 7.812500e-03 : f32
    scf.for %parallel_loop3A_279 = %parallel_loop3A_239 to %parallel_loop3A_240 step %parallel_loop3A_241  : i32 {
      %parallel_loop3A_280 = arith.constant 0 : i32
      %parallel_loop3A_281 = arith.addi %parallel_loop3A_279, %parallel_loop3A_280 : i32
      %parallel_loop3A_282 = arith.index_cast %parallel_loop3A_279 : i32 to index
      %parallel_loop3A_283 = arith.constant 0 : index
      %parallel_loop3A_284 = tpu.vector_load %arg16[%parallel_loop3A_282, %parallel_loop3A_283] {strides = array<i32>} : memref<256x128xf32, #tpu.memory_space<vmem>>, vector<16xf32>,
      %parallel_loop3A_285 = arith.index_cast %parallel_loop3A_281 : i32 to index
      %parallel_loop3A_286 = arith.constant 0 : index
      %parallel_loop3A_287 = tpu.vector_load %arg18[%parallel_loop3A_285, %parallel_loop3A_286] {strides = array<i32>} : memref<256x128xf32, #tpu.memory_space<vmem>>, vector<16xf32>,
      %parallel_loop3A_288 = arith.addf %parallel_loop3A_284, %parallel_loop3A_287 : vector<16xf32>
      %parallel_loop3A_289 = arith.index_cast %parallel_loop3A_279 : i32 to index
      %parallel_loop3A_290 = arith.constant 16 : index
      %parallel_loop3A_291 = tpu.vector_load %arg16[%parallel_loop3A_289, %parallel_loop3A_290] {strides = array<i32>} : memref<256x128xf32, #tpu.memory_space<vmem>>, vector<16xf32>,
      %parallel_loop3A_292 = arith.index_cast %parallel_loop3A_281 : i32 to index
      %parallel_loop3A_293 = arith.constant 16 : index
      %parallel_loop3A_294 = tpu.vector_load %arg18[%parallel_loop3A_292, %parallel_loop3A_293] {strides = array<i32>} : memref<256x128xf32, #tpu.memory_space<vmem>>, vector<16xf32>,
      %parallel_loop3A_295 = arith.addf %parallel_loop3A_291, %parallel_loop3A_294 : vector<16xf32>
      %parallel_loop3A_296 = arith.index_cast %parallel_loop3A_279 : i32 to index
      %parallel_loop3A_297 = arith.constant 32 : index
      %parallel_loop3A_298 = tpu.vector_load %arg16[%parallel_loop3A_296, %parallel_loop3A_297] {strides = array<i32>} : memref<256x128xf32, #tpu.memory_space<vmem>>, vector<16xf32>,
      %parallel_loop3A_299 = arith.index_cast %parallel_loop3A_281 : i32 to index
      %parallel_loop3A_300 = arith.constant 32 : index
      %parallel_loop3A_301 = tpu.vector_load %arg18[%parallel_loop3A_299, %parallel_loop3A_300] {strides = array<i32>} : memref<256x128xf32, #tpu.memory_space<vmem>>, vector<16xf32>,
      %parallel_loop3A_302 = arith.addf %parallel_loop3A_298, %parallel_loop3A_301 : vector<16xf32>
      %parallel_loop3A_303 = arith.index_cast %parallel_loop3A_279 : i32 to index
      %parallel_loop3A_304 = arith.constant 48 : index
      %parallel_loop3A_305 = tpu.vector_load %arg16[%parallel_loop3A_303, %parallel_loop3A_304] {strides = array<i32>} : memref<256x128xf32, #tpu.memory_space<vmem>>, vector<16xf32>,
      %parallel_loop3A_306 = arith.index_cast %parallel_loop3A_281 : i32 to index
      %parallel_loop3A_307 = arith.constant 48 : index
      %parallel_loop3A_308 = tpu.vector_load %arg18[%parallel_loop3A_306, %parallel_loop3A_307] {strides = array<i32>} : memref<256x128xf32, #tpu.memory_space<vmem>>, vector<16xf32>,
      %parallel_loop3A_309 = arith.addf %parallel_loop3A_305, %parallel_loop3A_308 : vector<16xf32>
      %parallel_loop3A_310 = arith.index_cast %parallel_loop3A_279 : i32 to index
      %parallel_loop3A_311 = arith.constant 64 : index
      %parallel_loop3A_312 = tpu.vector_load %arg16[%parallel_loop3A_310, %parallel_loop3A_311] {strides = array<i32>} : memref<256x128xf32, #tpu.memory_space<vmem>>, vector<16xf32>,
      %parallel_loop3A_313 = arith.index_cast %parallel_loop3A_281 : i32 to index
      %parallel_loop3A_314 = arith.constant 64 : index
      %parallel_loop3A_315 = tpu.vector_load %arg18[%parallel_loop3A_313, %parallel_loop3A_314] {strides = array<i32>} : memref<256x128xf32, #tpu.memory_space<vmem>>, vector<16xf32>,
      %parallel_loop3A_316 = arith.addf %parallel_loop3A_312, %parallel_loop3A_315 : vector<16xf32>
      %parallel_loop3A_317 = arith.index_cast %parallel_loop3A_279 : i32 to index
      %parallel_loop3A_318 = arith.constant 80 : index
      %parallel_loop3A_319 = tpu.vector_load %arg16[%parallel_loop3A_317, %parallel_loop3A_318] {strides = array<i32>} : memref<256x128xf32, #tpu.memory_space<vmem>>, vector<16xf32>,
      %parallel_loop3A_320 = arith.index_cast %parallel_loop3A_281 : i32 to index
      %parallel_loop3A_321 = arith.constant 80 : index
      %parallel_loop3A_322 = tpu.vector_load %arg18[%parallel_loop3A_320, %parallel_loop3A_321] {strides = array<i32>} : memref<256x128xf32, #tpu.memory_space<vmem>>, vector<16xf32>,
      %parallel_loop3A_323 = arith.addf %parallel_loop3A_319, %parallel_loop3A_322 : vector<16xf32>
      %parallel_loop3A_324 = arith.index_cast %parallel_loop3A_279 : i32 to index
      %parallel_loop3A_325 = arith.constant 96 : index
      %parallel_loop3A_326 = tpu.vector_load %arg16[%parallel_loop3A_324, %parallel_loop3A_325] {strides = array<i32>} : memref<256x128xf32, #tpu.memory_space<vmem>>, vector<16xf32>,
      %parallel_loop3A_327 = arith.index_cast %parallel_loop3A_281 : i32 to index
      %parallel_loop3A_328 = arith.constant 96 : index
      %parallel_loop3A_329 = tpu.vector_load %arg18[%parallel_loop3A_327, %parallel_loop3A_328] {strides = array<i32>} : memref<256x128xf32, #tpu.memory_space<vmem>>, vector<16xf32>,
      %parallel_loop3A_330 = arith.addf %parallel_loop3A_326, %parallel_loop3A_329 : vector<16xf32>
      %parallel_loop3A_331 = arith.index_cast %parallel_loop3A_279 : i32 to index
      %parallel_loop3A_332 = arith.constant 112 : index
      %parallel_loop3A_333 = tpu.vector_load %arg16[%parallel_loop3A_331, %parallel_loop3A_332] {strides = array<i32>} : memref<256x128xf32, #tpu.memory_space<vmem>>, vector<16xf32>,
      %parallel_loop3A_334 = arith.index_cast %parallel_loop3A_281 : i32 to index
      %parallel_loop3A_335 = arith.constant 112 : index
      %parallel_loop3A_336 = tpu.vector_load %arg18[%parallel_loop3A_334, %parallel_loop3A_335] {strides = array<i32>} : memref<256x128xf32, #tpu.memory_space<vmem>>, vector<16xf32>,
      %parallel_loop3A_337 = arith.addf %parallel_loop3A_333, %parallel_loop3A_336 : vector<16xf32>
      %parallel_loop3A_338 = arith.addf %parallel_loop3A_288, %parallel_loop3A_295 : vector<16xf32>
      %parallel_loop3A_339 = arith.addf %parallel_loop3A_302, %parallel_loop3A_309 : vector<16xf32>
      %parallel_loop3A_340 = arith.addf %parallel_loop3A_316, %parallel_loop3A_323 : vector<16xf32>
      %parallel_loop3A_341 = arith.addf %parallel_loop3A_330, %parallel_loop3A_337 : vector<16xf32>
      %parallel_loop3A_342 = arith.addf %parallel_loop3A_338, %parallel_loop3A_339 : vector<16xf32>
      %parallel_loop3A_343 = arith.addf %parallel_loop3A_340, %parallel_loop3A_341 : vector<16xf32>
      %parallel_loop3A_344 = arith.addf %parallel_loop3A_342, %parallel_loop3A_343 : vector<16xf32>
      %parallel_loop3A_345 = arith.constant true
      %parallel_loop3A_346 = vector.broadcast %parallel_loop3A_345 : i1 to vector<16xi1>
      %parallel_loop3A_347 = tpu.scan <sum>, %parallel_loop3A_344 masked %parallel_loop3A_346 : vector<16xf32>, vector<16xi1> -> vector<16xf32>
      %parallel_loop3A_348 = vector.extract %parallel_loop3A_347[15] : f32 from vector<16xf32>
      %parallel_loop3A_349 = arith.mulf %parallel_loop3A_288, %parallel_loop3A_288 : vector<16xf32>
      %parallel_loop3A_350 = arith.mulf %parallel_loop3A_295, %parallel_loop3A_295 : vector<16xf32>
      %parallel_loop3A_351 = arith.addf %parallel_loop3A_349, %parallel_loop3A_350 : vector<16xf32>
      %parallel_loop3A_352 = arith.mulf %parallel_loop3A_302, %parallel_loop3A_302 : vector<16xf32>
      %parallel_loop3A_353 = arith.addf %parallel_loop3A_351, %parallel_loop3A_352 : vector<16xf32>
      %parallel_loop3A_354 = arith.mulf %parallel_loop3A_309, %parallel_loop3A_309 : vector<16xf32>
      %parallel_loop3A_355 = arith.addf %parallel_loop3A_353, %parallel_loop3A_354 : vector<16xf32>
      %parallel_loop3A_356 = arith.mulf %parallel_loop3A_316, %parallel_loop3A_316 : vector<16xf32>
      %parallel_loop3A_357 = arith.addf %parallel_loop3A_355, %parallel_loop3A_356 : vector<16xf32>
      %parallel_loop3A_358 = arith.mulf %parallel_loop3A_323, %parallel_loop3A_323 : vector<16xf32>
      %parallel_loop3A_359 = arith.addf %parallel_loop3A_357, %parallel_loop3A_358 : vector<16xf32>
      %parallel_loop3A_360 = arith.mulf %parallel_loop3A_330, %parallel_loop3A_330 : vector<16xf32>
      %parallel_loop3A_361 = arith.addf %parallel_loop3A_359, %parallel_loop3A_360 : vector<16xf32>
      %parallel_loop3A_362 = arith.mulf %parallel_loop3A_337, %parallel_loop3A_337 : vector<16xf32>
      %parallel_loop3A_363 = arith.addf %parallel_loop3A_361, %parallel_loop3A_362 : vector<16xf32>
      %parallel_loop3A_364 = arith.constant true
      %parallel_loop3A_365 = vector.broadcast %parallel_loop3A_364 : i1 to vector<16xi1>
      %parallel_loop3A_366 = tpu.scan <sum>, %parallel_loop3A_363 masked %parallel_loop3A_365 : vector<16xf32>, vector<16xi1> -> vector<16xf32>
      %parallel_loop3A_367 = vector.extract %parallel_loop3A_366[15] : f32 from vector<16xf32>
      %parallel_loop3A_368 = arith.mulf %parallel_loop3A_348, %parallel_loop3A_242 : f32
      %parallel_loop3A_369 = arith.mulf %parallel_loop3A_367, %parallel_loop3A_242 : f32
      %parallel_loop3A_370 = arith.mulf %parallel_loop3A_368, %parallel_loop3A_368 : f32
      %parallel_loop3A_371 = arith.subf %parallel_loop3A_369, %parallel_loop3A_370 : f32
      %parallel_loop3A_372 = arith.constant 9.99999996E-13 : f32
      %parallel_loop3A_373 = arith.addf %parallel_loop3A_371, %parallel_loop3A_372 : f32
      %parallel_loop3A_374 = arith.bitcast %parallel_loop3A_373 : f32 to i32
      %parallel_loop3A_375 = arith.constant 1 : i32
      %parallel_loop3A_376 = arith.shrsi %parallel_loop3A_374, %parallel_loop3A_375 : i32
      %parallel_loop3A_377 = arith.constant 1597463007 : i32
      %parallel_loop3A_378 = arith.subi %parallel_loop3A_377, %parallel_loop3A_376 : i32
      %parallel_loop3A_379 = arith.bitcast %parallel_loop3A_378 : i32 to f32
      %parallel_loop3A_380 = arith.constant 5.000000e-01 : f32
      %parallel_loop3A_381 = arith.mulf %parallel_loop3A_380, %parallel_loop3A_373 : f32
      %parallel_loop3A_382 = arith.mulf %parallel_loop3A_381, %parallel_loop3A_379 : f32
      %parallel_loop3A_383 = arith.mulf %parallel_loop3A_382, %parallel_loop3A_379 : f32
      %parallel_loop3A_384 = arith.constant 1.500000e+00 : f32
      %parallel_loop3A_385 = arith.subf %parallel_loop3A_384, %parallel_loop3A_383 : f32
      %parallel_loop3A_386 = arith.mulf %parallel_loop3A_379, %parallel_loop3A_385 : f32
      %parallel_loop3A_387 = arith.mulf %parallel_loop3A_381, %parallel_loop3A_386 : f32
      %parallel_loop3A_388 = arith.mulf %parallel_loop3A_387, %parallel_loop3A_386 : f32
      %parallel_loop3A_389 = arith.constant 1.500000e+00 : f32
      %parallel_loop3A_390 = arith.subf %parallel_loop3A_389, %parallel_loop3A_388 : f32
      %parallel_loop3A_391 = arith.mulf %parallel_loop3A_386, %parallel_loop3A_390 : f32
      %parallel_loop3A_392 = vector.broadcast %parallel_loop3A_391 : f32 to vector<16xf32>
      %parallel_loop3A_393 = vector.broadcast %parallel_loop3A_368 : f32 to vector<16xf32>
      %parallel_loop3A_394 = arith.mulf %parallel_loop3A_392, %get3A_101 : vector<16xf32>
      %parallel_loop3A_395 = arith.mulf %parallel_loop3A_392, %get3A_103 : vector<16xf32>
      %parallel_loop3A_396 = arith.mulf %parallel_loop3A_392, %get3A_105 : vector<16xf32>
      %parallel_loop3A_397 = arith.mulf %parallel_loop3A_392, %get3A_107 : vector<16xf32>
      %parallel_loop3A_398 = arith.mulf %parallel_loop3A_392, %get3A_109 : vector<16xf32>
      %parallel_loop3A_399 = arith.mulf %parallel_loop3A_392, %get3A_111 : vector<16xf32>
      %parallel_loop3A_400 = arith.mulf %parallel_loop3A_392, %get3A_113 : vector<16xf32>
      %parallel_loop3A_401 = arith.mulf %parallel_loop3A_392, %get3A_115 : vector<16xf32>
      %parallel_loop3A_402 = arith.subf %parallel_loop3A_288, %parallel_loop3A_393 : vector<16xf32>
      %parallel_loop3A_403 = arith.mulf %parallel_loop3A_402, %parallel_loop3A_394 : vector<16xf32>
      %parallel_loop3A_404 = arith.addf %parallel_loop3A_403, %get3A_117 : vector<16xf32>
      %parallel_loop3A_405 = arith.index_cast %parallel_loop3A_279 : i32 to index
      %parallel_loop3A_406 = arith.constant 0 : index
      %parallel_loop3A_407 = tpu.vector_load %arg16[%parallel_loop3A_405, %parallel_loop3A_406] {strides = array<i32>} : memref<256x128xf32, #tpu.memory_space<vmem>>, vector<16xf32>,
      tpu.vector_store %arg16[%parallel_loop3A_405, %parallel_loop3A_406], %parallel_loop3A_404 {strides = array<i32>} : memref<256x128xf32, #tpu.memory_space<vmem>>, vector<16xf32>,
      %parallel_loop3A_408 = arith.subf %parallel_loop3A_295, %parallel_loop3A_393 : vector<16xf32>
      %parallel_loop3A_409 = arith.mulf %parallel_loop3A_408, %parallel_loop3A_395 : vector<16xf32>
      %parallel_loop3A_410 = arith.addf %parallel_loop3A_409, %get3A_119 : vector<16xf32>
      %parallel_loop3A_411 = arith.index_cast %parallel_loop3A_279 : i32 to index
      %parallel_loop3A_412 = arith.constant 16 : index
      %parallel_loop3A_413 = tpu.vector_load %arg16[%parallel_loop3A_411, %parallel_loop3A_412] {strides = array<i32>} : memref<256x128xf32, #tpu.memory_space<vmem>>, vector<16xf32>,
      tpu.vector_store %arg16[%parallel_loop3A_411, %parallel_loop3A_412], %parallel_loop3A_410 {strides = array<i32>} : memref<256x128xf32, #tpu.memory_space<vmem>>, vector<16xf32>,
      %parallel_loop3A_414 = arith.subf %parallel_loop3A_302, %parallel_loop3A_393 : vector<16xf32>
      %parallel_loop3A_415 = arith.mulf %parallel_loop3A_414, %parallel_loop3A_396 : vector<16xf32>
      %parallel_loop3A_416 = arith.addf %parallel_loop3A_415, %get3A_121 : vector<16xf32>
      %parallel_loop3A_417 = arith.index_cast %parallel_loop3A_279 : i32 to index
      %parallel_loop3A_418 = arith.constant 32 : index
      %parallel_loop3A_419 = tpu.vector_load %arg16[%parallel_loop3A_417, %parallel_loop3A_418] {strides = array<i32>} : memref<256x128xf32, #tpu.memory_space<vmem>>, vector<16xf32>,
      tpu.vector_store %arg16[%parallel_loop3A_417, %parallel_loop3A_418], %parallel_loop3A_416 {strides = array<i32>} : memref<256x128xf32, #tpu.memory_space<vmem>>, vector<16xf32>,
      %parallel_loop3A_420 = arith.subf %parallel_loop3A_309, %parallel_loop3A_393 : vector<16xf32>
      %parallel_loop3A_421 = arith.mulf %parallel_loop3A_420, %parallel_loop3A_397 : vector<16xf32>
      %parallel_loop3A_422 = arith.addf %parallel_loop3A_421, %get3A_123 : vector<16xf32>
      %parallel_loop3A_423 = arith.index_cast %parallel_loop3A_279 : i32 to index
      %parallel_loop3A_424 = arith.constant 48 : index
      %parallel_loop3A_425 = tpu.vector_load %arg16[%parallel_loop3A_423, %parallel_loop3A_424] {strides = array<i32>} : memref<256x128xf32, #tpu.memory_space<vmem>>, vector<16xf32>,
      tpu.vector_store %arg16[%parallel_loop3A_423, %parallel_loop3A_424], %parallel_loop3A_422 {strides = array<i32>} : memref<256x128xf32, #tpu.memory_space<vmem>>, vector<16xf32>,
      %parallel_loop3A_426 = arith.subf %parallel_loop3A_316, %parallel_loop3A_393 : vector<16xf32>
      %parallel_loop3A_427 = arith.mulf %parallel_loop3A_426, %parallel_loop3A_398 : vector<16xf32>
      %parallel_loop3A_428 = arith.addf %parallel_loop3A_427, %get3A_125 : vector<16xf32>
      %parallel_loop3A_429 = arith.index_cast %parallel_loop3A_279 : i32 to index
      %parallel_loop3A_430 = arith.constant 64 : index
      %parallel_loop3A_431 = tpu.vector_load %arg16[%parallel_loop3A_429, %parallel_loop3A_430] {strides = array<i32>} : memref<256x128xf32, #tpu.memory_space<vmem>>, vector<16xf32>,
      tpu.vector_store %arg16[%parallel_loop3A_429, %parallel_loop3A_430], %parallel_loop3A_428 {strides = array<i32>} : memref<256x128xf32, #tpu.memory_space<vmem>>, vector<16xf32>,
      %parallel_loop3A_432 = arith.subf %parallel_loop3A_323, %parallel_loop3A_393 : vector<16xf32>
      %parallel_loop3A_433 = arith.mulf %parallel_loop3A_432, %parallel_loop3A_399 : vector<16xf32>
      %parallel_loop3A_434 = arith.addf %parallel_loop3A_433, %get3A_127 : vector<16xf32>
      %parallel_loop3A_435 = arith.index_cast %parallel_loop3A_279 : i32 to index
      %parallel_loop3A_436 = arith.constant 80 : index
      %parallel_loop3A_437 = tpu.vector_load %arg16[%parallel_loop3A_435, %parallel_loop3A_436] {strides = array<i32>} : memref<256x128xf32, #tpu.memory_space<vmem>>, vector<16xf32>,
      tpu.vector_store %arg16[%parallel_loop3A_435, %parallel_loop3A_436], %parallel_loop3A_434 {strides = array<i32>} : memref<256x128xf32, #tpu.memory_space<vmem>>, vector<16xf32>,
      %parallel_loop3A_438 = arith.subf %parallel_loop3A_330, %parallel_loop3A_393 : vector<16xf32>
      %parallel_loop3A_439 = arith.mulf %parallel_loop3A_438, %parallel_loop3A_400 : vector<16xf32>
      %parallel_loop3A_440 = arith.addf %parallel_loop3A_439, %get3A_129 : vector<16xf32>
      %parallel_loop3A_441 = arith.index_cast %parallel_loop3A_279 : i32 to index
      %parallel_loop3A_442 = arith.constant 96 : index
      %parallel_loop3A_443 = tpu.vector_load %arg16[%parallel_loop3A_441, %parallel_loop3A_442] {strides = array<i32>} : memref<256x128xf32, #tpu.memory_space<vmem>>, vector<16xf32>,
      tpu.vector_store %arg16[%parallel_loop3A_441, %parallel_loop3A_442], %parallel_loop3A_440 {strides = array<i32>} : memref<256x128xf32, #tpu.memory_space<vmem>>, vector<16xf32>,
      %parallel_loop3A_444 = arith.subf %parallel_loop3A_337, %parallel_loop3A_393 : vector<16xf32>
      %parallel_loop3A_445 = arith.mulf %parallel_loop3A_444, %parallel_loop3A_401 : vector<16xf32>
      %parallel_loop3A_446 = arith.addf %parallel_loop3A_445, %get3A_131 : vector<16xf32>
      %parallel_loop3A_447 = arith.index_cast %parallel_loop3A_279 : i32 to index
      %parallel_loop3A_448 = arith.constant 112 : index
      %parallel_loop3A_449 = tpu.vector_load %arg16[%parallel_loop3A_447, %parallel_loop3A_448] {strides = array<i32>} : memref<256x128xf32, #tpu.memory_space<vmem>>, vector<16xf32>,
      tpu.vector_store %arg16[%parallel_loop3A_447, %parallel_loop3A_448], %parallel_loop3A_446 {strides = array<i32>} : memref<256x128xf32, #tpu.memory_space<vmem>>, vector<16xf32>,
    } {sc.loop_unroll_factor = 2 : i64, sc.parallel_access}
    %dma_start3A_243 = arith.constant 0 : i32
    %dma_start3A_244 = tpu.memref_slice %arg7[%add3A_238, %dma_start3A_243] : memref<32768x128xf32, #tpu.memory_space<hbm>> -> memref<256x128xf32, #tpu.memory_space<hbm>>
    %dma_start3A_245 = arith.constant 0 : i32
    %dma_start3A_246 = tpu.memref_slice %arg7[%add3A_238, %dma_start3A_245] : memref<32768x128xf32, #tpu.memory_space<hbm>> -> memref<256x128xf32, #tpu.memory_space<hbm>>
    tpu.enqueue_dma source(%arg16 : memref<256x128xf32, #tpu.memory_space<vmem>>) target(%dma_start3A_246 : memref<256x128xf32, #tpu.memory_space<hbm>>) target_semaphore(%arg25 : memref<!tpu.dma_semaphore, #tpu.memory_space<semaphore_mem>>)
    %dma_wait3A_247 = arith.constant 0 : i32
    %dma_wait3A_248 = arith.constant 0 : i32
    %dma_wait3A_249 = tpu.memref_slice %arg17[%dma_wait3A_247, %dma_wait3A_248] : memref<256x128xf32, #tpu.memory_space<vmem>> -> memref<128x128xf32, #tpu.memory_space<vmem>>
    %dma_wait3A_250 = arith.constant 0 : i32
    %dma_wait3A_251 = arith.constant 0 : i32
    %dma_wait3A_252 = tpu.memref_slice %arg3[%dma_wait3A_250, %dma_wait3A_251] : memref<100000x128xf32, #tpu.memory_space<hbm>> -> memref<100000x128xf32, #tpu.memory_space<hbm>>
    tpu.wait_indirect_dma semaphore(%arg22 : memref<!tpu.dma_semaphore, #tpu.memory_space<semaphore_mem>>) src(%dma_wait3A_252 : memref<100000x128xf32, #tpu.memory_space<hbm>>) dst(%dma_wait3A_249 : memref<128x128xf32, #tpu.memory_space<vmem>>)
    %dma_wait3A_253 = arith.constant 128 : i32
    %dma_wait3A_254 = arith.constant 0 : i32
    %dma_wait3A_255 = tpu.memref_slice %arg17[%dma_wait3A_253, %dma_wait3A_254] : memref<256x128xf32, #tpu.memory_space<vmem>> -> memref<128x128xf32, #tpu.memory_space<vmem>>
    %dma_wait3A_256 = arith.constant 0 : i32
    %dma_wait3A_257 = arith.constant 0 : i32
    %dma_wait3A_258 = tpu.memref_slice %arg3[%dma_wait3A_256, %dma_wait3A_257] : memref<100000x128xf32, #tpu.memory_space<hbm>> -> memref<100000x128xf32, #tpu.memory_space<hbm>>
    tpu.wait_indirect_dma semaphore(%arg22 : memref<!tpu.dma_semaphore, #tpu.memory_space<semaphore_mem>>) src(%dma_wait3A_258 : memref<100000x128xf32, #tpu.memory_space<hbm>>) dst(%dma_wait3A_255 : memref<128x128xf32, #tpu.memory_space<vmem>>)
    %add3A_259 = arith.constant 24576 : i32
    %add3A_260 = arith.addi %add3A_259, %mul3A_2 : i32
    %add3A_261 = arith.constant 0 : i32
    %add3A_262 = arith.addi %add3A_260, %add3A_261 : i32
    %parallel_loop3A_263 = arith.constant 0 : i32
    %parallel_loop3A_264 = arith.constant 256 : i32
    %parallel_loop3A_265 = arith.constant 1 : i32
    %parallel_loop3A_266 = arith.constant 7.812500e-03 : f32
    scf.for %parallel_loop3A_279 = %parallel_loop3A_263 to %parallel_loop3A_264 step %parallel_loop3A_265  : i32 {
      %parallel_loop3A_280 = arith.constant 0 : i32
      %parallel_loop3A_281 = arith.addi %parallel_loop3A_279, %parallel_loop3A_280 : i32
      %parallel_loop3A_282 = arith.index_cast %parallel_loop3A_279 : i32 to index
      %parallel_loop3A_283 = arith.constant 0 : index
      %parallel_loop3A_284 = tpu.vector_load %arg17[%parallel_loop3A_282, %parallel_loop3A_283] {strides = array<i32>} : memref<256x128xf32, #tpu.memory_space<vmem>>, vector<16xf32>,
      %parallel_loop3A_285 = arith.index_cast %parallel_loop3A_281 : i32 to index
      %parallel_loop3A_286 = arith.constant 0 : index
      %parallel_loop3A_287 = tpu.vector_load %arg18[%parallel_loop3A_285, %parallel_loop3A_286] {strides = array<i32>} : memref<256x128xf32, #tpu.memory_space<vmem>>, vector<16xf32>,
      %parallel_loop3A_288 = arith.addf %parallel_loop3A_284, %parallel_loop3A_287 : vector<16xf32>
      %parallel_loop3A_289 = arith.index_cast %parallel_loop3A_279 : i32 to index
      %parallel_loop3A_290 = arith.constant 16 : index
      %parallel_loop3A_291 = tpu.vector_load %arg17[%parallel_loop3A_289, %parallel_loop3A_290] {strides = array<i32>} : memref<256x128xf32, #tpu.memory_space<vmem>>, vector<16xf32>,
      %parallel_loop3A_292 = arith.index_cast %parallel_loop3A_281 : i32 to index
      %parallel_loop3A_293 = arith.constant 16 : index
      %parallel_loop3A_294 = tpu.vector_load %arg18[%parallel_loop3A_292, %parallel_loop3A_293] {strides = array<i32>} : memref<256x128xf32, #tpu.memory_space<vmem>>, vector<16xf32>,
      %parallel_loop3A_295 = arith.addf %parallel_loop3A_291, %parallel_loop3A_294 : vector<16xf32>
      %parallel_loop3A_296 = arith.index_cast %parallel_loop3A_279 : i32 to index
      %parallel_loop3A_297 = arith.constant 32 : index
      %parallel_loop3A_298 = tpu.vector_load %arg17[%parallel_loop3A_296, %parallel_loop3A_297] {strides = array<i32>} : memref<256x128xf32, #tpu.memory_space<vmem>>, vector<16xf32>,
      %parallel_loop3A_299 = arith.index_cast %parallel_loop3A_281 : i32 to index
      %parallel_loop3A_300 = arith.constant 32 : index
      %parallel_loop3A_301 = tpu.vector_load %arg18[%parallel_loop3A_299, %parallel_loop3A_300] {strides = array<i32>} : memref<256x128xf32, #tpu.memory_space<vmem>>, vector<16xf32>,
      %parallel_loop3A_302 = arith.addf %parallel_loop3A_298, %parallel_loop3A_301 : vector<16xf32>
      %parallel_loop3A_303 = arith.index_cast %parallel_loop3A_279 : i32 to index
      %parallel_loop3A_304 = arith.constant 48 : index
      %parallel_loop3A_305 = tpu.vector_load %arg17[%parallel_loop3A_303, %parallel_loop3A_304] {strides = array<i32>} : memref<256x128xf32, #tpu.memory_space<vmem>>, vector<16xf32>,
      %parallel_loop3A_306 = arith.index_cast %parallel_loop3A_281 : i32 to index
      %parallel_loop3A_307 = arith.constant 48 : index
      %parallel_loop3A_308 = tpu.vector_load %arg18[%parallel_loop3A_306, %parallel_loop3A_307] {strides = array<i32>} : memref<256x128xf32, #tpu.memory_space<vmem>>, vector<16xf32>,
      %parallel_loop3A_309 = arith.addf %parallel_loop3A_305, %parallel_loop3A_308 : vector<16xf32>
      %parallel_loop3A_310 = arith.index_cast %parallel_loop3A_279 : i32 to index
      %parallel_loop3A_311 = arith.constant 64 : index
      %parallel_loop3A_312 = tpu.vector_load %arg17[%parallel_loop3A_310, %parallel_loop3A_311] {strides = array<i32>} : memref<256x128xf32, #tpu.memory_space<vmem>>, vector<16xf32>,
      %parallel_loop3A_313 = arith.index_cast %parallel_loop3A_281 : i32 to index
      %parallel_loop3A_314 = arith.constant 64 : index
      %parallel_loop3A_315 = tpu.vector_load %arg18[%parallel_loop3A_313, %parallel_loop3A_314] {strides = array<i32>} : memref<256x128xf32, #tpu.memory_space<vmem>>, vector<16xf32>,
      %parallel_loop3A_316 = arith.addf %parallel_loop3A_312, %parallel_loop3A_315 : vector<16xf32>
      %parallel_loop3A_317 = arith.index_cast %parallel_loop3A_279 : i32 to index
      %parallel_loop3A_318 = arith.constant 80 : index
      %parallel_loop3A_319 = tpu.vector_load %arg17[%parallel_loop3A_317, %parallel_loop3A_318] {strides = array<i32>} : memref<256x128xf32, #tpu.memory_space<vmem>>, vector<16xf32>,
      %parallel_loop3A_320 = arith.index_cast %parallel_loop3A_281 : i32 to index
      %parallel_loop3A_321 = arith.constant 80 : index
      %parallel_loop3A_322 = tpu.vector_load %arg18[%parallel_loop3A_320, %parallel_loop3A_321] {strides = array<i32>} : memref<256x128xf32, #tpu.memory_space<vmem>>, vector<16xf32>,
      %parallel_loop3A_323 = arith.addf %parallel_loop3A_319, %parallel_loop3A_322 : vector<16xf32>
      %parallel_loop3A_324 = arith.index_cast %parallel_loop3A_279 : i32 to index
      %parallel_loop3A_325 = arith.constant 96 : index
      %parallel_loop3A_326 = tpu.vector_load %arg17[%parallel_loop3A_324, %parallel_loop3A_325] {strides = array<i32>} : memref<256x128xf32, #tpu.memory_space<vmem>>, vector<16xf32>,
      %parallel_loop3A_327 = arith.index_cast %parallel_loop3A_281 : i32 to index
      %parallel_loop3A_328 = arith.constant 96 : index
      %parallel_loop3A_329 = tpu.vector_load %arg18[%parallel_loop3A_327, %parallel_loop3A_328] {strides = array<i32>} : memref<256x128xf32, #tpu.memory_space<vmem>>, vector<16xf32>,
      %parallel_loop3A_330 = arith.addf %parallel_loop3A_326, %parallel_loop3A_329 : vector<16xf32>
      %parallel_loop3A_331 = arith.index_cast %parallel_loop3A_279 : i32 to index
      %parallel_loop3A_332 = arith.constant 112 : index
      %parallel_loop3A_333 = tpu.vector_load %arg17[%parallel_loop3A_331, %parallel_loop3A_332] {strides = array<i32>} : memref<256x128xf32, #tpu.memory_space<vmem>>, vector<16xf32>,
      %parallel_loop3A_334 = arith.index_cast %parallel_loop3A_281 : i32 to index
      %parallel_loop3A_335 = arith.constant 112 : index
      %parallel_loop3A_336 = tpu.vector_load %arg18[%parallel_loop3A_334, %parallel_loop3A_335] {strides = array<i32>} : memref<256x128xf32, #tpu.memory_space<vmem>>, vector<16xf32>,
      %parallel_loop3A_337 = arith.addf %parallel_loop3A_333, %parallel_loop3A_336 : vector<16xf32>
      %parallel_loop3A_338 = arith.addf %parallel_loop3A_288, %parallel_loop3A_295 : vector<16xf32>
      %parallel_loop3A_339 = arith.addf %parallel_loop3A_302, %parallel_loop3A_309 : vector<16xf32>
      %parallel_loop3A_340 = arith.addf %parallel_loop3A_316, %parallel_loop3A_323 : vector<16xf32>
      %parallel_loop3A_341 = arith.addf %parallel_loop3A_330, %parallel_loop3A_337 : vector<16xf32>
      %parallel_loop3A_342 = arith.addf %parallel_loop3A_338, %parallel_loop3A_339 : vector<16xf32>
      %parallel_loop3A_343 = arith.addf %parallel_loop3A_340, %parallel_loop3A_341 : vector<16xf32>
      %parallel_loop3A_344 = arith.addf %parallel_loop3A_342, %parallel_loop3A_343 : vector<16xf32>
      %parallel_loop3A_345 = arith.constant true
      %parallel_loop3A_346 = vector.broadcast %parallel_loop3A_345 : i1 to vector<16xi1>
      %parallel_loop3A_347 = tpu.scan <sum>, %parallel_loop3A_344 masked %parallel_loop3A_346 : vector<16xf32>, vector<16xi1> -> vector<16xf32>
      %parallel_loop3A_348 = vector.extract %parallel_loop3A_347[15] : f32 from vector<16xf32>
      %parallel_loop3A_349 = arith.mulf %parallel_loop3A_288, %parallel_loop3A_288 : vector<16xf32>
      %parallel_loop3A_350 = arith.mulf %parallel_loop3A_295, %parallel_loop3A_295 : vector<16xf32>
      %parallel_loop3A_351 = arith.addf %parallel_loop3A_349, %parallel_loop3A_350 : vector<16xf32>
      %parallel_loop3A_352 = arith.mulf %parallel_loop3A_302, %parallel_loop3A_302 : vector<16xf32>
      %parallel_loop3A_353 = arith.addf %parallel_loop3A_351, %parallel_loop3A_352 : vector<16xf32>
      %parallel_loop3A_354 = arith.mulf %parallel_loop3A_309, %parallel_loop3A_309 : vector<16xf32>
      %parallel_loop3A_355 = arith.addf %parallel_loop3A_353, %parallel_loop3A_354 : vector<16xf32>
      %parallel_loop3A_356 = arith.mulf %parallel_loop3A_316, %parallel_loop3A_316 : vector<16xf32>
      %parallel_loop3A_357 = arith.addf %parallel_loop3A_355, %parallel_loop3A_356 : vector<16xf32>
      %parallel_loop3A_358 = arith.mulf %parallel_loop3A_323, %parallel_loop3A_323 : vector<16xf32>
      %parallel_loop3A_359 = arith.addf %parallel_loop3A_357, %parallel_loop3A_358 : vector<16xf32>
      %parallel_loop3A_360 = arith.mulf %parallel_loop3A_330, %parallel_loop3A_330 : vector<16xf32>
      %parallel_loop3A_361 = arith.addf %parallel_loop3A_359, %parallel_loop3A_360 : vector<16xf32>
      %parallel_loop3A_362 = arith.mulf %parallel_loop3A_337, %parallel_loop3A_337 : vector<16xf32>
      %parallel_loop3A_363 = arith.addf %parallel_loop3A_361, %parallel_loop3A_362 : vector<16xf32>
      %parallel_loop3A_364 = arith.constant true
      %parallel_loop3A_365 = vector.broadcast %parallel_loop3A_364 : i1 to vector<16xi1>
      %parallel_loop3A_366 = tpu.scan <sum>, %parallel_loop3A_363 masked %parallel_loop3A_365 : vector<16xf32>, vector<16xi1> -> vector<16xf32>
      %parallel_loop3A_367 = vector.extract %parallel_loop3A_366[15] : f32 from vector<16xf32>
      %parallel_loop3A_368 = arith.mulf %parallel_loop3A_348, %parallel_loop3A_266 : f32
      %parallel_loop3A_369 = arith.mulf %parallel_loop3A_367, %parallel_loop3A_266 : f32
      %parallel_loop3A_370 = arith.mulf %parallel_loop3A_368, %parallel_loop3A_368 : f32
      %parallel_loop3A_371 = arith.subf %parallel_loop3A_369, %parallel_loop3A_370 : f32
      %parallel_loop3A_372 = arith.constant 9.99999996E-13 : f32
      %parallel_loop3A_373 = arith.addf %parallel_loop3A_371, %parallel_loop3A_372 : f32
      %parallel_loop3A_374 = arith.bitcast %parallel_loop3A_373 : f32 to i32
      %parallel_loop3A_375 = arith.constant 1 : i32
      %parallel_loop3A_376 = arith.shrsi %parallel_loop3A_374, %parallel_loop3A_375 : i32
      %parallel_loop3A_377 = arith.constant 1597463007 : i32
      %parallel_loop3A_378 = arith.subi %parallel_loop3A_377, %parallel_loop3A_376 : i32
      %parallel_loop3A_379 = arith.bitcast %parallel_loop3A_378 : i32 to f32
      %parallel_loop3A_380 = arith.constant 5.000000e-01 : f32
      %parallel_loop3A_381 = arith.mulf %parallel_loop3A_380, %parallel_loop3A_373 : f32
      %parallel_loop3A_382 = arith.mulf %parallel_loop3A_381, %parallel_loop3A_379 : f32
      %parallel_loop3A_383 = arith.mulf %parallel_loop3A_382, %parallel_loop3A_379 : f32
      %parallel_loop3A_384 = arith.constant 1.500000e+00 : f32
      %parallel_loop3A_385 = arith.subf %parallel_loop3A_384, %parallel_loop3A_383 : f32
      %parallel_loop3A_386 = arith.mulf %parallel_loop3A_379, %parallel_loop3A_385 : f32
      %parallel_loop3A_387 = arith.mulf %parallel_loop3A_381, %parallel_loop3A_386 : f32
      %parallel_loop3A_388 = arith.mulf %parallel_loop3A_387, %parallel_loop3A_386 : f32
      %parallel_loop3A_389 = arith.constant 1.500000e+00 : f32
      %parallel_loop3A_390 = arith.subf %parallel_loop3A_389, %parallel_loop3A_388 : f32
      %parallel_loop3A_391 = arith.mulf %parallel_loop3A_386, %parallel_loop3A_390 : f32
      %parallel_loop3A_392 = vector.broadcast %parallel_loop3A_391 : f32 to vector<16xf32>
      %parallel_loop3A_393 = vector.broadcast %parallel_loop3A_368 : f32 to vector<16xf32>
      %parallel_loop3A_394 = arith.mulf %parallel_loop3A_392, %get3A_101 : vector<16xf32>
      %parallel_loop3A_395 = arith.mulf %parallel_loop3A_392, %get3A_103 : vector<16xf32>
      %parallel_loop3A_396 = arith.mulf %parallel_loop3A_392, %get3A_105 : vector<16xf32>
      %parallel_loop3A_397 = arith.mulf %parallel_loop3A_392, %get3A_107 : vector<16xf32>
      %parallel_loop3A_398 = arith.mulf %parallel_loop3A_392, %get3A_109 : vector<16xf32>
      %parallel_loop3A_399 = arith.mulf %parallel_loop3A_392, %get3A_111 : vector<16xf32>
      %parallel_loop3A_400 = arith.mulf %parallel_loop3A_392, %get3A_113 : vector<16xf32>
      %parallel_loop3A_401 = arith.mulf %parallel_loop3A_392, %get3A_115 : vector<16xf32>
      %parallel_loop3A_402 = arith.subf %parallel_loop3A_288, %parallel_loop3A_393 : vector<16xf32>
      %parallel_loop3A_403 = arith.mulf %parallel_loop3A_402, %parallel_loop3A_394 : vector<16xf32>
      %parallel_loop3A_404 = arith.addf %parallel_loop3A_403, %get3A_117 : vector<16xf32>
      %parallel_loop3A_405 = arith.index_cast %parallel_loop3A_279 : i32 to index
      %parallel_loop3A_406 = arith.constant 0 : index
      %parallel_loop3A_407 = tpu.vector_load %arg17[%parallel_loop3A_405, %parallel_loop3A_406] {strides = array<i32>} : memref<256x128xf32, #tpu.memory_space<vmem>>, vector<16xf32>,
      tpu.vector_store %arg17[%parallel_loop3A_405, %parallel_loop3A_406], %parallel_loop3A_404 {strides = array<i32>} : memref<256x128xf32, #tpu.memory_space<vmem>>, vector<16xf32>,
      %parallel_loop3A_408 = arith.subf %parallel_loop3A_295, %parallel_loop3A_393 : vector<16xf32>
      %parallel_loop3A_409 = arith.mulf %parallel_loop3A_408, %parallel_loop3A_395 : vector<16xf32>
      %parallel_loop3A_410 = arith.addf %parallel_loop3A_409, %get3A_119 : vector<16xf32>
      %parallel_loop3A_411 = arith.index_cast %parallel_loop3A_279 : i32 to index
      %parallel_loop3A_412 = arith.constant 16 : index
      %parallel_loop3A_413 = tpu.vector_load %arg17[%parallel_loop3A_411, %parallel_loop3A_412] {strides = array<i32>} : memref<256x128xf32, #tpu.memory_space<vmem>>, vector<16xf32>,
      tpu.vector_store %arg17[%parallel_loop3A_411, %parallel_loop3A_412], %parallel_loop3A_410 {strides = array<i32>} : memref<256x128xf32, #tpu.memory_space<vmem>>, vector<16xf32>,
      %parallel_loop3A_414 = arith.subf %parallel_loop3A_302, %parallel_loop3A_393 : vector<16xf32>
      %parallel_loop3A_415 = arith.mulf %parallel_loop3A_414, %parallel_loop3A_396 : vector<16xf32>
      %parallel_loop3A_416 = arith.addf %parallel_loop3A_415, %get3A_121 : vector<16xf32>
      %parallel_loop3A_417 = arith.index_cast %parallel_loop3A_279 : i32 to index
      %parallel_loop3A_418 = arith.constant 32 : index
      %parallel_loop3A_419 = tpu.vector_load %arg17[%parallel_loop3A_417, %parallel_loop3A_418] {strides = array<i32>} : memref<256x128xf32, #tpu.memory_space<vmem>>, vector<16xf32>,
      tpu.vector_store %arg17[%parallel_loop3A_417, %parallel_loop3A_418], %parallel_loop3A_416 {strides = array<i32>} : memref<256x128xf32, #tpu.memory_space<vmem>>, vector<16xf32>,
      %parallel_loop3A_420 = arith.subf %parallel_loop3A_309, %parallel_loop3A_393 : vector<16xf32>
      %parallel_loop3A_421 = arith.mulf %parallel_loop3A_420, %parallel_loop3A_397 : vector<16xf32>
      %parallel_loop3A_422 = arith.addf %parallel_loop3A_421, %get3A_123 : vector<16xf32>
      %parallel_loop3A_423 = arith.index_cast %parallel_loop3A_279 : i32 to index
      %parallel_loop3A_424 = arith.constant 48 : index
      %parallel_loop3A_425 = tpu.vector_load %arg17[%parallel_loop3A_423, %parallel_loop3A_424] {strides = array<i32>} : memref<256x128xf32, #tpu.memory_space<vmem>>, vector<16xf32>,
      tpu.vector_store %arg17[%parallel_loop3A_423, %parallel_loop3A_424], %parallel_loop3A_422 {strides = array<i32>} : memref<256x128xf32, #tpu.memory_space<vmem>>, vector<16xf32>,
      %parallel_loop3A_426 = arith.subf %parallel_loop3A_316, %parallel_loop3A_393 : vector<16xf32>
      %parallel_loop3A_427 = arith.mulf %parallel_loop3A_426, %parallel_loop3A_398 : vector<16xf32>
      %parallel_loop3A_428 = arith.addf %parallel_loop3A_427, %get3A_125 : vector<16xf32>
      %parallel_loop3A_429 = arith.index_cast %parallel_loop3A_279 : i32 to index
      %parallel_loop3A_430 = arith.constant 64 : index
      %parallel_loop3A_431 = tpu.vector_load %arg17[%parallel_loop3A_429, %parallel_loop3A_430] {strides = array<i32>} : memref<256x128xf32, #tpu.memory_space<vmem>>, vector<16xf32>,
      tpu.vector_store %arg17[%parallel_loop3A_429, %parallel_loop3A_430], %parallel_loop3A_428 {strides = array<i32>} : memref<256x128xf32, #tpu.memory_space<vmem>>, vector<16xf32>,
      %parallel_loop3A_432 = arith.subf %parallel_loop3A_323, %parallel_loop3A_393 : vector<16xf32>
      %parallel_loop3A_433 = arith.mulf %parallel_loop3A_432, %parallel_loop3A_399 : vector<16xf32>
      %parallel_loop3A_434 = arith.addf %parallel_loop3A_433, %get3A_127 : vector<16xf32>
      %parallel_loop3A_435 = arith.index_cast %parallel_loop3A_279 : i32 to index
      %parallel_loop3A_436 = arith.constant 80 : index
      %parallel_loop3A_437 = tpu.vector_load %arg17[%parallel_loop3A_435, %parallel_loop3A_436] {strides = array<i32>} : memref<256x128xf32, #tpu.memory_space<vmem>>, vector<16xf32>,
      tpu.vector_store %arg17[%parallel_loop3A_435, %parallel_loop3A_436], %parallel_loop3A_434 {strides = array<i32>} : memref<256x128xf32, #tpu.memory_space<vmem>>, vector<16xf32>,
      %parallel_loop3A_438 = arith.subf %parallel_loop3A_330, %parallel_loop3A_393 : vector<16xf32>
      %parallel_loop3A_439 = arith.mulf %parallel_loop3A_438, %parallel_loop3A_400 : vector<16xf32>
      %parallel_loop3A_440 = arith.addf %parallel_loop3A_439, %get3A_129 : vector<16xf32>
      %parallel_loop3A_441 = arith.index_cast %parallel_loop3A_279 : i32 to index
      %parallel_loop3A_442 = arith.constant 96 : index
      %parallel_loop3A_443 = tpu.vector_load %arg17[%parallel_loop3A_441, %parallel_loop3A_442] {strides = array<i32>} : memref<256x128xf32, #tpu.memory_space<vmem>>, vector<16xf32>,
      tpu.vector_store %arg17[%parallel_loop3A_441, %parallel_loop3A_442], %parallel_loop3A_440 {strides = array<i32>} : memref<256x128xf32, #tpu.memory_space<vmem>>, vector<16xf32>,
      %parallel_loop3A_444 = arith.subf %parallel_loop3A_337, %parallel_loop3A_393 : vector<16xf32>
      %parallel_loop3A_445 = arith.mulf %parallel_loop3A_444, %parallel_loop3A_401 : vector<16xf32>
      %parallel_loop3A_446 = arith.addf %parallel_loop3A_445, %get3A_131 : vector<16xf32>
      %parallel_loop3A_447 = arith.index_cast %parallel_loop3A_279 : i32 to index
      %parallel_loop3A_448 = arith.constant 112 : index
      %parallel_loop3A_449 = tpu.vector_load %arg17[%parallel_loop3A_447, %parallel_loop3A_448] {strides = array<i32>} : memref<256x128xf32, #tpu.memory_space<vmem>>, vector<16xf32>,
      tpu.vector_store %arg17[%parallel_loop3A_447, %parallel_loop3A_448], %parallel_loop3A_446 {strides = array<i32>} : memref<256x128xf32, #tpu.memory_space<vmem>>, vector<16xf32>,
    } {sc.loop_unroll_factor = 2 : i64, sc.parallel_access}
    %dma_start3A_267 = arith.constant 0 : i32
    %dma_start3A_268 = tpu.memref_slice %arg7[%add3A_262, %dma_start3A_267] : memref<32768x128xf32, #tpu.memory_space<hbm>> -> memref<256x128xf32, #tpu.memory_space<hbm>>
    %dma_start3A_269 = arith.constant 0 : i32
    %dma_start3A_270 = tpu.memref_slice %arg7[%add3A_262, %dma_start3A_269] : memref<32768x128xf32, #tpu.memory_space<hbm>> -> memref<256x128xf32, #tpu.memory_space<hbm>>
    tpu.enqueue_dma source(%arg17 : memref<256x128xf32, #tpu.memory_space<vmem>>) target(%dma_start3A_270 : memref<256x128xf32, #tpu.memory_space<hbm>>) target_semaphore(%arg26 : memref<!tpu.dma_semaphore, #tpu.memory_space<semaphore_mem>>)
    %dma_wait3A_271 = arith.constant 0 : i32
    %dma_wait3A_272 = tpu.memref_slice %arg7[%add3A_238, %dma_wait3A_271] : memref<32768x128xf32, #tpu.memory_space<hbm>> -> memref<256x128xf32, #tpu.memory_space<hbm>>
    %dma_wait3A_273 = arith.constant 0 : i32
    %dma_wait3A_274 = tpu.memref_slice %arg7[%add3A_238, %dma_wait3A_273] : memref<32768x128xf32, #tpu.memory_space<hbm>> -> memref<256x128xf32, #tpu.memory_space<hbm>>
    tpu.wait_dma2 semaphore(%arg25 : memref<!tpu.dma_semaphore, #tpu.memory_space<semaphore_mem>>) src(%arg16 : memref<256x128xf32, #tpu.memory_space<vmem>>) dst(%dma_wait3A_274 : memref<256x128xf32, #tpu.memory_space<hbm>>)
    %dma_wait3A_275 = arith.constant 0 : i32
    %dma_wait3A_276 = tpu.memref_slice %arg7[%add3A_262, %dma_wait3A_275] : memref<32768x128xf32, #tpu.memory_space<hbm>> -> memref<256x128xf32, #tpu.memory_space<hbm>>
    %dma_wait3A_277 = arith.constant 0 : i32
    %dma_wait3A_278 = tpu.memref_slice %arg7[%add3A_262, %dma_wait3A_277] : memref<32768x128xf32, #tpu.memory_space<hbm>> -> memref<256x128xf32, #tpu.memory_space<hbm>>
    tpu.wait_dma2 semaphore(%arg26 : memref<!tpu.dma_semaphore, #tpu.memory_space<semaphore_mem>>) src(%arg17 : memref<256x128xf32, #tpu.memory_space<vmem>>) dst(%dma_wait3A_278 : memref<256x128xf32, #tpu.memory_space<hbm>>)
    return
  }
}

</mosaic_0001>

<sc_bundles>
// kernel: kernel.3.cloned.1.call-start
scs
__scs_entry_jumppad:
0x0: {  	(pc) =	sbr.rel $0x88, $3  }
0x1: {  	(tag) =	ssettag $0x0;
	lr =	simm.s32 $0x1  }
0x2: {  	[smem:$0x3F9C] =	sst lr;
	_ =	strace $0xD0000000  }
0x3: {  	_ = 	snop  }
0x4: {  	_ = 	snop  }
0x5: {  	_ = 	snop  }
0x6: {  	_ = 	snop  }
0x7: {  	_ = 	snop  }
__scs_overlays_trampoline_lowered:
0x8: {  	[smem:$0x3FAB] =	sst s0  }
0x9: {  	[smem:$0x3FAC] =	sst s1  }
0xa: {  	[smem:$0x3FAD] =	sst s2  }
0xb: {  	[smem:$0x3FAE] =	sst s3  }
0xc: {  	[smem:$0x3FAF] =	sst s4  }
0xd: {  	[smem:$0x3FB0] =	sst s5  }
0xe: {  	[smem:$0x3FB1] =	sst s6  }
0xf: {  	[smem:$0x3FB2] =	sst s7  }
0x10: {  	[smem:$0x3FB3] =	sst s8  }
0x11: {  	[smem:$0x3FB4] =	sst s9;
	s0 =	simm.s32 @!p0 $0x0  }
0x12: {  	s1 =	sld [smem:$0x3F9A];
	s0 =	simm.s32 @p0 $0x1  }
0x13: {  	[smem:$0x3FB5] =	sst s0;
	s0 =	simm.s32 @!p1 $0x0  }
0x14: {  	s2 =	sld [smem:$0x3F99];
	s0 =	simm.s32 @p1 $0x1  }
0x15: {  	[smem:$0x3FB6] =	sst s0;
	s0 =	simm.s32 @!p2 $0x0  }
0x16: {  	s3 =	sld [smem:$0x3FDB];
	s0 =	simm.s32 @p2 $0x1  }
0x17: {  	s4 =	simm.s32 $0x1BF5;
	[smem:$0x3FB8] =	sst s0  }
0x18: {  	s0 =	sld [smem:$0x3F9B];
	_ =	swait.ge [sflag:s4], $0x0  }
0x19: {  	s7 =	sld [smem:$0x3F9C]  }
0x1a: {  	s8 =	sadd.s32 $0xFFFFE003, lr  }
0x1b: {  	s9 =	sadd.s32 $0xFFFFFEF7, lr;
	s5 =	simm.s32 $0xFFFFFFFF;
	p2 =	slt.u32 s8, $0xFFFFF086  }
0x1c: {  	p1 =	slt.u32 s9, $0xF7A;
	s5 =	simm.s32 @!p2 $0x0  }
0x1d: {  	s5 =	simm.s32 @p1 $0x1;
	p0 =	seq.s32 s7, s2  }
0x1e: {  	s7 =	smul.u32 @!p0 $0xF7A, s2;
	p2 =	seq.s32 @!p0 s5, $0x0  }
0x1f: {  	s9 =	smul.u32 $0xF7A, s1;
	s8 =	simm.s32 @!p0 $0x1BF5;
	p2 =	por !p2, p0  }
0x20: {  	[sflag:s8] =	ssyncset.s32 @!p0 $0xFFFFF086;
	s6 =	sadd.s32 @!p0 s3, s7;
	s7 =	simm.s32 @!p0 $0x108  }
0x21: {  	s3 =	sadd.s32 s3, s9;
	s6 =	sadd.s32 @!p0 $0x88, s6;
	s7 =	simm.s32 @p2 $0x1082  }
0x22: {  	[simem:s7], [sflag:s8] =	dma.local @!p0 [hbm:s6], $0xF7A  }
0x23: {  	s9 =	sor.u32 $0xD0000000, s2;
	s6 =	simm.s32 $0x108;
	_ =	swait.ge @!p0 [sflag:s8], $0x0  }
0x24: {  	s3 =	sadd.s32 $0x88, s3;
	s6 =	simm.s32 @!p1 $0x1082;
	[sflag:s4] =	ssyncset.s32 $0xFFFFF086  }
0x25: {  	[simem:s6], [sflag:s4] =	dma.local [hbm:s3], $0xF7A  }
0x26: {  	[smem:$0x3F9C] =	sst s1;
	(tag) =	ssettag s2;
	_ =	strace s9  }
0x27: {  	s1 =	sld [smem:$0x3FAC]  }
0x28: {  	s2 =	sld [smem:$0x3FAD]  }
0x29: {  	s4 =	sld [smem:$0x3FAF]  }
0x2a: {  	p0 =	seq.s32 s5, $0x0;
	s5 =	sld [smem:$0x3FB0]  }
0x2b: {  	s6 =	sld [smem:$0x3FB1]  }
0x2c: {  	s7 =	sld [smem:$0x3FB2]  }
0x2d: {  	s3 =	simm.s32 $0x108;
	s8 =	sld [smem:$0x3FB3]  }
0x2e: {  	s3 =	simm.s32 @!p0 $0x1082;
	s9 =	sld [smem:$0x3FB4]  }
0x2f: {  	lr =	sadd.s32 s0, s3;
	s0 =	sld [smem:$0x3FAB]  }
0x30: {  	s3 =	sld [smem:$0x3FAE]  }
0x31: {  	[smem:$0x3FB7] =	sst s10  }
0x32: {  	s10 =	sld [smem:$0x3FB5];
	_ =	sdelay $0x3  }
0x33: {  	p0 =	seq.s32 s10, $0x1;
	s10 =	sld [smem:$0x3FB7];
	_ =	sdelay $0x3  }
0x34: {  	[smem:$0x3FB7] =	sst s10  }
0x35: {  	s10 =	sld [smem:$0x3FB6];
	_ =	sdelay $0x3  }
0x36: {  	p1 =	seq.s32 s10, $0x1;
	s10 =	sld [smem:$0x3FB7];
	_ =	sdelay $0x3  }
0x37: {  	[smem:$0x3FB7] =	sst s10  }
0x38: {  	s10 =	sld [smem:$0x3FB8]  }
0x39: {  	_ = 	snop;
	(pc) =	sbr.ind lr, $3  }
0x3a: {  	_ = 	snop  }
0x3b: {  	_ = 	snop  }
0x3c: {  	p2 =	seq.s32 s10, $0x1;
	s10 =	sld [smem:$0x3FB7]  }
0x3d: {  	_ =	shalt  }
0x3e: {  	_ =	shalt  }
0x3f: {  	_ =	shalt  }
0x40: {  	_ =	shalt  }
0x41: {  	_ =	shalt  }
0x42: {  	_ =	shalt  }
0x43: {  	_ =	shalt  }
0x44: {  	_ =	shalt  }
0x45: {  	_ =	shalt  }
0x46: {  	_ =	shalt  }
0x47: {  	_ =	shalt  }
0x48: {  	_ =	shalt  }
0x49: {  	_ =	shalt  }
0x4a: {  	_ =	shalt  }
0x4b: {  	_ =	shalt  }
0x4c: {  	_ =	shalt  }
0x4d: {  	_ =	shalt  }
0x4e: {  	_ =	shalt  }
0x4f: {  	_ =	shalt  }
0x50: {  	_ =	shalt  }
0x51: {  	_ =	shalt  }
0x52: {  	_ =	shalt  }
0x53: {  	_ =	shalt  }
0x54: {  	_ =	shalt  }
0x55: {  	_ =	shalt  }
0x56: {  	_ =	shalt  }
0x57: {  	_ =	shalt  }
0x58: {  	_ =	shalt  }
0x59: {  	_ =	shalt  }
0x5a: {  	_ =	shalt  }
0x5b: {  	_ =	shalt  }
0x5c: {  	_ =	shalt  }
0x5d: {  	_ =	shalt  }
0x5e: {  	_ =	shalt  }
0x5f: {  	_ =	shalt  }
0x60: {  	_ =	shalt  }
0x61: {  	_ =	shalt  }
0x62: {  	_ =	shalt  }
0x63: {  	_ =	shalt  }
0x64: {  	_ =	shalt  }
0x65: {  	_ =	shalt  }
0x66: {  	_ =	shalt  }
0x67: {  	_ =	shalt  }
0x68: {  	_ =	shalt  }
0x69: {  	_ =	shalt  }
0x6a: {  	_ =	shalt  }
0x6b: {  	_ =	shalt  }
0x6c: {  	_ =	shalt  }
0x6d: {  	_ =	shalt  }
0x6e: {  	_ =	shalt  }
0x6f: {  	_ =	shalt  }
0x70: {  	_ =	shalt  }
0x71: {  	_ =	shalt  }
0x72: {  	_ =	shalt  }
0x73: {  	_ =	shalt  }
0x74: {  	_ =	shalt  }
0x75: {  	_ =	shalt  }
0x76: {  	_ =	shalt  }
0x77: {  	_ =	shalt  }
0x78: {  	_ =	shalt  }
0x79: {  	_ =	shalt  }
0x7a: {  	_ =	shalt  }
0x7b: {  	_ =	shalt  }
0x7c: {  	_ =	shalt  }
0x7d: {  	_ =	shalt  }
0x7e: {  	_ =	shalt  }
0x7f: {  	_ =	shalt  }
0x80: {  	_ =	shalt  }
0x81: {  	_ =	shalt  }
0x82: {  	_ =	shalt  }
0x83: {  	_ =	shalt  }
0x84: {  	_ =	shalt  }
0x85: {  	_ =	shalt  }
0x86: {  	_ =	shalt  }
0x87: {  	_ =	shalt  }
.Lfunc_end0:
.L_simem_size_0:
called_computation_lowered:
.L_overlay_start_0:
0x88: {  	s2 =	sld [smem:$0x3FD9]  }
0x89: {  	s3 =	sld [smem:$0x3FFE];
	_ =	sdelay $0x1  }
0x8a: {  	s1 =	srdreg.scid  }
0x8b: {  	s0 =	sand.u32 $0x1, s1  }
0x8c: {  	s17 =	sshll.u32 s0, $0xA;
	s2 =	sadd.s32 s3, s2  }
0x8d: {  	s2 =	sadd.s32 s2, s17  }
0x8e: {  	[smem:$0x3FC3] =	sst s2  }
0x8f: {  	_ = 	snop  }
0x90: {  	s2 =	sld [smem:$0x3FC8]  }
0x91: {  	s18 =	sld [smem:$0x3FC7]  }
0x92: {  	s4 =	sld [smem:$0x3FC6]  }
0x93: {  	s5 =	sld [smem:$0x3FC5]  }
0x94: {  	s6 =	sld [smem:$0x3FD0];
	(tm) =	ssettm $0x1  }
0x95: {  	s7 =	sld [smem:$0x3FFB];
	_ =	sdelay $0x3  }
0x96: {  	_ =	strace s7  }
0x97: {  	s7 =	sld [smem:$0x3FFC];
	_ =	sdelay $0x3  }
0x98: {  	_ =	strace s7  }
0x99: {  	s7 =	sld [smem:$0x3FFD];
	_ =	sdelay $0x3  }
0x9a: {  	_ =	strace s7  }
0x9b: {  	_ =	strace $0x8FFFFFFF  }
0x9c: {  	s19 =	sld [smem:$0x3FDB];
	_ =	sdelay $0x1  }
0x9d: {  	s8 =	simm.s32 $_scs_section_size  }
0x9e: {  	s9 =	simm.s32 $_size__tile_overlayer_lowered;
	s10 =	simm.s32 $_tile_overlayer_lowered  }
0x9f: {  	s22 =	simm.s32 $0x1BFF;
	s21 =	sshll.u32 s10, $0x1;
	s7 =	sadd.s32 s8, s19  }
0xa0: {  	s11 =	simm.s32 $0x0;
	s20 =	sshll.u32 s9, $0x1;
	s9 =	sadd.s32 s21, s7  }
0xa1: {  	[timem:s11], [sflag:s22] =	dma.local [hbm:s9], s20  }
0xa2: {  	_ =	swait.ge [sflag:s22], s20  }
0xa3: {  	s8 =	ssub.s32 $0x0, s20;
	[sflag:s22] =	ssyncset.done $0x0  }
0xa4: {  	[sflag:s22] =	ssyncadd.s32 s8;
	_ =	sdelay $0x1  }
0xa5: {  	s23 =	simm.s32 $0x1B8B  }
0xa6: {  	_ =	swait.ge [sflag:s23], $0x1  }
0xa7: {  	[sflag:s23] =	ssyncset.done $0x0  }
0xa8: {  	s25 =	simm.s32 $0x1B8E;
	s24 =	sld [smem:$0x3FFE];
	[sflag:s23] =	ssyncadd.s32 $0xFFFFFFFF  }
0xa9: {  	s26 =	simm.s32 $execute0_lowered;
	[smem:$0x3FD2] =	sst s25  }
0xaa: {  	s9 =	sshll.u32 s26, $0x1;
	_ =	strace $0x80000046;
	[dreg:$0x1] =	wrdreg $0xFFFFFFFF  }
0xab: {  	s28 =	simm.s32 $_size_execute0_lowered;
	s7 =	sadd.s32 s7, s9;
	[dreg:$0x0] =	wrdreg $0x0  }
0xac: {  	s9 =	sshll.u32 s28, $0x1;
	[dreg:$0x2] =	wrdreg s7  }
0xad: {  	[dreg:$0x3] =	wrdreg s9  }
0xae: {  	[dreg:$0x4] =	wrdreg $0xC0  }
0xaf: {  	_ =	task [dreg:s11], $0x5FFFF  }
0xb0: {  	[dreg:$0x1] =	wrdreg $0xFFFFFFFF  }
0xb1: {  	[dreg:$0x0] =	wrdreg $0x60  }
0xb2: {  	[dreg:$0x2] =	wrdreg s24  }
0xb3: {  	[dreg:$0x3] =	wrdreg s2  }
0xb4: {  	[dreg:$0x4] =	wrdreg s18  }
0xb5: {  	[dreg:$0x5] =	wrdreg s4  }
0xb6: {  	[dreg:$0x6] =	wrdreg s5  }
0xb7: {  	[dreg:$0x7] =	wrdreg s6  }
0xb8: {  	[dreg:$0x8] =	wrdreg $0x9  }
0xb9: {  	_ =	task.clear_ibuf [dreg:s11], $0x9FFFF;
	_ =	strace $0x90000046  }
0xba: {  	s29 =	simm.s32 $0x9;
	_ =	strace $0x80000048  }
0xbb: {  	_ =	swait.ge [sflag:s29], $0x1  }
0xbc: {  	[sflag:s29] =	ssyncadd.s32 $0xFFFFFFFF  }
0xbd: {  	_ =	strace $0x90000048  }
0xbe: {  	_ =	sfence  }
0xbf: {  	s30 =	sld [smem:$0x0];
	_ =	sdelay $0x2  }
0xc0: {  	s31 =	sshll.u32 s1, $0xD;
	s1 =	sshrl.u32 s1, $0x2  }
0xc1: {  	s3 =	sand.u32 $0x4000, s31;
	s1 =	sadd.s32 s1, s30  }
0xc2: {  	s0 =	sor.u32 s3, s0;
	s1 =	sshll.u32 s1, $0x11  }
0xc3: {  	s0 =	sor.u32 s1, s0  }
0xc4: {  	s0 =	sadd.s32 $0x8F2B, s0  }
0xc5: {  	[sflag:s0] =	ssyncadd.remote.s32 $0x1  }
0xc6: {  	_ =	sfence.sel $0xFFFF  }
0xc7: {  	[dreg:$0x0] =	wrdreg $0xFFFFFFFF;
	(pc) =	sbr.abs _section_cstart, $3  }
0xc8: {  	[dreg:$0x1] =	wrdreg $0xFFFFFFFF  }
0xc9: {  	_ =	task.clear_ibuf [dreg:s11], $0x2FFFF;
	_ =	strace $0x9FFFFFFF  }
0xca: {  	(tm) =	ssettm $0x7FFFFFFF  }
0xcb: {  	_ =	shalt  }
tec
execute0_lowered:
.L_overlay_start_1:
0x0: {  	(tag) =	ssettag $0x1  }
0x1: {  	s0 =	rddreg [dreg:$0x0]  }
0x2: {  	s1 =	rddreg [dreg:$0x1]  }
0x3: {  	s2 =	rddreg [dreg:$0x2]  }
0x4: {  	s3 =	rddreg [dreg:$0x5]  }
0x5: {  	s5 =	simm.s32 $0x0;
	s4 =	srdreg.scid;
	s6 =	stileid.u32  }
0x6: {  	s31 =	simm.s32 $0x4;
	s29 =	simm.s32 $0x1;
	s30 =	simm.s32 $0x5  }
0x7: {  	[smem:$0x7FF] =	sst s5;
	s4 =	sand.u32 $0x1, s4;
	s6 =	sshll.u32 s6, $0x9  }
0x8: {  	s0 =	sadd.s32 $0x400, s0;
	s7 =	sshll.u32 s4, $0x8;
	s4 =	ssub.s32 $0x2, s4  }
0x9: {  	_ =	strace $0x80000047;
	s7 =	sor.u32 s7, s6;
	s18 =	sshrl.u32 s4, $0x1  }
0xa: {  	s8 =	sshrl.u32 s7, $0x3;
	s16 =	sor.u32 $0x2000, s7;
	s4 =	ssub.s32 s4, s18  }
0xb: {  	s20 =	sor.u32 $0x4000, s7;
	s17 =	sor.u32 $0x6000, s7;
	s24 =	sshll.u32 s7, $0x4  }
0xc: {  	s6 =	sadd.s32 s0, s8;
	s19 =	sshrl.u32 s16, $0x3;
	s10 =	sshrl.u32 s20, $0x3  }
0xd: {  	s12 =	sshrl.u32 s17, $0x3;
	s14 =	sadd.s32 s2, s24;
	s15 =	sadd.s32 s3, s24  }
0xe: {  	s25 =	sshll.u32 s16, $0x4;
	s26 =	sshll.u32 s20, $0x4;
	s28 =	sshll.u32 s17, $0x4  }
0xf: {  	s20 =	simm.s32 $0x80;
	s2 =	simm.s32 $0x3;
	s9 =	sadd.s32 $0x10, s6  }
0x10: {  	s8 =	sadd.s32 s0, s19;
	s21 =	sadd.s32 $0x410, s6;
	[dreg:$0x7] =	wrdreg s9  }
0x11: {  	s22 =	sadd.s32 s0, s10;
	s23 =	sadd.s32 $0x810, s6;
	[dreg:$0x8] =	wrdreg s8  }
0x12: {  	s0 =	sadd.s32 s0, s12;
	s13 =	sadd.s32 $0xC10, s6;
	[dreg:$0x9] =	wrdreg s21  }
0x13: {  	s16 =	sadd.s32 s3, s25;
	s17 =	sadd.s32 s3, s26;
	[dreg:$0xa] =	wrdreg s22  }
0x14: {  	s18 =	sadd.s32 s3, s28;
	s19 =	smax.u32 s4, $0x1;
	[dreg:$0xb] =	wrdreg s23  }
0x15: {  	s3 =	simm.s32 $0x8400;
	[dreg:$0xc] =	wrdreg s0;
	s0 =	simm.s32 $0x400  }
0x16: {  	s21 =	simm.s32 $0x2;
	s22 =	simm.s32 $0x6;
	s23 =	simm.s32 $0x0  }
.LBB2_1:
0x17: {  	[tilespmem:s5], [sflag:$0x4] =	stream.linear.gather [hbm4b:s6+s5], $0x80, $0x38;
	[tilespmem:$0x18500] =	vst v63  }
0x18: {  	s4 =	rddreg [dreg:$0x7]  }
0x19: {  	[tilespmem:s20], [sflag:$0x4] =	stream.linear.gather [hbm4b:s4+s5], $0x80, $0x38;
	[tilespmem:$0x18500] =	vst v63  }
0x1a: {  	s9 =	rddreg [dreg:$0x8];
	s7 =	simm.s32 $0x100  }
0x1b: {  	[tilespmem:s7], [sflag:$0x4] =	stream.linear.gather [hbm4b:s9+s5], $0x80, $0x38;
	[tilespmem:$0x18500] =	vst v63  }
0x1c: {  	s10 =	rddreg [dreg:$0x9];
	s8 =	simm.s32 $0x180  }
0x1d: {  	[tilespmem:s8], [sflag:$0x4] =	stream.linear.gather [hbm4b:s10+s5], $0x80, $0x38;
	[tilespmem:$0x18500] =	vst v63  }
0x1e: {  	s11 =	rddreg [dreg:$0xa];
	s9 =	simm.s32 $0x200  }
0x1f: {  	[tilespmem:s9], [sflag:$0x4] =	stream.linear.gather [hbm4b:s11+s5], $0x80, $0x38;
	[tilespmem:$0x18500] =	vst v63  }
0x20: {  	s12 =	rddreg [dreg:$0xb];
	s24 =	simm.s32 $0x280  }
0x21: {  	[tilespmem:s24], [sflag:$0x4] =	stream.linear.gather [hbm4b:s12+s5], $0x80, $0x38;
	[tilespmem:$0x18500] =	vst v63  }
0x22: {  	s25 =	rddreg [dreg:$0xc];
	s26 =	simm.s32 $0x300  }
0x23: {  	[tilespmem:s26], [sflag:$0x4] =	stream.linear.gather [hbm4b:s25+s5], $0x80, $0x38;
	[tilespmem:$0x18500] =	vst v63  }
0x24: {  	s9 =	simm.s32 $0x380  }
0x25: {  	[tilespmem:s9], [sflag:$0x4] =	stream.linear.gather [hbm4b:s13+s5], $0x80, $0x38;
	[tilespmem:$0x18500] =	vst v63  }
0x26: {  	s10 =	simm.s32 $0x10400  }
0x27: {  	[tilespmem:s10], [sflag:$0x3] =	stream.linear.gather [hbm4b:s14+s5], $0x8000, $0x38;
	[tilespmem:$0x18500] =	vst v63  }
0x28: {  	s11 =	rddreg [dreg:$0x3];
	s12 =	simm.s32 $0x18400  }
0x29: {  	[tilespmem:s12], [sflag:$0x3] =	stream.linear.gather [hbm4b:s11+s5], $0x80, $0x38;
	[tilespmem:$0x18500] =	vst v63  }
0x2a: {  	s24 =	rddreg [dreg:$0x4];
	s25 =	simm.s32 $0x18480  }
0x2b: {  	[tilespmem:s25], [sflag:$0x3] =	stream.linear.gather [hbm4b:s24+s5], $0x80, $0x38;
	[tilespmem:$0x18500] =	vst v63  }
0x2c: {  	_ =	swait.ge [sflag:s31], $0x80  }
0x2d: {  	[sflag:s31] =	ssyncset.done $0x0  }
0x2e: {  	[sflag:s31] =	ssyncadd.s32 $0xFFFFFF80  }
0x2f: {  	_ =	swait.ge [sflag:s31], $0x80  }
0x30: {  	[sflag:s31] =	ssyncset.done $0x0  }
0x31: {  	[sflag:s31] =	ssyncadd.s32 $0xFFFFFF80  }
0x32: {  	_ =	swait.ge [sflag:s31], $0x80  }
0x33: {  	[sflag:s31] =	ssyncset.done $0x0  }
0x34: {  	[sflag:s31] =	ssyncadd.s32 $0xFFFFFF80  }
0x35: {  	_ =	swait.ge [sflag:s31], $0x80  }
0x36: {  	[sflag:s31] =	ssyncset.done $0x0  }
0x37: {  	[sflag:s31] =	ssyncadd.s32 $0xFFFFFF80  }
0x38: {  	_ =	swait.ge [sflag:s31], $0x80  }
0x39: {  	[sflag:s31] =	ssyncset.done $0x0  }
0x3a: {  	[sflag:s31] =	ssyncadd.s32 $0xFFFFFF80  }
0x3b: {  	_ =	swait.ge [sflag:s31], $0x80  }
0x3c: {  	[sflag:s31] =	ssyncset.done $0x0  }
0x3d: {  	[sflag:s31] =	ssyncadd.s32 $0xFFFFFF80  }
0x3e: {  	_ =	swait.ge [sflag:s31], $0x80  }
0x3f: {  	[sflag:s31] =	ssyncset.done $0x0  }
0x40: {  	[sflag:s31] =	ssyncadd.s32 $0xFFFFFF80  }
0x41: {  	_ =	swait.ge [sflag:s31], $0x80  }
0x42: {  	[sflag:s31] =	ssyncset.done $0x0  }
0x43: {  	[sflag:s31] =	ssyncadd.s32 $0xFFFFFF80  }
0x44: {  	[tilespmem:s0], [sflag:$0x1] =	stream.indirect.gather [hbm4b:s1+s20], $0x80, s5, s20, $0xb8;
	[tilespmem:$0x18500] =	vst v63  }
0x45: {  	s26 =	simm.s32 $0x4400  }
0x46: {  	[tilespmem:s26], [sflag:$0x1] =	stream.indirect.gather [hbm4b:s1+s20], $0x80, s20, s20, $0xb8;
	[tilespmem:$0x18500] =	vst v63  }
0x47: {  	_ =	swait.ge [sflag:s2], $0x80  }
0x48: {  	[sflag:s2] =	ssyncset.done $0x0  }
0x49: {  	[sflag:s2] =	ssyncadd.s32 $0xFFFFFF80  }
0x4a: {  	_ =	swait.ge [sflag:s2], $0x80  }
0x4b: {  	[sflag:s2] =	ssyncset.done $0x0  }
0x4c: {  	[sflag:s2] =	ssyncadd.s32 $0xFFFFFF80  }
0x4d: {  	_ =	swait.ge [sflag:s2], $0x8000  }
0x4e: {  	[sflag:s2] =	ssyncset.done $0x0  }
0x4f: {  	[sflag:s2] =	ssyncadd.s32 $0xFFFF8000  }
0x50: {  	v15 =	vld [tilespmem:$0x18400]  }
0x51: {  	v14 =	vld [tilespmem:$0x18410]  }
0x52: {  	v13 =	vld [tilespmem:$0x18420]  }
0x53: {  	v12 =	vld [tilespmem:$0x18430]  }
0x54: {  	v10 =	vld [tilespmem:$0x18440]  }
0x55: {  	v8 =	vld [tilespmem:$0x18450]  }
0x56: {  	v6 =	vld [tilespmem:$0x18460]  }
0x57: {  	v5 =	vld [tilespmem:$0x18470]  }
0x58: {  	v0 =	vld [tilespmem:$0x184D0]  }
0x59: {  	v11 =	vld [tilespmem:$0x18480]  }
0x5a: {  	v9 =	vld [tilespmem:$0x18490]  }
0x5b: {  	v7 =	vld [tilespmem:$0x184A0]  }
0x5c: {  	v3 =	vld [tilespmem:$0x184B0]  }
0x5d: {  	[tilespmem:$0x1FF60] =	vst v0;
	v0 =	vld [tilespmem:$0x184E0]  }
0x5e: {  	v2 =	vld [tilespmem:$0x184C0]  }
0x5f: {  	v4 =	vld [tilespmem:$0x184F0];
	[tilespmem:s3], [sflag:$0x2] =	stream.indirect.gather [hbm4b:s1+s20], $0x80, s7, s20, $0xb8  }
0x60: {  	s7 =	simm.s32 $0xC400  }
0x61: {  	[tilespmem:s7], [sflag:$0x2] =	stream.indirect.gather [hbm4b:s1+s20], $0x80, s8, s20, $0xb8;
	[tilespmem:$0x18500] =	vst v63  }
0x62: {  	[tilespmem:$0x1FF70] =	vst v0  }
0x63: {  	_ =	swait.ge [sflag:s29], $0x4000  }
0x64: {  	[sflag:s29] =	ssyncset.done $0x0  }
0x65: {  	[sflag:s29] =	ssyncadd.s32 $0xFFFFC000  }
0x66: {  	_ =	swait.ge [sflag:s29], $0x4000  }
0x67: {  	[sflag:s29] =	ssyncset.done $0x0  }
0x68: {  	s24 =	simm.s32 $0x480;
	[sflag:s29] =	ssyncadd.s32 $0xFFFFC000  }
0x69: {  	s8 =	simm.s32 $0x10480;
	v16 =	vld [tilespmem:s24+$0x50]  }
0x6a: {  	v17 =	vld [tilespmem:s8+$0x50]  }
0x6b: {  	v23 =	vld [tilespmem:s24+$0x60]  }
0x6c: {  	v24 =	vld [tilespmem:s8+$0x60]  }
0x6d: {  	v25 =	vld [tilespmem:s24+$0x70]  }
0x6e: {  	v18 =	vld [tilespmem:s24+$0x0]  }
0x6f: {  	v19 =	vld [tilespmem:s8+$0x0]  }
0x70: {  	v20 =	vld [tilespmem:s24+$0x10]  }
0x71: {  	v21 =	vld [tilespmem:s8+$0x10]  }
0x72: {  	v22 =	vld [tilespmem:s24+$0x20]  }
0x73: {  	v26 =	vld [tilespmem:s8+$0x20]  }
0x74: {  	v27 =	vld [tilespmem:s24+$0x30]  }
0x75: {  	v28 =	vld [tilespmem:s8+$0x30]  }
0x76: {  	v29 =	vld [tilespmem:s24+$0x40]  }
0x77: {  	v30 =	vld [tilespmem:s8+$0x40]  }
0x78: {  	v31 =	vld [tilespmem:s8+$0x70]  }
0x79: {  	v32 =	vld [tilespmem:s8+$0xFFFFFF80]  }
0x7a: {  	v33 =	vld [tilespmem:s24+$0xFFFFFF90]  }
0x7b: {  	v34 =	vld [tilespmem:s8+$0xFFFFFF90];
	v19 =	vadd.f32 v19, v18;
	v20 =	vadd.f32 v21, v20  }
0x7c: {  	v35 =	vld [tilespmem:s24+$0xFFFFFF80];
	v21 =	vadd.f32 v26, v22  }
0x7d: {  	v36 =	vld [tilespmem:s24+$0xFFFFFFA0];
	v0 =	vadd.f32 v24, v23;
	v18 =	vmul.f32 v19, v19;
	v26 =	vmul.f32 v20, v20  }
0x7e: {  	v22 =	vadd.f32 v28, v27;
	v28 =	vld [tilespmem:s8+$0xFFFFFFA0]  }
0x7f: {  	v26 =	vadd.f32 v26, v18;
	v18 =	vadd.f32 v17, v16;
	v16 =	vld [tilespmem:s24+$0xFFFFFFB0];
	[tilespmem:$0x1FF50] =	vst v0  }
0x80: {  	v23 =	vadd.f32 v30, v29;
	v27 =	vmul.f32 v21, v21;
	v29 =	vld [tilespmem:s8+$0xFFFFFFB0]  }
0x81: {  	v24 =	vadd.f32 v31, v25;
	v31 =	vadd.f32 v20, v19;
	v30 =	vld [tilespmem:s24+$0xFFFFFFC0]  }
0x82: {  	v37 =	vadd.f32 v22, v21;
	v38 =	vld [tilespmem:s8+$0xFFFFFFC0];
	v26 =	vadd.f32 v27, v26;
	v27 =	vmul.f32 v22, v22  }
0x83: {  	v41 =	vadd.f32 v24, v0;
	v46 =	vld [tilespmem:s24+$0xFFFFFFE0];
	v39 =	vadd.f32 v18, v23  }
0x84: {  	v25 =	vadd.f32 v34, v33;
	v47 =	vld [tilespmem:s8+$0xFFFFFFE0];
	v26 =	vadd.f32 v27, v26;
	v27 =	vmul.f32 v23, v23  }
0x85: {  	v31 =	vadd.f32 v37, v31;
	v40 =	vld [tilespmem:s24+$0xFFFFFFD0];
	v39 =	vadd.f32 v41, v39  }
0x86: {  	v63 =	vld [tilespmem:s8+$0xFFFFFFD0];
	v45 =	vmul.f32 v18, v18;
	v26 =	vadd.f32 v27, v26;
	v27 =	vadd.f32 v32, v35  }
0x87: {  	v49 =	vmul.f32 v25, v25;
	v50 =	vld [tilespmem:s8+$0xFFFFFFF0];
	v39 =	vadd.f32 v39, v31  }
0x88: {  	v34 =	vadd.f32 v45, v26;
	v26 =	vadd.f32 v28, v36;
	v28 =	vld [tilespmem:s24+$0xFFFFFFF0];
	v31 =	vmul.f32 v27, v27  }
0x89: {  	v48 =	vmul.f32 v0, v0;
	v29 =	vadd.f32 v29, v16;
	v47 =	vadd.f32 v47, v46  }
0x8a: {  	v16 =	vadd.f32 v25, v27;
	v42 =	vmul.f32 v26, v26;
	v36 =	vadd.f32 v49, v31  }
0x8b: {  	v51 =	vmul.f32 v24, v24;
	v34 =	vadd.f32 v48, v34;
	v31 =	vadd.f32 v38, v30  }
0x8c: {  	v52 =	vmul.f32 v29, v29;
	v30 =	vadd.f32 v63, v40;
	v36 =	vadd.f32 v42, v36  }
0x8d: {  	(xrf2) =	vadd.scan.msk.f32 $0xffff, v39;
	v53 =	vadd.f32 v29, v26;
	v28 =	vadd.f32 v50, v28  }
0x8e: {  	v34 =	vadd.f32 v51, v34;
	v54 =	vmul.f32 v31, v31;
	v35 =	vadd.f32 v52, v36  }
0x8f: {  	v55 =	vadd.f32 v30, v31;
	v37 =	vadd.f32 v28, v47  }
0x90: {  	v56 =	vmul.f32 v30, v30;
	(xrf2) =	vadd.scan.msk.f32 $0xffff, v34;
	v33 =	vadd.f32 v54, v35  }
0x91: {  	v16 =	vadd.f32 v53, v16;
	v57 =	vadd.f32 v37, v55  }
0x92: {  	v58 =	vmul.f32 v47, v47;
	v33 =	vadd.f32 v56, v33  }
0x93: {  	s25 =	simm.s32 $0x580;
	v16 =	vadd.f32 v57, v16  }
0x94: {  	s4 =	simm.s32 $0x10580;
	v62 =	vld [tilespmem:s25+$0x60];
	v59 =	vmul.f32 v28, v28;
	v33 =	vadd.f32 v58, v33  }
0x95: {  	v43 =	vld [tilespmem:s4+$0x30];
	(xrf2) =	vadd.scan.msk.f32 $0xffff, v16  }
0x96: {  	v44 =	vld [tilespmem:s25+$0x40];
	v16 =	vadd.f32 v59, v33  }
0x97: {  	v32 =	vld [tilespmem:s4+$0x50];
	v60, _, _ =	vpop (xrf2)  }
0x98: {  	v46 =	vld [tilespmem:s4+$0x0];
	(v2sf) =	vpush v60, $0xF;
	(xrf2) =	vadd.scan.msk.f32 $0xffff, v16  }
0x99: {  	v45 =	vld [tilespmem:s25+$0x0]  }
0x9a: {  	v63 =	vld [tilespmem:s4+$0x60];
	v61, _, _ =	vpop (xrf2)  }
0x9b: {  	v40 =	vld [tilespmem:s25+$0x70];
	(v2sf) =	vpush v61, $0xF  }
0x9c: {  	v49 =	vld [tilespmem:s25+$0x10]  }
0x9d: {  	v50 =	vld [tilespmem:s4+$0x10]  }
0x9e: {  	v51 =	vld [tilespmem:s25+$0x20]  }
0x9f: {  	v54 =	vld [tilespmem:s25+$0x30];
	v48, _, _ =	vpop (xrf2)  }
0xa0: {  	v53 =	vld [tilespmem:s4+$0x20];
	(v2sf) =	vpush v48, $0xF  }
0xa1: {  	v0 =	vadd.f32 v46, v45;
	v45 =	vld [tilespmem:s4+$0x40]  }
0xa2: {  	v35 =	vadd.f32 v50, v49;
	v56 =	vld [tilespmem:s4+$0x70];
	v52, _, _ =	vpop (xrf2)  }
0xa3: {  	v16 =	vld [tilespmem:s25+$0x50];
	[tilespmem:$0x1FFA0] =	vst v0;
	(v2sf) =	vpush v52, $0xF  }
0xa4: {  	v59 =	vadd.f32 v43, v54;
	[tilespmem:$0x1FFB0] =	vst v35  }
0xa5: {  	v55 =	vadd.f32 v53, v51;
	v49 =	vld [tilespmem:s25+$0xFFFFFF90]  }
0xa6: {  	v57 =	vmul.f32 v0, v0;
	v46 =	vmul.f32 v35, v35;
	v48 =	vld [tilespmem:s4+$0xFFFFFF80];
	[tilespmem:$0x1FFD0] =	vst v59  }
0xa7: {  	[tilespmem:$0x1FFC0] =	vst v55;
	s9 =	spop (v2sf)  }
0xa8: {  	v60 =	vadd.f32 v46, v57;
	v61 =	vmul.f32 v55, v55;
	v32 =	vadd.f32 v32, v16;
	v46 =	vld [tilespmem:s4+$0xFFFFFF90];
	s8 =	smul.f32 $7.812500000e-03, s9  }
0xa9: {  	v16 =	vadd.f32 v63, v62;
	v62 =	vadd.f32 v45, v44;
	v39 =	vld [tilespmem:s25+$0xFFFFFF80]  }
0xaa: {  	v58 =	vmov v0;
	v41 =	vadd.f32 v61, v60;
	v63 =	vmul.f32 v59, v59;
	v44 =	vld [tilespmem:s25+$0xFFFFFFA0];
	s26 =	smul.f32 s8, s8;
	s10 =	spop (v2sf)  }
0xab: {  	v17 =	vmov v55;
	v36 =	vadd.f32 v35, v58;
	v0 =	vadd.f32 v56, v40;
	v37 =	vld [tilespmem:s4+$0xFFFFFFA0];
	[tilespmem:$0x1FFE0] =	vst v62;
	s7 =	smul.f32 $7.812500000e-03, s10  }
0xac: {  	v38 =	vadd.f32 v59, v17;
	v41 =	vadd.f32 v63, v41;
	v56 =	vmul.f32 v62, v62;
	v50 =	vld [tilespmem:s25+$0xFFFFFFB0];
	[tilespmem:$0x1FFF0] =	vst v32  }
0xad: {  	v51 =	vadd.f32 v32, v62;
	v52 =	vadd.f32 v0, v16;
	v53 =	vld [tilespmem:s4+$0xFFFFFFB0];
	s7 =	ssub.f32 s7, s26  }
0xae: {  	v40 =	vadd.f32 v38, v36;
	v57 =	vmul.f32 v32, v32;
	v41 =	vadd.f32 v56, v41;
	v54 =	vld [tilespmem:s25+$0xFFFFFFC0]  }
0xaf: {  	v60 =	vld [tilespmem:s25+$0xFFFFFFD0];
	v58 =	vadd.f32 v52, v51;
	v17 =	vadd.f32 v46, v49;
	s7 =	sadd.f32 $9.999999960e-13, s7;
	s11 =	spop (v2sf)  }
0xb0: {  	v59 =	vmul.f32 v16, v16;
	v41 =	vadd.f32 v57, v41;
	v55 =	vld [tilespmem:s4+$0xFFFFFFD0];
	v63 =	vadd.f32 v48, v39;
	s28 =	smul.f32 $7.812500000e-03, s11  }
0xb1: {  	v51 =	vld [tilespmem:s4+$0xFFFFFFC0];
	v45 =	vadd.f32 v58, v40;
	[tilespmem:$0x1FF90] =	vst v17;
	s26 =	smul.f32 $5.000000000e-01, s7  }
0xb2: {  	v61 =	vmul.f32 v0, v0;
	v41 =	vadd.f32 v59, v41;
	v62 =	vld [tilespmem:s25+$0xFFFFFFE0];
	[tilespmem:$0x1FF80] =	vst v63;
	s7 =	sshra.s32 s7, $0x1;
	s12 =	smul.f32 s28, s28;
	s10 =	spop (v2sf)  }
0xb3: {  	(xrf2) =	vadd.scan.msk.f32 $0xffff, v45;
	v34 =	vld [tilespmem:s4+$0xFFFFFFE0];
	s7 =	ssub.s32 $0x5F3759DF, s7;
	s10 =	smul.f32 $7.812500000e-03, s10  }
0xb4: {  	v43 =	vadd.f32 v61, v41;
	v35 =	vld [tilespmem:s25+$0xFFFFFFF0];
	s11 =	smul.f32 s7, s26  }
0xb5: {  	v1 =	vadd.f32 v37, v44;
	v36 =	vmul.f32 v17, v17;
	v37 =	vmul.f32 v63, v63;
	v56 =	vld [tilespmem:s4+$0xFFFFFFF0];
	s9 =	ssub.f32 s10, s12  }
0xb6: {  	(xrf2) =	vadd.scan.msk.f32 $0xffff, v43;
	s12 =	smul.f32 s7, s11  }
0xb7: {  	v42 =	vadd.f32 v53, v50;
	v38 =	vmul.f32 v1, v1;
	v44 =	vadd.f32 v36, v37;
	s9 =	sadd.f32 $9.999999960e-13, s9  }
0xb8: {  	v39 =	vadd.f32 v17, v63;
	v43 =	vadd.f32 v51, v54;
	s10 =	ssub.f32 $1.500000000e+00, s12  }
0xb9: {  	v40 =	vmul.f32 v42, v42;
	v50 =	vadd.f32 v38, v44;
	v44 =	vadd.f32 v55, v60;
	s11 =	sshra.s32 s9, $0x1;
	s9 =	smul.f32 $5.000000000e-01, s9  }
0xba: {  	v45 =	vadd.f32 v34, v62;
	v46 =	vadd.f32 v56, v35;
	s7 =	smul.f32 s7, s10;
	s10 =	ssub.s32 $0x5F3759DF, s11  }
0xbb: {  	v41 =	vadd.f32 v42, v1;
	v57 =	vmul.f32 v43, v43;
	v50 =	vadd.f32 v40, v50;
	s12 =	smul.f32 s10, s9  }
0xbc: {  	v58 =	vadd.f32 v44, v43;
	v59 =	vadd.f32 v46, v45;
	s26 =	smul.f32 s7, s26  }
0xbd: {  	v48 =	vadd.f32 v41, v39;
	v55 =	vmul.f32 v44, v44;
	v50 =	vadd.f32 v57, v50;
	v60, _, _ =	vpop (xrf2);
	s4 =	smul.f32 s10, s12  }
0xbe: {  	v61 =	vadd.f32 v59, v58;
	(v2sf) =	vpush v60, $0xF;
	s11 =	smul.f32 s26, s7;
	s26 =	simm.s32 $0x680  }
0xbf: {  	v63 =	vmul.f32 v45, v45;
	v50 =	vadd.f32 v55, v50;
	v51 =	vld [tilespmem:s26+$0x50]  }
0xc0: {  	v62, _, _ =	vpop (xrf2);
	v48 =	vadd.f32 v61, v48;
	v52 =	vld [tilespmem:s26+$0x60];
	s12 =	ssub.f32 $1.500000000e+00, s4  }
0xc1: {  	v56 =	vmul.f32 v46, v46;
	v50 =	vadd.f32 v63, v50;
	(v2sf) =	vpush v62, $0xF;
	v54 =	vld [tilespmem:s26+$0x70];
	s11 =	ssub.f32 $1.500000000e+00, s11  }
0xc2: {  	v57 =	vmov s28;
	(xrf2) =	vadd.scan.msk.f32 $0xffff, v48;
	v58 =	vld [tilespmem:s26+$0x0];
	s10 =	smul.f32 s10, s12  }
0xc3: {  	v49 =	vmov s8;
	v61 =	vsub.f32 v30, v57;
	v50 =	vadd.f32 v56, v50;
	v30 =	vld [tilespmem:s26+$0x20];
	s4 =	simm.s32 $0x10680;
	s7 =	smul.f32 s11, s7  }
0xc4: {  	v24 =	vsub.f32 v24, v49;
	v19 =	vsub.f32 v19, v49;
	v33 =	vld [tilespmem:s4+$0x0]  }
0xc5: {  	v20 =	vsub.f32 v20, v49;
	v21 =	vsub.f32 v21, v49;
	(xrf2) =	vadd.scan.msk.f32 $0xffff, v50;
	v17 =	vld [tilespmem:s26+$0x30];
	s9 =	smul.f32 s10, s9;
	v32 =	vmul.f32 s7, v5  }
0xc6: {  	v39 =	vsub.f32 v22, v49;
	v60 =	vsub.f32 v31, v57;
	v31 =	vld [tilespmem:s4+$0x10];
	v34 =	vmul.f32 s7, v14  }
0xc7: {  	s9 =	smul.f32 s9, s10;
	v48 =	vmul.f32 v32, v24;
	v24 =	vsub.f32 v25, v57;
	v25 =	vsub.f32 v26, v57;
	v26 =	vld [tilespmem:s26+$0x10]  }
0xc8: {  	v41 =	vsub.f32 v23, v49;
	v27 =	vsub.f32 v27, v57;
	v63 =	vld [tilespmem:s4+$0x20]  }
0xc9: {  	v50 =	vmul.f32 v34, v20;
	v20 =	vadd.f32 v33, v58;
	v58 =	vsub.f32 v18, v49;
	v18 =	vld [tilespmem:$0x1FF50];
	s8 =	ssub.f32 $1.500000000e+00, s9  }
0xca: {  	v29 =	vsub.f32 v29, v57;
	v22 =	vld [tilespmem:s4+$0x30];
	v59 =	vmul.f32 s7, v15;
	v62 =	vmul.f32 s7, v13  }
0xcb: {  	v47 =	vsub.f32 v47, v57;
	v23 =	vld [tilespmem:s26+$0x40];
	v57 =	vsub.f32 v28, v57;
	s28 =	smul.f32 s8, s10  }
0xcc: {  	v53 =	vld [tilespmem:s4+$0x50];
	v59 =	vmul.f32 v59, v19;
	v62 =	vmul.f32 v62, v21;
	v21, _, _ =	vpop (xrf2);
	v19 =	vadd.f32 v31, v26  }
0xcd: {  	v55 =	vld [tilespmem:s4+$0x60];
	s10 =	spop (v2sf);
	(v2sf) =	vpush v21, $0xF;
	v21 =	vadd.f32 v63, v30;
	v28 =	vmul.f32 s28, v15  }
0xce: {  	v35 =	vld [tilespmem:s4+$0x70];
	v30 =	vmul.f32 v20, v20;
	v49 =	vsub.f32 v18, v49;
	v31 =	vmul.f32 v19, v19  }
0xcf: {  	v26 =	vld [tilespmem:s4+$0x40];
	v18 =	vadd.f32 v22, v17;
	v17, _, _ =	vpop (xrf2);
	v40 =	vmul.f32 v28, v27;
	v27 =	vmul.f32 s28, v14  }
0xd0: {  	v56 =	vld [tilespmem:s4+$0xFFFFFFB0];
	s12 =	spop (v2sf);
	(v2sf) =	vpush v17, $0xF;
	v28 =	vmul.f32 s28, v13  }
0xd1: {  	v63 =	vld [tilespmem:s4+$0xFFFFFF80];
	v17 =	vadd.f32 v53, v51;
	v22 =	vadd.f32 v31, v30;
	v38 =	vmul.f32 v27, v24  }
0xd2: {  	v30 =	vadd.f32 v55, v52;
	v37 =	vmul.f32 v28, v25;
	v24 =	vld [tilespmem:s26+$0xFFFFFF90];
	v25 =	vmul.f32 v21, v21  }
0xd3: {  	s8 =	smul.f32 $7.812500000e-03, s10;
	v52 =	vmul.f32 s28, v8;
	v55 =	vadd.f32 v18, v21;
	v27 =	vld [tilespmem:s4+$0xFFFFFF90];
	v28 =	vmul.f32 s28, v12  }
0xd4: {  	s10 =	smul.f32 $7.812500000e-03, s12;
	v51 =	vld [tilespmem:s26+$0xFFFFFF80];
	v31 =	vadd.f32 v26, v23;
	v22 =	vadd.f32 v25, v22;
	v25 =	vmul.f32 v18, v18  }
0xd5: {  	v53 =	vld [tilespmem:s26+$0xFFFFFFA0];
	s11 =	smul.f32 s8, s8;
	v23 =	vadd.f32 v35, v54;
	v54 =	vadd.f32 v19, v20;
	v52 =	vmul.f32 v52, v61  }
0xd6: {  	v36 =	vmul.f32 v28, v29;
	v28 =	vld [tilespmem:s4+$0xFFFFFFA0];
	v25 =	vadd.f32 v25, v22;
	v22 =	vmul.f32 s28, v10  }
0xd7: {  	v33 =	vld [tilespmem:s26+$0xFFFFFFB0];
	s9 =	ssub.f32 s10, s11;
	v26 =	vmul.f32 v31, v31;
	v54 =	vadd.f32 v55, v54;
	v55 =	vadd.f32 v17, v31  }
0xd8: {  	v34 =	vld [tilespmem:s26+$0xFFFFFFC0];
	v61 =	vadd.f32 v23, v30;
	v60 =	vmul.f32 v22, v60;
	v22 =	vadd.f32 v27, v24  }
0xd9: {  	v32 =	vld [tilespmem:s26+$0xFFFFFFE0];
	s9 =	sadd.f32 $9.999999960e-13, s9;
	v25 =	vadd.f32 v26, v25;
	v26 =	vadd.f32 v63, v51  }
0xda: {  	v55 =	vadd.f32 v61, v55;
	v51 =	vld [tilespmem:s4+$0xFFFFFFC0];
	v63 =	vmul.f32 v17, v17  }
0xdb: {  	v35 =	vld [tilespmem:s26+$0xFFFFFFD0];
	s11 =	sshra.s32 s9, $0x1;
	s9 =	smul.f32 $5.000000000e-01, s9;
	v24 =	vadd.f32 v28, v53;
	v28 =	vmul.f32 v22, v22;
	v27 =	vmul.f32 v26, v26  }
0xdc: {  	s10 =	ssub.s32 $0x5F3759DF, s11;
	v61 =	vadd.f32 v63, v25;
	v63 =	vmul.f32 v30, v30;
	v25 =	vadd.f32 v56, v33;
	v56 =	vld [tilespmem:s4+$0xFFFFFFE0]  }
0xdd: {  	s12 =	smul.f32 s10, s9;
	v53 =	vld [tilespmem:s4+$0xFFFFFFD0];
	v33 =	vmul.f32 v24, v24;
	v29 =	vadd.f32 v28, v27  }
0xde: {  	v61 =	vadd.f32 v63, v61;
	v28 =	vmul.f32 v23, v23  }
0xdf: {  	s11 =	smul.f32 s10, s12;
	v27 =	vadd.f32 v51, v34;
	v29 =	vadd.f32 v33, v29  }
0xe0: {  	v33 =	vmul.f32 v25, v25;
	v51 =	vadd.f32 v28, v61;
	v61 =	vmul.f32 s7, v12  }
0xe1: {  	v48 =	vadd.f32 v48, v4;
	s11 =	ssub.f32 $1.500000000e+00, s11;
	v63 =	vmul.f32 s28, v6;
	v28 =	vadd.f32 v56, v32  }
0xe2: {  	v33 =	vadd.f32 v33, v29;
	v29 =	vadd.f32 v53, v35;
	v32 =	vmul.f32 v61, v39  }
0xe3: {  	[tilespmem:s24+$0x70] =	vst v48;
	s10 =	smul.f32 s10, s11;
	v39 =	vadd.f32 v59, v11;
	v53 =	vadd.f32 v62, v7;
	v62 =	vmul.f32 s7, v10  }
0xe4: {  	v50 =	vadd.f32 v50, v9;
	v48 =	vld [tilespmem:$0x1FF70];
	v40 =	vadd.f32 v40, v11  }
0xe5: {  	v38 =	vadd.f32 v38, v9;
	s12 =	spop (v2sf);
	v34 =	vmul.f32 v63, v47;
	s9 =	smul.f32 s10, s9;
	v41 =	vmul.f32 v62, v41;
	v62 =	vld [tilespmem:$0x1FF60];
	[tilespmem:s24+$0x0] =	vst v39  }
0xe6: {  	s12 =	smul.f32 $7.812500000e-03, s12;
	v47 =	vadd.f32 v55, v54;
	v54 =	vmul.f32 s28, v5;
	v63 =	vmul.f32 v27, v27;
	[tilespmem:s24+$0x10] =	vst v50  }
0xe7: {  	v37 =	vadd.f32 v37, v7;
	v36 =	vadd.f32 v36, v3;
	s9 =	smul.f32 s9, s10;
	[tilespmem:s24+$0x20] =	vst v53  }
0xe8: {  	s11 =	smul.f32 s12, s12;
	s28 =	spop (v2sf);
	v35 =	vmul.f32 v54, v57;
	v33 =	vadd.f32 v63, v33;
	v63 =	vmul.f32 s7, v8;
	[tilespmem:s24+$0xFFFFFF80] =	vst v40  }
0xe9: {  	s28 =	smul.f32 $7.812500000e-03, s28;
	(xrf2) =	vadd.scan.msk.f32 $0xffff, v47;
	v34 =	vadd.f32 v34, v48;
	v48 =	vmov s8;
	[tilespmem:s24+$0xFFFFFF90] =	vst v38;
	s9 =	ssub.f32 $1.500000000e+00, s9  }
0xea: {  	v54 =	vadd.f32 v60, v2;
	v47 =	vmul.f32 v63, v58;
	v63 =	vsub.f32 v0, v48;
	v0 =	vld [tilespmem:$0x1FF80];
	[tilespmem:s24+$0xFFFFFFA0] =	vst v37  }
0xeb: {  	s11 =	ssub.f32 s28, s11;
	[tilespmem:s24+$0xFFFFFFB0] =	vst v36;
	s28 =	smul.f32 s9, s10  }
0xec: {  	v55 =	vld [tilespmem:s26+$0xFFFFFFF0];
	(xrf2) =	vadd.scan.msk.f32 $0xffff, v51;
	[tilespmem:s24+$0xFFFFFFC0] =	vst v54;
	v51 =	vadd.f32 v52, v62  }
0xed: {  	v61 =	vld [tilespmem:s4+$0xFFFFFFF0];
	v35 =	vadd.f32 v35, v4;
	[tilespmem:s24+$0xFFFFFFE0] =	vst v34;
	v53 =	vmul.f32 s28, v5  }
0xee: {  	v41 =	vadd.f32 v41, v2;
	v58 =	vmov s12;
	v52 =	vadd.f32 v32, v3;
	[tilespmem:s24+$0xFFFFFFD0] =	vst v51  }
0xef: {  	v57 =	vadd.f32 v47, v62;
	v63 =	vmul.f32 v53, v63;
	v47 =	vsub.f32 v0, v58;
	v0 =	vld [tilespmem:$0x1FF90];
	[tilespmem:s24+$0xFFFFFFF0] =	vst v35  }
0xf0: {  	[tilespmem:s24+$0x30] =	vst v52  }
0xf1: {  	[tilespmem:s24+$0x40] =	vst v41;
	v38 =	vadd.f32 v63, v4  }
0xf2: {  	v32 =	vadd.f32 v61, v55;
	v61 =	vmul.f32 s7, v6;
	[tilespmem:s24+$0x50] =	vst v57  }
0xf3: {  	v62 =	vmul.f32 v29, v29;
	[tilespmem:s25+$0x70] =	vst v38  }
0xf4: {  	v39 =	vmul.f32 v61, v49;
	v49 =	vsub.f32 v0, v58;
	v0 =	vld [tilespmem:$0x1FFA0]  }
0xf5: {  	v60 =	vmul.f32 v28, v28;
	v33 =	vadd.f32 v62, v33;
	_ =	sdelay $0x1  }
0xf6: {  	v63 =	vmul.f32 v32, v32;
	v33 =	vadd.f32 v60, v33;
	_ =	sdelay $0x1  }
0xf7: {  	v33 =	vadd.f32 v63, v33;
	v63 =	vsub.f32 v0, v48;
	v0 =	vld [tilespmem:$0x1FFB0];
	_ =	sdelay $0x3  }
0xf8: {  	v53 =	vsub.f32 v44, v58;
	v44 =	vsub.f32 v45, v58  }
0xf9: {  	v45 =	vsub.f32 v46, v58;
	v46 =	vsub.f32 v0, v48;
	v0 =	vld [tilespmem:$0x1FFC0];
	_ =	sdelay $0x1  }
0xfa: {  	s11 =	sadd.f32 $9.999999960e-13, s11;
	_ =	sdelay $0x1  }
0xfb: {  	s9 =	sshra.s32 s11, $0x1;
	s10 =	smul.f32 $5.000000000e-01, s11  }
0xfc: {  	s11 =	ssub.s32 $0x5F3759DF, s9;
	v57 =	vsub.f32 v0, v48;
	v0 =	vld [tilespmem:$0x1FFD0]  }
0xfd: {  	s9 =	smul.f32 s11, s10;
	_ =	sdelay $0x1  }
0xfe: {  	s9 =	smul.f32 s11, s9;
	_ =	sdelay $0x1  }
0xff: {  	s12 =	ssub.f32 $1.500000000e+00, s9;
	v35 =	vsub.f32 v0, v48;
	v0 =	vld [tilespmem:$0x1FFE0]  }
0x100: {  	v56 =	vadd.f32 v25, v24  }
0x101: {  	v55 =	vadd.f32 v22, v26;
	s7 =	smul.f32 s11, s12  }
0x102: {  	v59 =	vadd.f32 v29, v27;
	v62 =	vadd.f32 v32, v28  }
0x103: {  	v40 =	vadd.f32 v56, v55;
	s8 =	smul.f32 s7, s10  }
0x104: {  	v56, _, _ =	vpop (xrf2);
	v59 =	vadd.f32 v62, v59;
	v37 =	vsub.f32 v0, v48;
	v0 =	vld [tilespmem:$0x1FFF0]  }
0x105: {  	v50 =	vsub.f32 v1, v58;
	v54 =	vmul.f32 s28, v14;
	(v2sf) =	vpush v56, $0xF;
	v61, _, _ =	vpop (xrf2);
	s8 =	smul.f32 s8, s7  }
0x106: {  	v34 =	vmul.f32 s28, v6;
	(v2sf) =	vpush v61, $0xF;
	v62 =	vadd.f32 v59, v40  }
0x107: {  	v55 =	vmul.f32 s28, v13;
	v51 =	vsub.f32 v42, v58;
	v60 =	vmul.f32 s28, v15;
	s8 =	ssub.f32 $1.500000000e+00, s8  }
0x108: {  	v42 =	vmul.f32 s28, v10;
	v52 =	vsub.f32 v43, v58;
	v41 =	vmul.f32 s28, v8;
	(xrf2) =	vadd.scan.msk.f32 $0xffff, v62  }
0x109: {  	v40 =	vmul.f32 s28, v12;
	s28 =	simm.s32 $0x4;
	(xrf2) =	vadd.scan.msk.f32 $0xffff, v33;
	s8 =	smul.f32 s8, s7;
	s7 =	simm.s32 $0x780;
	v56 =	vmul.f32 v60, v63;
	v36 =	vsub.f32 v0, v48  }
.LBB2_2:
0x10a: {  	v43 =	vld [tilespmem:s7+$0x50]  }
0x10b: {  	v33 =	vmov v31;
	v31 =	vld [tilespmem:s7+$0x60];
	v38 =	vmul.f32 v54, v46;
	v46 =	vmul.f32 v55, v57  }
0x10c: {  	s4 =	sadd.s32 $0x100, s4;
	v1 =	vld [tilespmem:$0x1FF70];
	v57 =	vmul.f32 s8, v13;
	v60 =	vmul.f32 s8, v10  }
0x10d: {  	v48 =	vsub.f32 v16, v48;
	v16 =	vmovc v30;
	v30 =	vld [tilespmem:s4+$0x50];
	v56 =	vadd.f32 v56, v11;
	v62 =	vmul.f32 s8, v6  }
0x10e: {  	v59 =	vld [tilespmem:s4+$0x60];
	v38 =	vadd.f32 v38, v9;
	v57 =	vmul.f32 v57, v50;
	v60 =	vmul.f32 v60, v52  }
0x10f: {  	v54 =	vmul.f32 s8, v15;
	[tilespmem:s25+$0x0] =	vst v56;
	v46 =	vadd.f32 v46, v7;
	v56 =	vld [tilespmem:s7+$0x70]  }
0x110: {  	v44 =	vmul.f32 v62, v44;
	[tilespmem:s25+$0x10] =	vst v38;
	v62 =	vadd.f32 v57, v7;
	v57 =	vadd.f32 v60, v2;
	v60 =	vld [tilespmem:$0x1FF60]  }
0x111: {  	v55 =	vmul.f32 s8, v14;
	v38 =	vadd.f32 v39, v1;
	v0 =	vld [tilespmem:s7+$0x0];
	[tilespmem:s25+$0x20] =	vst v46  }
0x112: {  	v61 =	vmul.f32 s8, v8;
	v47 =	vmul.f32 v54, v47;
	v46 =	vld [tilespmem:s4+$0x0]  }
0x113: {  	v58 =	vmul.f32 s8, v12;
	v49 =	vmul.f32 v55, v49;
	v39, _, _ =	vpop (xrf2);
	[tilespmem:s24+$0x60] =	vst v38;
	v38 =	vld [tilespmem:s7+$0x10]  }
0x114: {  	v63 =	vmul.f32 s8, v5;
	v47 =	vadd.f32 v47, v11;
	v55 =	vld [tilespmem:s7+$0x20];
	s10 =	spop (v2sf);
	(v2sf) =	vpush v39, $0xF  }
0x115: {  	v58 =	vmul.f32 v58, v51;
	v52 =	vmul.f32 v61, v53;
	v49 =	vadd.f32 v49, v9;
	s24 =	smov.u32 s25;
	v53 =	vld [tilespmem:s4+$0x10];
	s8 =	smul.f32 $7.812500000e-03, s10;
	s10 =	spop (v2sf)  }
0x116: {  	v40 =	vmul.f32 v40, v35;
	v42 =	vmul.f32 v42, v37;
	[tilespmem:s24+$0xFFFFFF80] =	vst v47;
	v37 =	vld [tilespmem:s4+$0x20];
	v61, _, _ =	vpop (xrf2);
	s10 =	smul.f32 $7.812500000e-03, s10  }
0x117: {  	v45 =	vmul.f32 v63, v45;
	v63 =	vadd.f32 v58, v3;
	[tilespmem:s24+$0xFFFFFF90] =	vst v49;
	v58 =	vld [tilespmem:s4+$0x30];
	(v2sf) =	vpush v61, $0xF;
	s9 =	smul.f32 s8, s8  }
0x118: {  	v40 =	vadd.f32 v40, v3;
	[tilespmem:s24+$0xFFFFFFA0] =	vst v62;
	v62 =	vld [tilespmem:s4+$0x40]  }
0x119: {  	v42 =	vadd.f32 v42, v2;
	[tilespmem:s24+$0xFFFFFFB0] =	vst v63;
	v35 =	vadd.f32 v46, v0;
	v39 =	vmul.f32 v34, v48;
	v34 =	vld [tilespmem:s7+$0x30];
	s9 =	ssub.f32 s10, s9  }
0x11a: {  	v41 =	vmul.f32 v41, v36;
	[tilespmem:s24+$0xFFFFFFC0] =	vst v57;
	v63 =	vld [tilespmem:s4+$0x70];
	v36 =	vadd.f32 v53, v38;
	v61 =	vadd.f32 v52, v60  }
0x11b: {  	v44 =	vadd.f32 v44, v1;
	v45 =	vadd.f32 v45, v4;
	v0 =	vld [tilespmem:s7+$0x40];
	[tilespmem:s24+$0x30] =	vst v40;
	s9 =	sadd.f32 $9.999999960e-13, s9  }
0x11c: {  	v37 =	vadd.f32 v37, v55;
	v40 =	vld [tilespmem:s7+$0xFFFFFF80];
	v55 =	vmul.f32 v35, v35;
	v57 =	vmul.f32 v36, v36;
	[tilespmem:s24+$0xFFFFFFD0] =	vst v61  }
0x11d: {  	v43 =	vadd.f32 v30, v43;
	v41 =	vadd.f32 v41, v60;
	v50 =	vld [tilespmem:s4+$0xFFFFFF80];
	[tilespmem:s24+$0xFFFFFFE0] =	vst v44;
	s11 =	sshra.s32 s9, $0x1;
	s9 =	smul.f32 $5.000000000e-01, s9  }
0x11e: {  	v60 =	vmul.f32 v37, v37;
	v44 =	vld [tilespmem:s7+$0xFFFFFF90];
	[tilespmem:s24+$0xFFFFFFF0] =	vst v45;
	v38 =	vadd.f32 v58, v34;
	v58 =	vadd.f32 v57, v55;
	s10 =	ssub.s32 $0x5F3759DF, s11  }
0x11f: {  	v30 =	vadd.f32 v59, v31;
	v46 =	vadd.f32 v63, v56;
	v45 =	vld [tilespmem:s4+$0xFFFFFF90];
	s11 =	smul.f32 s10, s9  }
0x120: {  	[tilespmem:s24+$0x40] =	vst v42;
	v31 =	vadd.f32 v62, v0;
	v42 =	vld [tilespmem:s7+$0xFFFFFFA0];
	v0 =	vadd.f32 v60, v58;
	v61 =	vmul.f32 v38, v38  }
0x121: {  	v62 =	vadd.f32 v36, v35;
	v63 =	vld [tilespmem:s4+$0xFFFFFFA0];
	v56 =	vadd.f32 v38, v37;
	s11 =	smul.f32 s10, s11  }
0x122: {  	v59 =	vadd.f32 v46, v30;
	v49 =	vld [tilespmem:s7+$0xFFFFFFB0];
	v57 =	vmul.f32 v31, v31;
	v0 =	vadd.f32 v61, v0  }
0x123: {  	v53 =	vld [tilespmem:s7+$0xFFFFFFC0];
	v58 =	vadd.f32 v43, v31;
	v47 =	vadd.f32 v56, v62;
	s11 =	ssub.f32 $1.500000000e+00, s11;
	s12 =	spop (v2sf)  }
0x124: {  	v60 =	vmul.f32 v43, v43;
	v44 =	vadd.f32 v45, v44;
	v45 =	vld [tilespmem:s4+$0xFFFFFFB0];
	v0 =	vadd.f32 v57, v0;
	s12 =	smul.f32 $7.812500000e-03, s12  }
0x125: {  	v61 =	vadd.f32 v59, v58;
	v40 =	vadd.f32 v50, v40;
	v50 =	vld [tilespmem:s4+$0xFFFFFFC0];
	s10 =	smul.f32 s10, s11  }
0x126: {  	v62 =	vmul.f32 v30, v30;
	v0 =	vadd.f32 v60, v0;
	s11 =	smul.f32 s12, s12;
	v56 =	vmov s12;
	s12 =	spop (v2sf)  }
0x127: {  	[tilespmem:s24+$0x50] =	vst v41;
	v41 =	vld [tilespmem:s7+$0xFFFFFFD0];
	v52 =	vadd.f32 v63, v42;
	v63 =	vmul.f32 v44, v44;
	v60 =	vmul.f32 v40, v40;
	s12 =	smul.f32 $7.812500000e-03, s12  }
0x128: {  	v48 =	vld [tilespmem:s4+$0xFFFFFFD0];
	v47 =	vadd.f32 v61, v47;
	v61 =	vmul.f32 v46, v46;
	v0 =	vadd.f32 v62, v0;
	s9 =	smul.f32 s10, s9  }
0x129: {  	v57 =	vld [tilespmem:s4+$0xFFFFFFE0];
	v45 =	vadd.f32 v45, v49;
	v62 =	vmul.f32 v52, v52;
	v42 =	vadd.f32 v63, v60;
	s11 =	ssub.f32 s12, s11  }
0x12a: {  	(xrf2) =	vadd.scan.msk.f32 $0xffff, v47;
	v58 =	vadd.f32 v50, v53;
	v49 =	vld [tilespmem:s7+$0xFFFFFFE0];
	v0 =	vadd.f32 v61, v0;
	s9 =	smul.f32 s9, s10  }
0x12b: {  	v34 =	vld [tilespmem:s7+$0xFFFFFFF0];
	v63 =	vmul.f32 v45, v45;
	v42 =	vadd.f32 v62, v42;
	s11 =	sadd.f32 $9.999999960e-13, s11  }
0x12c: {  	v54 =	vadd.f32 v44, v40;
	v53 =	vld [tilespmem:s4+$0xFFFFFFF0];
	v59 =	vmul.f32 v58, v58;
	(xrf2) =	vadd.scan.msk.f32 $0xffff, v0;
	s9 =	ssub.f32 $1.500000000e+00, s9  }
0x12d: {  	v0 =	vadd.f32 v48, v41;
	v48 =	vmov s8;
	v60 =	vadd.f32 v63, v42;
	s12 =	sshra.s32 s11, $0x1;
	s11 =	smul.f32 $5.000000000e-01, s11  }
0x12e: {  	v47 =	vsub.f32 v26, v56;
	v26 =	vmov v40;
	v62 =	vsub.f32 v23, v48;
	s9 =	smul.f32 s9, s10;
	s12 =	ssub.s32 $0x5F3759DF, s12  }
0x12f: {  	v23 =	vmovc v46;
	v46 =	vadd.f32 v57, v49;
	v63 =	vmul.f32 v0, v0;
	v40 =	vadd.f32 v59, v60;
	s10 =	smul.f32 s12, s11  }
0x130: {  	v50 =	vadd.f32 v45, v52  }
0x131: {  	v57 =	vadd.f32 v53, v34;
	v60 =	vmul.f32 v46, v46;
	v40 =	vadd.f32 v63, v40;
	s10 =	smul.f32 s12, s10  }
0x132: {  	v50 =	vadd.f32 v50, v54;
	v49 =	vadd.f32 v0, v58;
	v61 =	vmul.f32 s9, v5  }
0x133: {  	v1 =	vmul.f32 v57, v57;
	v34 =	vadd.f32 v60, v40;
	v59 =	vmul.f32 s9, v15;
	s10 =	ssub.f32 $1.500000000e+00, s10  }
0x134: {  	v54 =	vmul.f32 s9, v14;
	v51 =	vmul.f32 v61, v62;
	v61 =	vadd.f32 v57, v46;
	v62, _, _ =	vpop (xrf2)  }
0x135: {  	v55 =	vmul.f32 s9, v13;
	v60 =	vadd.f32 v1, v34;
	(v2sf) =	vpush v62, $0xF;
	s8 =	smul.f32 s12, s10  }
0x136: {  	v40 =	vmul.f32 s9, v12;
	v63, _, _ =	vpop (xrf2);
	v41 =	vadd.f32 v51, v4;
	v53 =	vadd.f32 v61, v49  }
0x137: {  	v42 =	vmul.f32 s9, v10;
	v49 =	vsub.f32 v22, v56;
	(v2sf) =	vpush v63, $0xF;
	s12 =	smul.f32 s8, s11  }
0x138: {  	s28 =	sadd.s32 $0x2, s28;
	s25 =	smov.u32 s26;
	v34 =	vmul.f32 s9, v6;
	v22 =	vmovc v44;
	v51 =	vsub.f32 v25, v56;
	v25 =	vmovc v45;
	v44 =	vsub.f32 v28, v56  }
0x139: {  	p0 =	slt.u32 s28, $0xFE;
	v45 =	vsub.f32 v32, v56;
	v28 =	vmovc v46;
	v46 =	vsub.f32 v19, v48;
	[tilespmem:s25+$0x70] =	vst v41;
	v41 =	vmul.f32 s9, v8;
	s9 =	smul.f32 s12, s8  }
.Ltmp0:
0x13a: {  	v32 =	vmov v57;
	v57 =	vsub.f32 v21, v48;
	v53 =	vadd.f32 v53, v50;
	(pc) =	sbr.rel @p0 .LBB2_2-.Ltmp0, $4  }
0x13b: {  	v19 =	vmovc v36;
	v21 =	vmov v37;
	v37 =	vsub.f32 v33, v48;
	v36 =	vsub.f32 v17, v48  }
0x13c: {  	(xrf2) =	vadd.scan.msk.f32 $0xffff, v53;
	v53 =	vsub.f32 v29, v56;
	v29 =	vmov v0;
	v0 =	vsub.f32 v20, v48;
	s9 =	ssub.f32 $1.500000000e+00, s9  }
0x13d: {  	v17 =	vmovc v43;
	v50 =	vsub.f32 v24, v56;
	v24 =	vmovc v52;
	v52 =	vsub.f32 v27, v56;
	v27 =	vmov v58  }
0x13e: {  	s26 =	smov.u32 s7;
	s7 =	sadd.s32 $0x100, s7;
	v20 =	vmovc v35;
	v35 =	vsub.f32 v18, v48;
	v18 =	vmov v38;
	(xrf2) =	vadd.scan.msk.f32 $0xffff, v60;
	v56 =	vmul.f32 v59, v0;
	s8 =	smul.f32 s9, s8  }
0x13f: {  	_ =	sdelay $0x6  }
0x140: {  	v0, _, _ =	vpop (xrf2)  }
0x141: {  	(v2sf) =	vpush v0, $0xF;
	_ =	sdelay $0x1  }
0x142: {  	v0, _, _ =	vpop (xrf2)  }
0x143: {  	s4 =	spop (v2sf);
	(v2sf) =	vpush v0, $0xF  }
0x144: {  	s7 =	smul.f32 $7.812500000e-03, s4;
	_ =	sdelay $0x1  }
0x145: {  	s9 =	spop (v2sf);
	s4 =	smul.f32 s7, s7  }
0x146: {  	s9 =	smul.f32 $7.812500000e-03, s9;
	_ =	sdelay $0x1  }
0x147: {  	s4 =	ssub.f32 s9, s4;
	_ =	sdelay $0x1  }
0x148: {  	s4 =	sadd.f32 $9.999999960e-13, s4;
	_ =	sdelay $0x1  }
0x149: {  	s11 =	sshra.s32 s4, $0x1;
	s10 =	smul.f32 $5.000000000e-01, s4  }
0x14a: {  	s9 =	ssub.s32 $0x5F3759DF, s11  }
0x14b: {  	s11 =	smul.f32 s9, s10;
	s12 =	spop (v2sf)  }
0x14c: {  	s4 =	smul.f32 $7.812500000e-03, s12  }
0x14d: {  	s11 =	smul.f32 s9, s11  }
0x14e: {  	s28 =	spop (v2sf);
	s12 =	smul.f32 s4, s4  }
0x14f: {  	s28 =	smul.f32 $7.812500000e-03, s28  }
0x150: {  	v33 =	vmul.f32 v55, v57;
	v37 =	vmul.f32 v42, v37;
	s11 =	ssub.f32 $1.500000000e+00, s11  }
0x151: {  	v0 =	vmul.f32 v54, v46;
	v46 =	vmul.f32 s8, v13;
	s12 =	ssub.f32 s28, s12  }
0x152: {  	v38 =	vmul.f32 s8, v15;
	v43 =	vmul.f32 s8, v14  }
0x153: {  	v62 =	vmul.f32 s8, v12;
	v46 =	vmul.f32 v46, v50;
	v50 =	vld [tilespmem:$0x1FF70];
	s9 =	smul.f32 s9, s11;
	s11 =	sadd.f32 $9.999999960e-13, s12  }
0x154: {  	v16 =	vsub.f32 v16, v48;
	v63 =	vmul.f32 s8, v10;
	v60 =	vmul.f32 s8, v8  }
0x155: {  	v56 =	vadd.f32 v56, v11;
	v61 =	vmul.f32 s8, v6;
	v58 =	vmul.f32 s8, v5;
	s12 =	sshra.s32 s11, $0x1;
	s11 =	smul.f32 $5.000000000e-01, s11  }
0x156: {  	v33 =	vadd.f32 v33, v7;
	v57 =	vadd.f32 v37, v2;
	v38 =	vmul.f32 v38, v47;
	s10 =	smul.f32 s9, s10;
	s8 =	ssub.s32 $0x5F3759DF, s12  }
0x157: {  	v43 =	vmul.f32 v43, v49;
	v62 =	vmul.f32 v62, v51;
	v0 =	vadd.f32 v0, v9;
	[tilespmem:s25+$0x0] =	vst v56;
	s12 =	smul.f32 s8, s11  }
0x158: {  	v48 =	vmul.f32 v63, v52;
	v63 =	vmul.f32 v60, v53;
	[tilespmem:s25+$0x20] =	vst v33;
	v39 =	vadd.f32 v39, v50;
	s10 =	smul.f32 s10, s9  }
0x159: {  	v38 =	vadd.f32 v38, v11;
	v47 =	vadd.f32 v62, v3;
	v53 =	vmov s7;
	[tilespmem:s25+$0x10] =	vst v0;
	s12 =	smul.f32 s8, s12  }
0x15a: {  	v35 =	vmul.f32 v40, v35;
	v51 =	vadd.f32 v48, v2;
	v23 =	vsub.f32 v23, v53;
	[tilespmem:s24+$0x60] =	vst v39;
	s10 =	ssub.f32 $1.500000000e+00, s10  }
0x15b: {  	v44 =	vmul.f32 v61, v44;
	v20 =	vsub.f32 v20, v53;
	v0 =	vadd.f32 v43, v9;
	v1 =	vld [tilespmem:$0x1FF60];
	s12 =	ssub.f32 $1.500000000e+00, s12  }
0x15c: {  	v45 =	vmul.f32 v58, v45;
	v19 =	vsub.f32 v19, v53;
	v21 =	vsub.f32 v21, v53;
	s9 =	smul.f32 s10, s9  }
0x15d: {  	v18 =	vsub.f32 v18, v53;
	v46 =	vadd.f32 v46, v7;
	[tilespmem:s25+$0xFFFFFF90] =	vst v0;
	v0 =	vmul.f32 v34, v16;
	s10 =	smul.f32 s8, s12  }
0x15e: {  	v36 =	vmul.f32 v41, v36;
	v56 =	vadd.f32 v35, v3;
	v54 =	vadd.f32 v44, v50;
	[tilespmem:s25+$0xFFFFFF80] =	vst v38  }
0x15f: {  	v16 =	vadd.f32 v45, v4;
	[tilespmem:s25+$0xFFFFFFA0] =	vst v46;
	v0 =	vadd.f32 v0, v50;
	s12 =	smul.f32 s10, s11  }
0x160: {  	[tilespmem:s25+$0xFFFFFFB0] =	vst v47;
	v52 =	vadd.f32 v63, v1;
	v36 =	vadd.f32 v36, v1;
	v58 =	vmov s4  }
0x161: {  	[tilespmem:s25+$0xFFFFFFC0] =	vst v51;
	v26 =	vsub.f32 v26, v58;
	v22 =	vsub.f32 v22, v58;
	s4 =	smul.f32 s12, s10  }
0x162: {  	[tilespmem:s25+$0xFFFFFFE0] =	vst v54;
	v24 =	vsub.f32 v24, v58;
	v25 =	vsub.f32 v25, v58;
	v55 =	vmul.f32 s9, v5  }
0x163: {  	[tilespmem:s25+$0x30] =	vst v56;
	v27 =	vsub.f32 v27, v58;
	v59 =	vmul.f32 s9, v15;
	v60 =	vmul.f32 s9, v14;
	s4 =	ssub.f32 $1.500000000e+00, s4  }
0x164: {  	[tilespmem:s25+$0x40] =	vst v57;
	v29 =	vsub.f32 v29, v58;
	v61 =	vmul.f32 s9, v13;
	v23 =	vmul.f32 v55, v23  }
0x165: {  	[tilespmem:s25+$0xFFFFFFF0] =	vst v16;
	v28 =	vsub.f32 v28, v58;
	v62 =	vmul.f32 s9, v12;
	v20 =	vmul.f32 v59, v20;
	s4 =	smul.f32 s4, s10  }
0x166: {  	[tilespmem:s25+$0x60] =	vst v0;
	v63 =	vmul.f32 s9, v10;
	v19 =	vmul.f32 v60, v19;
	v23 =	vadd.f32 v23, v4  }
0x167: {  	[tilespmem:s25+$0xFFFFFFD0] =	vst v52;
	v21 =	vmul.f32 v61, v21;
	v20 =	vadd.f32 v20, v11;
	v46 =	vmul.f32 s4, v15  }
0x168: {  	v45 =	vmul.f32 s9, v8;
	v19 =	vadd.f32 v19, v9;
	[tilespmem:s26+$0x70] =	vst v23;
	v47 =	vmul.f32 s4, v14  }
0x169: {  	[tilespmem:s26+$0x0] =	vst v20;
	v20 =	vadd.f32 v21, v7;
	v48 =	vmul.f32 s4, v13;
	v21 =	vmul.f32 v46, v26  }
0x16a: {  	v23 =	vsub.f32 v32, v58;
	[tilespmem:s26+$0x10] =	vst v19;
	v26 =	vmul.f32 s4, v12;
	v19 =	vmul.f32 v47, v22  }
0x16b: {  	[tilespmem:s26+$0x20] =	vst v20;
	v22 =	vmul.f32 s4, v10;
	v20 =	vmul.f32 v48, v24;
	v21 =	vadd.f32 v21, v11  }
0x16c: {  	[tilespmem:s25+$0x50] =	vst v36;
	v24 =	vmul.f32 s4, v8;
	v25 =	vmul.f32 v26, v25;
	v0 =	vadd.f32 v19, v9  }
0x16d: {  	v19 =	vmul.f32 s4, v6;
	v22 =	vmul.f32 v22, v27;
	v20 =	vadd.f32 v20, v7;
	[tilespmem:s26+$0xFFFFFF80] =	vst v21  }
0x16e: {  	v24 =	vmul.f32 v24, v29;
	v21 =	vmul.f32 s4, v5;
	[tilespmem:s26+$0xFFFFFF90] =	vst v0;
	v0 =	vadd.f32 v25, v3  }
0x16f: {  	v16 =	vmul.f32 s9, v6;
	v19 =	vmul.f32 v19, v28;
	v22 =	vadd.f32 v22, v2;
	[tilespmem:s26+$0xFFFFFFA0] =	vst v20  }
0x170: {  	v20 =	vsub.f32 v31, v53;
	v21 =	vmul.f32 v21, v23;
	v23 =	vadd.f32 v24, v1;
	[tilespmem:s26+$0xFFFFFFB0] =	vst v0  }
0x171: {  	v0 =	vsub.f32 v17, v53;
	v17 =	vmul.f32 v62, v18;
	v18 =	vadd.f32 v19, v50;
	[tilespmem:s26+$0xFFFFFFC0] =	vst v22  }
0x172: {  	v19 =	vsub.f32 v30, v53;
	v20 =	vmul.f32 v63, v20;
	v21 =	vadd.f32 v21, v4;
	[tilespmem:s26+$0xFFFFFFD0] =	vst v23  }
0x173: {  	v0 =	vmul.f32 v45, v0;
	v17 =	vadd.f32 v17, v3;
	[tilespmem:s26+$0xFFFFFFE0] =	vst v18  }
0x174: {  	v16 =	vmul.f32 v16, v19;
	v18 =	vadd.f32 v20, v2;
	[tilespmem:s26+$0xFFFFFFF0] =	vst v21  }
0x175: {  	v0 =	vadd.f32 v0, v1;
	[tilespmem:s26+$0x30] =	vst v17  }
0x176: {  	[tilespmem:s26+$0x40] =	vst v18;
	v16 =	vadd.f32 v16, v50  }
0x177: {  	[tilespmem:s26+$0x50] =	vst v0  }
0x178: {  	[tilespmem:s26+$0x60] =	vst v16  }
0x179: {  	[hbm4b:s15+s5] =	stream.linear.scatter [tilespmem:s0], [sflag:$0x5], $0x8000, $0x38;
	[tilespmem:$0x18500] =	vst v63  }
0x17a: {  	_ =	swait.ge [sflag:s30], $0x8000  }
0x17b: {  	[sflag:s30] =	ssyncset.done $0x0  }
0x17c: {  	s24 =	simm.s32 $0x200;
	[sflag:s30] =	ssyncadd.s32 $0xFFFF8000  }
0x17d: {  	[tilespmem:s0], [sflag:$0x1] =	stream.indirect.gather [hbm4b:s1+s20], $0x80, s24, s20, $0xb8;
	[tilespmem:$0x18500] =	vst v63  }
0x17e: {  	s25 =	simm.s32 $0x280;
	s26 =	simm.s32 $0x4400  }
0x17f: {  	[tilespmem:s26], [sflag:$0x1] =	stream.indirect.gather [hbm4b:s1+s20], $0x80, s25, s20, $0xb8;
	[tilespmem:$0x18500] =	vst v63  }
0x180: {  	_ =	swait.ge [sflag:s21], $0x4000  }
0x181: {  	[sflag:s21] =	ssyncset.done $0x0  }
0x182: {  	[sflag:s21] =	ssyncadd.s32 $0xFFFFC000  }
0x183: {  	_ =	swait.ge [sflag:s21], $0x4000  }
0x184: {  	[sflag:s21] =	ssyncset.done $0x0  }
0x185: {  	s24 =	simm.s32 $0x8480;
	[sflag:s21] =	ssyncadd.s32 $0xFFFFC000  }
0x186: {  	s7 =	simm.s32 $0x10480;
	v0 =	vld [tilespmem:s24+$0x50]  }
0x187: {  	v16 =	vld [tilespmem:s7+$0x50]  }
0x188: {  	v20 =	vld [tilespmem:s24+$0x60]  }
0x189: {  	v23 =	vld [tilespmem:s7+$0x60]  }
0x18a: {  	v24 =	vld [tilespmem:s24+$0x70]  }
0x18b: {  	v17 =	vld [tilespmem:s24+$0x0]  }
0x18c: {  	v18 =	vld [tilespmem:s7+$0x0]  }
0x18d: {  	v19 =	vld [tilespmem:s24+$0x10]  }
0x18e: {  	v21 =	vld [tilespmem:s7+$0x10]  }
0x18f: {  	v22 =	vld [tilespmem:s24+$0x20]  }
0x190: {  	v25 =	vld [tilespmem:s7+$0x20]  }
0x191: {  	v26 =	vld [tilespmem:s24+$0x30]  }
0x192: {  	v27 =	vld [tilespmem:s7+$0x30]  }
0x193: {  	v28 =	vld [tilespmem:s24+$0x40]  }
0x194: {  	v29 =	vld [tilespmem:s7+$0x40]  }
0x195: {  	v30 =	vld [tilespmem:s7+$0x70]  }
0x196: {  	v31 =	vld [tilespmem:s7+$0xFFFFFF80]  }
0x197: {  	v49 =	vld [tilespmem:s24+$0xFFFFFF90];
	v17 =	vadd.f32 v18, v17;
	v18 =	vadd.f32 v21, v19  }
0x198: {  	v50 =	vld [tilespmem:s7+$0xFFFFFF90]  }
0x199: {  	v52 =	vld [tilespmem:s7+$0xFFFFFFB0];
	v19 =	vadd.f32 v25, v22;
	v21 =	vmul.f32 v17, v17;
	v25 =	vmul.f32 v18, v18  }
0x19a: {  	v55 =	vld [tilespmem:s24+$0xFFFFFFC0];
	v22 =	vadd.f32 v27, v26;
	v20 =	vadd.f32 v23, v20  }
0x19b: {  	v56 =	vld [tilespmem:s7+$0xFFFFFFC0];
	v23 =	vadd.f32 v29, v28;
	v26 =	vmul.f32 v19, v19;
	v25 =	vadd.f32 v25, v21  }
0x19c: {  	v27 =	vld [tilespmem:s24+$0xFFFFFF80];
	v29 =	vadd.f32 v18, v17;
	v51 =	vadd.f32 v22, v19  }
0x19d: {  	v58 =	vld [tilespmem:s24+$0xFFFFFFD0];
	v21 =	vadd.f32 v16, v0;
	v16 =	vadd.f32 v26, v25;
	v26 =	vmul.f32 v22, v22  }
0x19e: {  	v28 =	vld [tilespmem:s7+$0xFFFFFFA0];
	v25 =	vadd.f32 v30, v24  }
0x19f: {  	v0 =	vld [tilespmem:s24+$0xFFFFFFA0];
	v29 =	vadd.f32 v51, v29;
	v16 =	vadd.f32 v26, v16;
	v26 =	vmul.f32 v23, v23  }
0x1a0: {  	v59 =	vld [tilespmem:s7+$0xFFFFFFD0];
	v53 =	vadd.f32 v21, v23;
	v54 =	vadd.f32 v25, v20  }
0x1a1: {  	v27 =	vadd.f32 v31, v27;
	v30 =	vld [tilespmem:s24+$0xFFFFFFB0];
	v16 =	vadd.f32 v26, v16;
	v26 =	vmul.f32 v21, v21  }
0x1a2: {  	v63 =	vld [tilespmem:s24+$0xFFFFFFF0];
	v24 =	vadd.f32 v50, v49;
	v57 =	vadd.f32 v54, v53  }
0x1a3: {  	v40 =	vld [tilespmem:s7+$0xFFFFFFF0];
	v31 =	vmul.f32 v20, v20;
	v61 =	vmul.f32 v27, v27;
	v16 =	vadd.f32 v26, v16  }
0x1a4: {  	v60 =	vld [tilespmem:s24+$0xFFFFFFE0];
	v26 =	vadd.f32 v28, v0;
	v0 =	vmul.f32 v24, v24;
	v29 =	vadd.f32 v57, v29  }
0x1a5: {  	v62 =	vld [tilespmem:s7+$0xFFFFFFE0];
	v16 =	vadd.f32 v31, v16;
	v31 =	vmul.f32 v25, v25  }
0x1a6: {  	v28 =	vadd.f32 v52, v30;
	(xrf2) =	vadd.scan.msk.f32 $0xffff, v29;
	v29 =	vmul.f32 v26, v26;
	v0 =	vadd.f32 v0, v61  }
0x1a7: {  	v16 =	vadd.f32 v31, v16  }
0x1a8: {  	v47 =	vadd.f32 v40, v63;
	v31 =	vmul.f32 v28, v28;
	v0 =	vadd.f32 v29, v0  }
0x1a9: {  	v30 =	vadd.f32 v59, v58;
	v29 =	vadd.f32 v56, v55;
	(xrf2) =	vadd.scan.msk.f32 $0xffff, v16  }
0x1aa: {  	v0 =	vadd.f32 v31, v0;
	v31 =	vadd.f32 v62, v60  }
0x1ab: {  	v41 =	vadd.f32 v28, v26;
	v16 =	vadd.f32 v24, v27;
	v32 =	vmul.f32 v29, v29  }
0x1ac: {  	v34 =	vadd.f32 v30, v29;
	v43 =	vadd.f32 v47, v31  }
0x1ad: {  	v0 =	vadd.f32 v32, v0  }
0x1ae: {  	s25 =	simm.s32 $0x8580;
	v42 =	vmul.f32 v30, v30;
	v16 =	vadd.f32 v41, v16;
	v32 =	vadd.f32 v43, v34  }
0x1af: {  	v36 =	vld [tilespmem:s25+$0x50]  }
0x1b0: {  	v39 =	vld [tilespmem:s25+$0x70];
	s7 =	simm.s32 $0x10580;
	v44 =	vmul.f32 v31, v31;
	v0 =	vadd.f32 v42, v0;
	v45, _, _ =	vpop (xrf2);
	v16 =	vadd.f32 v32, v16  }
0x1b1: {  	v63 =	vld [tilespmem:s7+$0x70];
	(v2sf) =	vpush v45, $0xF  }
0x1b2: {  	v46 =	vmul.f32 v47, v47;
	v51 =	vld [tilespmem:s25+$0x10];
	v0 =	vadd.f32 v44, v0;
	(xrf2) =	vadd.scan.msk.f32 $0xffff, v16  }
0x1b3: {  	v49 =	vld [tilespmem:s25+$0x0];
	v48, _, _ =	vpop (xrf2)  }
0x1b4: {  	v50 =	vld [tilespmem:s7+$0x0];
	v0 =	vadd.f32 v46, v0;
	(v2sf) =	vpush v48, $0xF  }
0x1b5: {  	v53 =	vld [tilespmem:s25+$0x20]  }
0x1b6: {  	v54 =	vld [tilespmem:s7+$0x20];
	(xrf2) =	vadd.scan.msk.f32 $0xffff, v0  }
0x1b7: {  	v52 =	vld [tilespmem:s7+$0x10]  }
0x1b8: {  	v57 =	vld [tilespmem:s7+$0x30]  }
0x1b9: {  	v61 =	vld [tilespmem:s7+$0x40]  }
0x1ba: {  	v56 =	vld [tilespmem:s25+$0x30]  }
0x1bb: {  	v60 =	vld [tilespmem:s25+$0x40]  }
0x1bc: {  	v33 =	vadd.f32 v50, v49;
	v32 =	vld [tilespmem:s25+$0x60];
	v55, _, _ =	vpop (xrf2)  }
0x1bd: {  	v59 =	vadd.f32 v52, v51;
	v16 =	vld [tilespmem:s7+$0x50];
	(v2sf) =	vpush v55, $0xF  }
0x1be: {  	v0 =	vld [tilespmem:s7+$0x60];
	[tilespmem:$0x1FEF0] =	vst v33  }
0x1bf: {  	v52 =	vadd.f32 v57, v56;
	[tilespmem:$0x1FF00] =	vst v59  }
0x1c0: {  	v62 =	vadd.f32 v54, v53;
	v46 =	vld [tilespmem:s7+$0xFFFFFF80];
	v58, _, _ =	vpop (xrf2);
	s8 =	spop (v2sf)  }
0x1c1: {  	v37 =	vmul.f32 v59, v59;
	v34 =	vmul.f32 v33, v33;
	v48 =	vld [tilespmem:s25+$0xFFFFFF90];
	[tilespmem:$0x1FF20] =	vst v52;
	(v2sf) =	vpush v58, $0xF;
	s4 =	smul.f32 $7.812500000e-03, s8  }
0x1c2: {  	[tilespmem:$0x1FF10] =	vst v62  }
0x1c3: {  	v54 =	vmul.f32 v62, v62;
	v53 =	vadd.f32 v37, v34;
	v45 =	vld [tilespmem:s7+$0xFFFFFF90];
	s10 =	smul.f32 s4, s4;
	s9 =	spop (v2sf)  }
0x1c4: {  	v43 =	vld [tilespmem:s25+$0xFFFFFFA0];
	v55 =	vadd.f32 v61, v60;
	s8 =	smul.f32 $7.812500000e-03, s9  }
0x1c5: {  	v56 =	vmul.f32 v52, v52;
	v41 =	vadd.f32 v54, v53;
	v44 =	vld [tilespmem:s7+$0xFFFFFFA0];
	v34 =	vadd.f32 v16, v36  }
0x1c6: {  	v57 =	vadd.f32 v63, v39;
	v16 =	vadd.f32 v0, v32;
	v0 =	vld [tilespmem:s25+$0xFFFFFF80];
	[tilespmem:$0x1FF30] =	vst v55;
	s8 =	ssub.f32 s8, s10  }
0x1c7: {  	v41 =	vadd.f32 v56, v41;
	v49 =	vld [tilespmem:s25+$0xFFFFFFB0];
	[tilespmem:$0x1FF40] =	vst v34  }
0x1c8: {  	v61 =	vadd.f32 v34, v55;
	v58 =	vadd.f32 v59, v33;
	[tilespmem:$0x1FED0] =	vst v57;
	s8 =	sadd.f32 $9.999999960e-13, s8  }
0x1c9: {  	v59 =	vadd.f32 v52, v62;
	v62 =	vadd.f32 v57, v16;
	v63 =	vld [tilespmem:s7+$0xFFFFFFB0]  }
0x1ca: {  	v56 =	vmul.f32 v57, v57;
	v60 =	vmul.f32 v55, v55;
	v57 =	vadd.f32 v45, v48;
	v53 =	vld [tilespmem:s25+$0xFFFFFFC0];
	s11 =	sshra.s32 s8, $0x1;
	s8 =	smul.f32 $5.000000000e-01, s8  }
0x1cb: {  	v33 =	vmul.f32 v34, v34;
	v50 =	vld [tilespmem:s7+$0xFFFFFFC0];
	v39 =	vadd.f32 v59, v58;
	v34 =	vadd.f32 v62, v61;
	s9 =	ssub.s32 $0x5F3759DF, s11  }
0x1cc: {  	v41 =	vadd.f32 v60, v41;
	v51 =	vld [tilespmem:s25+$0xFFFFFFD0];
	s26 =	spop (v2sf);
	s12 =	smul.f32 s9, s8  }
0x1cd: {  	v54 =	vld [tilespmem:s7+$0xFFFFFFD0];
	[tilespmem:$0x1FEE0] =	vst v57;
	v39 =	vadd.f32 v34, v39;
	s11 =	smul.f32 $7.812500000e-03, s26  }
0x1ce: {  	v35 =	vmul.f32 v16, v16;
	v41 =	vadd.f32 v33, v41;
	v58 =	vld [tilespmem:s25+$0xFFFFFFE0];
	s10 =	smul.f32 s9, s12  }
0x1cf: {  	v59 =	vld [tilespmem:s25+$0xFFFFFFF0];
	(xrf2) =	vadd.scan.msk.f32 $0xffff, v39;
	s12 =	smul.f32 s11, s11  }
0x1d0: {  	v62 =	vld [tilespmem:s7+$0xFFFFFFF0];
	v41 =	vadd.f32 v35, v41;
	v39 =	vadd.f32 v46, v0;
	s26 =	spop (v2sf);
	s10 =	ssub.f32 $1.500000000e+00, s10  }
0x1d1: {  	v60 =	vmul.f32 v57, v57;
	v0 =	vld [tilespmem:s7+$0xFFFFFFE0];
	s26 =	smul.f32 $7.812500000e-03, s26  }
0x1d2: {  	v42 =	vadd.f32 v56, v41;
	v41 =	vadd.f32 v44, v43;
	v61 =	vmul.f32 v39, v39;
	s7 =	smul.f32 s9, s10  }
0x1d3: {  	v46 =	vadd.f32 v54, v51;
	s10 =	ssub.f32 s26, s12  }
0x1d4: {  	(xrf2) =	vadd.scan.msk.f32 $0xffff, v42;
	v42 =	vadd.f32 v63, v49;
	v63 =	vmul.f32 v41, v41;
	v44 =	vadd.f32 v60, v61;
	s8 =	smul.f32 s7, s8  }
0x1d5: {  	v43 =	vadd.f32 v50, v53;
	v45 =	vadd.f32 v62, v59;
	s9 =	sadd.f32 $9.999999960e-13, s10  }
0x1d6: {  	v34 =	vadd.f32 v63, v44;
	v44 =	vadd.f32 v0, v58;
	s8 =	smul.f32 s8, s7  }
0x1d7: {  	v32 =	vadd.f32 v57, v39;
	v33 =	vmul.f32 v42, v42;
	v0 =	vadd.f32 v42, v41;
	s12 =	sshra.s32 s9, $0x1;
	s9 =	smul.f32 $5.000000000e-01, s9  }
0x1d8: {  	v51 =	vadd.f32 v46, v43;
	v36 =	vadd.f32 v45, v44;
	s10 =	ssub.s32 $0x5F3759DF, s12;
	s8 =	ssub.f32 $1.500000000e+00, s8  }
0x1d9: {  	v35 =	vmul.f32 v43, v43;
	v50 =	vadd.f32 v33, v34;
	v0 =	vadd.f32 v0, v32;
	v37, _, _ =	vpop (xrf2);
	s26 =	smul.f32 s10, s9  }
0x1da: {  	v38 =	vadd.f32 v36, v51;
	(v2sf) =	vpush v37, $0xF;
	s7 =	smul.f32 s8, s7  }
0x1db: {  	v54 =	vmul.f32 v46, v46;
	v48 =	vadd.f32 v35, v50;
	s8 =	smul.f32 s10, s26  }
0x1dc: {  	v40 =	vmov s4;
	v0 =	vadd.f32 v38, v0  }
0x1dd: {  	v25 =	vsub.f32 v25, v40;
	v58 =	vmul.f32 v44, v44;
	v48 =	vadd.f32 v54, v48;
	s4 =	ssub.f32 $1.500000000e+00, s8  }
0x1de: {  	v17 =	vsub.f32 v17, v40;
	v18 =	vsub.f32 v18, v40;
	v57, _, _ =	vpop (xrf2);
	(xrf2) =	vadd.scan.msk.f32 $0xffff, v0  }
0x1df: {  	v60 =	vmul.f32 v45, v45;
	(v2sf) =	vpush v57, $0xF;
	v48 =	vadd.f32 v58, v48;
	s10 =	smul.f32 s10, s4  }
0x1e0: {  	v19 =	vsub.f32 v19, v40;
	v49 =	vsub.f32 v20, v40  }
0x1e1: {  	v32 =	vsub.f32 v22, v40;
	v0 =	vmov s11;
	v61 =	vadd.f32 v60, v48;
	s26 =	simm.s32 $0x8680;
	s9 =	smul.f32 s10, s9  }
0x1e2: {  	v51 =	vsub.f32 v23, v40;
	v27 =	vsub.f32 v27, v0;
	v34 =	vld [tilespmem:s26+$0x50]  }
0x1e3: {  	v24 =	vsub.f32 v24, v0;
	v26 =	vsub.f32 v26, v0;
	(xrf2) =	vadd.scan.msk.f32 $0xffff, v61;
	v53 =	vld [tilespmem:s26+$0x60];
	s9 =	smul.f32 s9, s10  }
0x1e4: {  	v28 =	vsub.f32 v28, v0;
	v29 =	vsub.f32 v29, v0;
	v56 =	vld [tilespmem:s26+$0x70];
	v59 =	vmul.f32 s7, v5  }
0x1e5: {  	v30 =	vsub.f32 v30, v0;
	v58 =	vld [tilespmem:s26+$0x0];
	v62 =	vmul.f32 s7, v15;
	v63 =	vmul.f32 s7, v14;
	s9 =	ssub.f32 $1.500000000e+00, s9  }
0x1e6: {  	v31 =	vsub.f32 v31, v0;
	v23 =	vld [tilespmem:s26+$0x10];
	v36 =	vmul.f32 s7, v13;
	v57 =	vmul.f32 s7, v10  }
0x1e7: {  	v33 =	vsub.f32 v47, v0;
	v25 =	vmul.f32 v59, v25;
	s4 =	simm.s32 $0x10680;
	v17 =	vmul.f32 v62, v17;
	v62 =	vld [tilespmem:s26+$0x20];
	s9 =	smul.f32 s9, s10  }
0x1e8: {  	v20, _, _ =	vpop (xrf2);
	v59 =	vsub.f32 v21, v40;
	v18 =	vmul.f32 v63, v18;
	v19 =	vmul.f32 v36, v19;
	v21 =	vld [tilespmem:s4+$0x20]  }
0x1e9: {  	v22 =	vld [tilespmem:s4+$0x0];
	s11 =	spop (v2sf);
	(v2sf) =	vpush v20, $0xF;
	v48 =	vadd.f32 v25, v4;
	v37 =	vmul.f32 s9, v15  }
0x1ea: {  	v60 =	vld [tilespmem:s4+$0x10];
	v61 =	vadd.f32 v17, v11;
	v38 =	vmul.f32 s9, v14;
	v17 =	vmul.f32 s9, v13  }
0x1eb: {  	v50 =	vld [tilespmem:s26+$0x30];
	v63 =	vadd.f32 v18, v9;
	v20 =	vmul.f32 s9, v12;
	v18 =	vmul.f32 s9, v10  }
0x1ec: {  	v52 =	vld [tilespmem:s4+$0x50];
	v40 =	vadd.f32 v19, v7;
	v0 =	vmul.f32 s9, v8;
	v19 =	vmul.f32 v37, v27  }
0x1ed: {  	v47 =	vld [tilespmem:s4+$0x60];
	v21 =	vadd.f32 v21, v62;
	v24 =	vmul.f32 v38, v24;
	v27, _, _ =	vpop (xrf2);
	v17 =	vmul.f32 v17, v26  }
0x1ee: {  	s8 =	smul.f32 $7.812500000e-03, s11;
	s12 =	spop (v2sf);
	v26 =	vld [tilespmem:s4+$0x30];
	(v2sf) =	vpush v27, $0xF;
	v27 =	vmul.f32 v20, v28;
	v20 =	vadd.f32 v22, v58  }
0x1ef: {  	s11 =	smul.f32 $7.812500000e-03, s12;
	v18 =	vmul.f32 v18, v29;
	v22 =	vld [tilespmem:s4+$0x40];
	v36 =	vadd.f32 v19, v11;
	v19 =	vadd.f32 v60, v23  }
0x1f0: {  	s10 =	smul.f32 s8, s8;
	v0 =	vmul.f32 v0, v30;
	v37 =	vadd.f32 v24, v9;
	v24 =	vld [tilespmem:s26+$0x40];
	v58 =	vadd.f32 v17, v7  }
0x1f1: {  	v23 =	vld [tilespmem:s4+$0x70];
	v60 =	vadd.f32 v27, v3;
	v17 =	vmul.f32 v20, v20;
	v27 =	vmul.f32 v19, v19  }
0x1f2: {  	v35 =	vmul.f32 s9, v6;
	s10 =	ssub.f32 s11, s10;
	v62 =	vadd.f32 v18, v2;
	v38 =	vadd.f32 v0, v1  }
0x1f3: {  	v25 =	vld [tilespmem:s26+$0xFFFFFF90];
	v18 =	vadd.f32 v26, v50;
	v50 =	vmul.f32 v21, v21;
	v26 =	vadd.f32 v27, v17  }
0x1f4: {  	s10 =	sadd.f32 $9.999999960e-13, s10;
	v29 =	vmul.f32 s9, v5;
	v0 =	vld [tilespmem:s4+$0xFFFFFF90];
	v17 =	vadd.f32 v52, v34;
	v27 =	vadd.f32 v47, v53  }
0x1f5: {  	v28 =	vld [tilespmem:s4+$0xFFFFFF80];
	v30 =	vadd.f32 v22, v24;
	v24 =	vmul.f32 v18, v18;
	v22 =	vadd.f32 v50, v26  }
0x1f6: {  	s11 =	sshra.s32 s10, $0x1;
	s10 =	smul.f32 $5.000000000e-01, s10;
	v29 =	vmul.f32 v29, v33;
	v33 =	vld [tilespmem:s4+$0xFFFFFFA0];
	v23 =	vadd.f32 v23, v56;
	v26 =	vadd.f32 v19, v20  }
0x1f7: {  	s9 =	ssub.s32 $0x5F3759DF, s11;
	v47 =	vld [tilespmem:s26+$0xFFFFFFA0];
	v50 =	vadd.f32 v18, v21;
	v52 =	vmul.f32 v30, v30;
	v24 =	vadd.f32 v24, v22  }
0x1f8: {  	v31 =	vmul.f32 v35, v31;
	s12 =	smul.f32 s9, s10;
	v34 =	vld [tilespmem:s26+$0xFFFFFF80];
	v54 =	vadd.f32 v17, v30;
	v35 =	vadd.f32 v23, v27  }
0x1f9: {  	v22 =	vadd.f32 v0, v25;
	v0 =	vadd.f32 v52, v24;
	v24 =	vmul.f32 v17, v17  }
0x1fa: {  	v51 =	vmul.f32 v57, v51;
	s11 =	smul.f32 s9, s12;
	v53 =	vld [tilespmem:s26+$0xFFFFFFB0];
	v25 =	vadd.f32 v50, v26;
	v57 =	vadd.f32 v35, v54  }
0x1fb: {  	v56 =	vld [tilespmem:s4+$0xFFFFFFB0];
	v0 =	vadd.f32 v24, v0  }
0x1fc: {  	v55 =	vmul.f32 s7, v12;
	s11 =	ssub.f32 $1.500000000e+00, s11;
	v24 =	vadd.f32 v33, v47;
	v47 =	vadd.f32 v57, v25;
	v25 =	vld [tilespmem:$0x1FF70]  }
0x1fd: {  	v26 =	vadd.f32 v28, v34  }
0x1fe: {  	v32 =	vmul.f32 v55, v32;
	s9 =	smul.f32 s9, s11;
	v54 =	vld [tilespmem:s4+$0xFFFFFFC0];
	v28 =	vmul.f32 v27, v27  }
0x1ff: {  	v52 =	vld [tilespmem:s26+$0xFFFFFFC0];
	v55 =	vmul.f32 v26, v26;
	v57 =	vmul.f32 s7, v8;
	[tilespmem:s24+$0x70] =	vst v48  }
0x200: {  	s12 =	spop (v2sf);
	s10 =	smul.f32 s9, s10;
	v33 =	vmul.f32 v22, v22;
	[tilespmem:s24+$0x0] =	vst v61;
	v0 =	vadd.f32 v28, v0;
	v28 =	vmul.f32 v23, v23  }
0x201: {  	s12 =	smul.f32 $7.812500000e-03, s12;
	[tilespmem:s24+$0x10] =	vst v63;
	v35 =	vadd.f32 v31, v25;
	v25 =	vadd.f32 v56, v53;
	v56 =	vmul.f32 v57, v59  }
0x202: {  	v50 =	vld [tilespmem:s4+$0xFFFFFFD0];
	s10 =	smul.f32 s10, s9;
	[tilespmem:s24+$0x20] =	vst v40;
	v33 =	vadd.f32 v33, v55;
	v53 =	vmul.f32 v24, v24  }
0x203: {  	s11 =	smul.f32 s12, s12;
	s28 =	spop (v2sf);
	v0 =	vadd.f32 v28, v0;
	v56 =	vadd.f32 v56, v1;
	v1 =	vld [tilespmem:$0x1FED0];
	[tilespmem:s24+$0xFFFFFF80] =	vst v36  }
0x204: {  	v34 =	vld [tilespmem:s26+$0xFFFFFFD0];
	s10 =	ssub.f32 $1.500000000e+00, s10;
	s28 =	smul.f32 $7.812500000e-03, s28;
	v28 =	vadd.f32 v54, v52;
	v33 =	vadd.f32 v53, v33;
	v52 =	vmul.f32 v25, v25;
	[tilespmem:s24+$0xFFFFFF90] =	vst v37  }
0x205: {  	[tilespmem:s24+$0xFFFFFFA0] =	vst v58  }
0x206: {  	v55 =	vld [tilespmem:s4+$0xFFFFFFE0];
	s11 =	ssub.f32 s28, s11;
	s28 =	smul.f32 s10, s9;
	v54 =	vmul.f32 v28, v28;
	[tilespmem:s24+$0xFFFFFFB0] =	vst v60;
	v53 =	vadd.f32 v52, v33  }
0x207: {  	v48 =	vmov s8;
	(xrf2) =	vadd.scan.msk.f32 $0xffff, v47;
	v47 =	vld [tilespmem:s26+$0xFFFFFFF0];
	v57 =	vadd.f32 v29, v4;
	[tilespmem:s24+$0xFFFFFFC0] =	vst v62  }
0x208: {  	v31 =	vld [tilespmem:s26+$0xFFFFFFE0];
	v63 =	vmul.f32 s28, v5;
	[tilespmem:s24+$0xFFFFFFD0] =	vst v38;
	v33 =	vadd.f32 v54, v53;
	v53 =	vsub.f32 v1, v48  }
0x209: {  	v29 =	vadd.f32 v50, v34;
	v34 =	vld [tilespmem:s4+$0xFFFFFFF0];
	(xrf2) =	vadd.scan.msk.f32 $0xffff, v0;
	v0 =	vadd.f32 v32, v3;
	[tilespmem:s24+$0xFFFFFFE0] =	vst v35  }
0x20a: {  	v59 =	vadd.f32 v51, v2;
	v1 =	vld [tilespmem:$0x1FEE0];
	[tilespmem:s24+$0xFFFFFFF0] =	vst v57;
	v53 =	vmul.f32 v63, v53  }
0x20b: {  	[tilespmem:s24+$0x30] =	vst v0  }
0x20c: {  	[tilespmem:s24+$0x40] =	vst v59;
	v37 =	vadd.f32 v53, v4  }
0x20d: {  	[tilespmem:s24+$0x50] =	vst v56  }
0x20e: {  	v61 =	vmov s12;
	s11 =	sadd.f32 $9.999999960e-13, s11;
	v31 =	vadd.f32 v55, v31;
	v63 =	vmul.f32 s7, v6;
	[tilespmem:s25+$0x70] =	vst v37  }
0x20f: {  	v52 =	vmul.f32 v29, v29;
	v32 =	vadd.f32 v34, v47;
	v55 =	vadd.f32 v25, v24;
	v0 =	vld [tilespmem:$0x1FEF0]  }
0x210: {  	s9 =	sshra.s32 s11, $0x1;
	s10 =	smul.f32 $5.000000000e-01, s11;
	v47 =	vsub.f32 v39, v61;
	v39 =	vmul.f32 v63, v49;
	v49 =	vsub.f32 v1, v61;
	v1 =	vld [tilespmem:$0x1FF00]  }
0x211: {  	s12 =	ssub.s32 $0x5F3759DF, s9;
	v54 =	vadd.f32 v22, v26;
	v58 =	vmul.f32 v31, v31;
	v33 =	vadd.f32 v52, v33  }
0x212: {  	s9 =	smul.f32 s12, s10  }
0x213: {  	v36 =	vadd.f32 v55, v54;
	v55 =	vmul.f32 v32, v32;
	v33 =	vadd.f32 v58, v33  }
0x214: {  	v62 =	vmul.f32 s28, v15;
	s9 =	smul.f32 s12, s9;
	v0 =	vsub.f32 v0, v48  }
0x215: {  	v33 =	vadd.f32 v55, v33;
	v55 =	vsub.f32 v1, v48;
	v1 =	vld [tilespmem:$0x1FF10]  }
0x216: {  	s11 =	ssub.f32 $1.500000000e+00, s9;
	v56 =	vmul.f32 v62, v0;
	v0 =	vld [tilespmem:$0x1FF30];
	_ =	sdelay $0x1  }
0x217: {  	v46 =	vsub.f32 v46, v61;
	s8 =	smul.f32 s12, s11  }
0x218: {  	v50 =	vadd.f32 v29, v28;
	v54 =	vadd.f32 v32, v31  }
0x219: {  	v44 =	vsub.f32 v44, v61;
	s7 =	smul.f32 s8, s10;
	v57 =	vsub.f32 v1, v48;
	v1 =	vld [tilespmem:$0x1FF20]  }
0x21a: {  	v60 =	vadd.f32 v54, v50;
	v37 =	vsub.f32 v0, v48;
	v0 =	vld [tilespmem:$0x1FF40]  }
0x21b: {  	v45 =	vsub.f32 v45, v61;
	v51 =	vsub.f32 v42, v61;
	v40 =	vmul.f32 s28, v12;
	v58, _, _ =	vpop (xrf2);
	s7 =	smul.f32 s7, s8  }
0x21c: {  	v42 =	vmul.f32 s28, v10;
	(v2sf) =	vpush v58, $0xF;
	v36 =	vadd.f32 v60, v36;
	v63, _, _ =	vpop (xrf2)  }
0x21d: {  	v34 =	vmul.f32 s28, v6;
	v52 =	vsub.f32 v43, v61;
	(v2sf) =	vpush v63, $0xF;
	s12 =	ssub.f32 $1.500000000e+00, s7  }
0x21e: {  	v54 =	vmul.f32 s28, v13;
	v50 =	vsub.f32 v41, v61;
	v41 =	vmul.f32 s28, v8;
	(xrf2) =	vadd.scan.msk.f32 $0xffff, v36  }
0x21f: {  	v53 =	vmul.f32 s28, v14;
	s28 =	simm.s32 $0x4;
	(xrf2) =	vadd.scan.msk.f32 $0xffff, v33;
	s7 =	simm.s32 $0x8780;
	s8 =	smul.f32 s12, s8;
	v35 =	vsub.f32 v1, v48;
	v36 =	vsub.f32 v0, v48  }
.LBB2_4:
0x220: {  	_ =	sdelay $0x1  }
0x221: {  	v0 =	vld [tilespmem:s7+$0x50]  }
0x222: {  	v1 =	vld [tilespmem:$0x1FF70];
	v38 =	vmul.f32 v53, v55  }
0x223: {  	s4 =	sadd.s32 $0x100, s4;
	v33 =	vmov v30;
	v30 =	vld [tilespmem:s7+$0x60];
	v43 =	vmul.f32 v54, v57;
	v55 =	vadd.f32 v56, v11  }
0x224: {  	v48 =	vsub.f32 v16, v48;
	v16 =	vmov v27;
	v27 =	vld [tilespmem:s4+$0x50];
	v38 =	vadd.f32 v38, v9  }
0x225: {  	v58 =	vld [tilespmem:s4+$0x60];
	[tilespmem:s25+$0x0] =	vst v55;
	v43 =	vadd.f32 v43, v7  }
0x226: {  	v53 =	vmul.f32 s8, v15;
	v54 =	vmul.f32 s8, v14;
	v55 =	vld [tilespmem:s7+$0x70];
	[tilespmem:s25+$0x10] =	vst v38  }
0x227: {  	v56 =	vmul.f32 s8, v13;
	v57 =	vmul.f32 s8, v12;
	v38 =	vadd.f32 v39, v1;
	v63 =	vld [tilespmem:s7+$0x0];
	[tilespmem:s25+$0x20] =	vst v43  }
0x228: {  	v59 =	vmul.f32 s8, v10;
	v60 =	vmul.f32 s8, v8;
	v43 =	vld [tilespmem:s4+$0x0]  }
0x229: {  	v61 =	vmul.f32 s8, v6;
	v62 =	vmul.f32 s8, v5;
	[tilespmem:s24+$0x60] =	vst v38;
	v38 =	vld [tilespmem:s7+$0x10];
	v39, _, _ =	vpop (xrf2)  }
0x22a: {  	v42 =	vmul.f32 v42, v37;
	v49 =	vmul.f32 v54, v49;
	v54 =	vld [tilespmem:s7+$0x20];
	s10 =	spop (v2sf);
	(v2sf) =	vpush v39, $0xF  }
0x22b: {  	v47 =	vmul.f32 v53, v47;
	v37 =	vld [tilespmem:s4+$0x20];
	v39 =	vmul.f32 v56, v50;
	s8 =	smul.f32 $7.812500000e-03, s10;
	s10 =	spop (v2sf)  }
0x22c: {  	v49 =	vadd.f32 v49, v9;
	v50 =	vmul.f32 v57, v51;
	v51 =	vmul.f32 v59, v52;
	v59, _, _ =	vpop (xrf2);
	v56 =	vld [tilespmem:$0x1FF60];
	s10 =	smul.f32 $7.812500000e-03, s10  }
0x22d: {  	v47 =	vadd.f32 v47, v11;
	s24 =	smov.u32 s25;
	v57 =	vld [tilespmem:s4+$0x10];
	(v2sf) =	vpush v59, $0xF;
	s9 =	smul.f32 s8, s8  }
0x22e: {  	v46 =	vmul.f32 v60, v46;
	v44 =	vmul.f32 v61, v44;
	[tilespmem:s24+$0xFFFFFF90] =	vst v49;
	v49 =	vld [tilespmem:s4+$0x30];
	v60 =	vadd.f32 v39, v7  }
0x22f: {  	v42 =	vadd.f32 v42, v2;
	[tilespmem:s24+$0xFFFFFF80] =	vst v47;
	v39 =	vmul.f32 v34, v48;
	v34 =	vld [tilespmem:s7+$0x30];
	v61 =	vadd.f32 v50, v3;
	s9 =	ssub.f32 s10, s9  }
0x230: {  	v45 =	vmul.f32 v62, v45;
	v44 =	vadd.f32 v44, v1;
	v62 =	vadd.f32 v51, v2;
	v50 =	vld [tilespmem:s7+$0x40];
	[tilespmem:s24+$0xFFFFFFA0] =	vst v60  }
0x231: {  	v40 =	vmul.f32 v40, v35;
	v35 =	vadd.f32 v43, v63;
	[tilespmem:s24+$0xFFFFFFB0] =	vst v61;
	v60 =	vld [tilespmem:s4+$0x70];
	v46 =	vadd.f32 v46, v56;
	s9 =	sadd.f32 $9.999999960e-13, s9  }
0x232: {  	v41 =	vmul.f32 v41, v36;
	v43 =	vadd.f32 v27, v0;
	[tilespmem:s24+$0xFFFFFFC0] =	vst v62;
	v36 =	vadd.f32 v57, v38;
	v57 =	vld [tilespmem:s4+$0x40]  }
0x233: {  	v27 =	vadd.f32 v58, v30;
	v59 =	vadd.f32 v45, v4;
	v63 =	vld [tilespmem:s7+$0xFFFFFF90];
	[tilespmem:s24+$0xFFFFFFD0] =	vst v46;
	s11 =	sshra.s32 s9, $0x1;
	s9 =	smul.f32 $5.000000000e-01, s9  }
0x234: {  	v37 =	vadd.f32 v37, v54;
	v61 =	vmul.f32 v35, v35;
	v62 =	vmul.f32 v36, v36;
	v46 =	vld [tilespmem:s4+$0xFFFFFF80];
	[tilespmem:s24+$0xFFFFFFE0] =	vst v44;
	s10 =	ssub.s32 $0x5F3759DF, s11  }
0x235: {  	v41 =	vadd.f32 v41, v56;
	v0 =	vld [tilespmem:s7+$0xFFFFFF80];
	v38 =	vadd.f32 v49, v34;
	[tilespmem:s24+$0xFFFFFFF0] =	vst v59;
	s11 =	smul.f32 s10, s9  }
0x236: {  	v54 =	vmul.f32 v37, v37;
	v58 =	vadd.f32 v36, v35;
	v53 =	vadd.f32 v62, v61;
	v56 =	vld [tilespmem:s4+$0xFFFFFF90]  }
0x237: {  	[tilespmem:s24+$0x40] =	vst v42;
	v42 =	vld [tilespmem:s7+$0xFFFFFFA0];
	v45 =	vadd.f32 v60, v55;
	v59 =	vadd.f32 v38, v37;
	s11 =	smul.f32 s10, s11  }
0x238: {  	[tilespmem:s24+$0x50] =	vst v41;
	v41 =	vld [tilespmem:s4+$0xFFFFFFA0];
	v30 =	vadd.f32 v57, v50;
	v57 =	vmul.f32 v38, v38;
	v34 =	vadd.f32 v54, v53  }
0x239: {  	v50 =	vld [tilespmem:s7+$0xFFFFFFB0];
	v62 =	vadd.f32 v45, v27;
	v47 =	vadd.f32 v59, v58;
	s11 =	ssub.f32 $1.500000000e+00, s11;
	s12 =	spop (v2sf)  }
0x23a: {  	v53 =	vld [tilespmem:s7+$0xFFFFFFC0];
	v60 =	vmul.f32 v30, v30;
	v61 =	vadd.f32 v43, v30;
	v34 =	vadd.f32 v57, v34;
	s12 =	smul.f32 $7.812500000e-03, s12  }
0x23b: {  	v57 =	vmul.f32 v43, v43;
	v0 =	vadd.f32 v46, v0;
	v46 =	vld [tilespmem:s4+$0xFFFFFFC0];
	v44 =	vadd.f32 v56, v63;
	s10 =	smul.f32 s10, s11  }
0x23c: {  	v63 =	vld [tilespmem:s4+$0xFFFFFFB0];
	v58 =	vadd.f32 v62, v61;
	v34 =	vadd.f32 v60, v34;
	s11 =	smul.f32 s12, s12;
	v55 =	vmov s12;
	s12 =	spop (v2sf)  }
0x23d: {  	v52 =	vadd.f32 v41, v42;
	v41 =	vld [tilespmem:s7+$0xFFFFFFD0];
	v61 =	vmul.f32 v0, v0;
	v42 =	vmul.f32 v44, v44;
	s12 =	smul.f32 $7.812500000e-03, s12  }
0x23e: {  	v40 =	vadd.f32 v40, v3;
	v59 =	vmul.f32 v27, v27;
	v60 =	vld [tilespmem:s4+$0xFFFFFFD0];
	v34 =	vadd.f32 v57, v34;
	s9 =	smul.f32 s10, s9  }
0x23f: {  	v49 =	vld [tilespmem:s7+$0xFFFFFFE0];
	v47 =	vadd.f32 v58, v47;
	v42 =	vadd.f32 v42, v61;
	s11 =	ssub.f32 s12, s11  }
0x240: {  	v57 =	vld [tilespmem:s4+$0xFFFFFFE0];
	v58 =	vadd.f32 v46, v53;
	v34 =	vadd.f32 v59, v34;
	s9 =	smul.f32 s9, s10  }
0x241: {  	[tilespmem:s24+$0x30] =	vst v40;
	v40 =	vld [tilespmem:s7+$0xFFFFFFF0];
	v62 =	vmul.f32 v45, v45;
	v56 =	vadd.f32 v63, v50;
	v50 =	vadd.f32 v44, v0;
	s11 =	sadd.f32 $9.999999960e-13, s11  }
0x242: {  	(xrf2) =	vadd.scan.msk.f32 $0xffff, v47;
	v53 =	vld [tilespmem:s4+$0xFFFFFFF0];
	v63 =	vmul.f32 v52, v52;
	v47 =	vsub.f32 v26, v55;
	v51 =	vsub.f32 v25, v55;
	s9 =	ssub.f32 $1.500000000e+00, s9  }
0x243: {  	v48 =	vmov s8;
	v26 =	vmovc v0;
	v0 =	vadd.f32 v60, v41;
	v34 =	vadd.f32 v62, v34;
	s12 =	sshra.s32 s11, $0x1;
	s11 =	smul.f32 $5.000000000e-01, s11  }
0x244: {  	v46 =	vadd.f32 v56, v52;
	v59 =	vmul.f32 v56, v56;
	v42 =	vadd.f32 v63, v42;
	s9 =	smul.f32 s9, s10;
	s12 =	ssub.s32 $0x5F3759DF, s12  }
0x245: {  	v63 =	vsub.f32 v23, v48;
	v57 =	vadd.f32 v57, v49;
	s10 =	smul.f32 s12, s11  }
0x246: {  	v60 =	vmul.f32 v58, v58;
	v23 =	vmovc v45;
	v45 =	vadd.f32 v0, v58;
	v61 =	vadd.f32 v59, v42  }
0x247: {  	v54 =	vmul.f32 v0, v0;
	v49 =	vsub.f32 v22, v55;
	(xrf2) =	vadd.scan.msk.f32 $0xffff, v34;
	v59 =	vadd.f32 v53, v40;
	s10 =	smul.f32 s12, s10  }
0x248: {  	v22 =	vmovc v44;
	v44 =	vsub.f32 v31, v55;
	v40 =	vmul.f32 v57, v57;
	v34 =	vadd.f32 v60, v61  }
0x249: {  	v46 =	vadd.f32 v46, v50;
	v61 =	vmul.f32 v59, v59;
	v62 =	vmul.f32 s9, v5;
	s10 =	ssub.f32 $1.500000000e+00, s10  }
0x24a: {  	v60 =	vmul.f32 s9, v15;
	v34 =	vadd.f32 v54, v34;
	v53 =	vmul.f32 s9, v14  }
0x24b: {  	v54 =	vmul.f32 s9, v13;
	v50 =	vmul.f32 v62, v63;
	v63 =	vadd.f32 v59, v57;
	s8 =	smul.f32 s12, s10  }
0x24c: {  	v31 =	vmovc v57;
	v42 =	vmul.f32 s9, v10;
	v34 =	vadd.f32 v40, v34;
	v57 =	vsub.f32 v21, v48  }
0x24d: {  	v40 =	vmul.f32 s9, v12;
	v21 =	vmovc v37;
	v37 =	vsub.f32 v33, v48;
	v41 =	vadd.f32 v50, v4;
	s12 =	smul.f32 s8, s11  }
0x24e: {  	s28 =	sadd.s32 $0x2, s28;
	s25 =	smov.u32 s26;
	v62, _, _ =	vpop (xrf2);
	v45 =	vadd.f32 v63, v45;
	v61 =	vadd.f32 v61, v34;
	v34 =	vmul.f32 s9, v6  }
0x24f: {  	p0 =	slt.u32 s28, $0xFE;
	v50 =	vsub.f32 v24, v55;
	v24 =	vmovc v52;
	v52 =	vsub.f32 v28, v55;
	[tilespmem:s25+$0x70] =	vst v41;
	v41 =	vmul.f32 s9, v8;
	s9 =	smul.f32 s12, s8  }
.Ltmp1:
0x250: {  	(v2sf) =	vpush v62, $0xF;
	v45 =	vadd.f32 v45, v46;
	(pc) =	sbr.rel @p0 .LBB2_4-.Ltmp1, $4  }
0x251: {  	v63, _, _ =	vpop (xrf2);
	v46 =	vsub.f32 v29, v55;
	v29 =	vmov v0;
	v0 =	vsub.f32 v20, v48  }
0x252: {  	v25 =	vmovc v56;
	v28 =	vmovc v58;
	v20 =	vmov v35;
	v35 =	vsub.f32 v18, v48;
	(v2sf) =	vpush v63, $0xF;
	s9 =	ssub.f32 $1.500000000e+00, s9  }
0x253: {  	v18 =	vmovc v38;
	(xrf2) =	vadd.scan.msk.f32 $0xffff, v45;
	v45 =	vsub.f32 v32, v55;
	v55 =	vsub.f32 v19, v48;
	v19 =	vmov v36  }
0x254: {  	s26 =	smov.u32 s7;
	s7 =	sadd.s32 $0x100, s7;
	v32 =	vmovc v59;
	v56 =	vmul.f32 v60, v0;
	v36 =	vsub.f32 v17, v48;
	v17 =	vmov v43;
	(xrf2) =	vadd.scan.msk.f32 $0xffff, v61;
	s8 =	smul.f32 s9, s8  }
0x255: {  	_ =	sdelay $0x7  }
0x256: {  	v0, _, _ =	vpop (xrf2)  }
0x257: {  	(v2sf) =	vpush v0, $0xF;
	v0, _, _ =	vpop (xrf2)  }
0x258: {  	s4 =	spop (v2sf);
	(v2sf) =	vpush v0, $0xF  }
0x259: {  	s7 =	smul.f32 $7.812500000e-03, s4;
	_ =	sdelay $0x1  }
0x25a: {  	s9 =	spop (v2sf);
	s4 =	smul.f32 s7, s7  }
0x25b: {  	s9 =	smul.f32 $7.812500000e-03, s9;
	_ =	sdelay $0x1  }
0x25c: {  	s4 =	ssub.f32 s9, s4;
	_ =	sdelay $0x1  }
0x25d: {  	s4 =	sadd.f32 $9.999999960e-13, s4;
	_ =	sdelay $0x1  }
0x25e: {  	s11 =	sshra.s32 s4, $0x1;
	s10 =	smul.f32 $5.000000000e-01, s4  }
0x25f: {  	s9 =	ssub.s32 $0x5F3759DF, s11  }
0x260: {  	s11 =	smul.f32 s9, s10;
	_ =	sdelay $0x1  }
0x261: {  	s11 =	smul.f32 s9, s11;
	s12 =	spop (v2sf)  }
0x262: {  	s4 =	smul.f32 $7.812500000e-03, s12;
	s28 =	spop (v2sf)  }
0x263: {  	s28 =	smul.f32 $7.812500000e-03, s28  }
0x264: {  	s12 =	smul.f32 s4, s4  }
0x265: {  	v33 =	vmul.f32 v54, v57;
	v62 =	vmul.f32 s8, v13;
	s11 =	ssub.f32 $1.500000000e+00, s11  }
0x266: {  	v35 =	vmul.f32 v40, v35;
	v37 =	vmul.f32 v42, v37;
	s12 =	ssub.f32 s28, s12  }
0x267: {  	v38 =	vmul.f32 s8, v15;
	v62 =	vmul.f32 v62, v50;
	v50 =	vld [tilespmem:$0x1FF70]  }
0x268: {  	v43 =	vmul.f32 s8, v14;
	v63 =	vmul.f32 s8, v12;
	s9 =	smul.f32 s9, s11;
	s11 =	sadd.f32 $9.999999960e-13, s12  }
0x269: {  	v16 =	vsub.f32 v16, v48;
	v48 =	vmul.f32 s8, v10;
	v60 =	vmul.f32 s8, v8  }
0x26a: {  	v56 =	vadd.f32 v56, v11;
	v61 =	vmul.f32 s8, v6;
	v58 =	vmul.f32 s8, v5;
	s12 =	sshra.s32 s11, $0x1;
	s11 =	smul.f32 $5.000000000e-01, s11  }
0x26b: {  	v36 =	vmul.f32 v41, v36;
	v33 =	vadd.f32 v33, v7;
	v0 =	vmul.f32 v53, v55;
	s10 =	smul.f32 s9, s10;
	s8 =	ssub.s32 $0x5F3759DF, s12  }
0x26c: {  	v57 =	vadd.f32 v37, v2;
	v38 =	vmul.f32 v38, v47;
	[tilespmem:s25+$0x0] =	vst v56;
	v39 =	vadd.f32 v39, v50;
	s12 =	smul.f32 s8, s11  }
0x26d: {  	v43 =	vmul.f32 v43, v49;
	v63 =	vmul.f32 v63, v51;
	[tilespmem:s25+$0x20] =	vst v33;
	v0 =	vadd.f32 v0, v9;
	s10 =	smul.f32 s10, s9  }
0x26e: {  	v48 =	vmul.f32 v48, v52;
	v56 =	vadd.f32 v35, v3;
	v38 =	vadd.f32 v38, v11;
	[tilespmem:s24+$0x60] =	vst v39;
	s12 =	smul.f32 s8, s12  }
0x26f: {  	v44 =	vmul.f32 v61, v44;
	v47 =	vadd.f32 v62, v7;
	v49 =	vadd.f32 v63, v3;
	[tilespmem:s25+$0x10] =	vst v0;
	s10 =	ssub.f32 $1.500000000e+00, s10  }
0x270: {  	v51 =	vadd.f32 v48, v2;
	v53 =	vmov s7;
	v0 =	vadd.f32 v43, v9;
	v1 =	vld [tilespmem:$0x1FF60];
	s12 =	ssub.f32 $1.500000000e+00, s12  }
0x271: {  	v45 =	vmul.f32 v58, v45;
	v54 =	vadd.f32 v44, v50;
	v23 =	vsub.f32 v23, v53;
	s9 =	smul.f32 s10, s9  }
0x272: {  	v20 =	vsub.f32 v20, v53;
	v19 =	vsub.f32 v19, v53;
	[tilespmem:s25+$0xFFFFFF90] =	vst v0;
	v0 =	vmul.f32 v34, v16;
	s10 =	smul.f32 s8, s12  }
0x273: {  	v46 =	vmul.f32 v60, v46;
	v21 =	vsub.f32 v21, v53;
	v18 =	vsub.f32 v18, v53;
	[tilespmem:s25+$0xFFFFFF80] =	vst v38  }
0x274: {  	[tilespmem:s25+$0xFFFFFFA0] =	vst v47;
	v16 =	vadd.f32 v45, v4;
	v0 =	vadd.f32 v0, v50;
	s12 =	smul.f32 s10, s11  }
0x275: {  	[tilespmem:s25+$0xFFFFFFB0] =	vst v49;
	v52 =	vadd.f32 v46, v1;
	v36 =	vadd.f32 v36, v1;
	v58 =	vmov s4  }
0x276: {  	[tilespmem:s25+$0xFFFFFFC0] =	vst v51;
	v26 =	vsub.f32 v26, v58;
	v22 =	vsub.f32 v22, v58;
	s4 =	smul.f32 s12, s10  }
0x277: {  	[tilespmem:s25+$0xFFFFFFE0] =	vst v54;
	v24 =	vsub.f32 v24, v58;
	v25 =	vsub.f32 v25, v58;
	v55 =	vmul.f32 s9, v5  }
0x278: {  	[tilespmem:s25+$0x30] =	vst v56;
	v28 =	vsub.f32 v28, v58;
	v59 =	vmul.f32 s9, v15;
	v60 =	vmul.f32 s9, v14;
	s4 =	ssub.f32 $1.500000000e+00, s4  }
0x279: {  	[tilespmem:s25+$0x40] =	vst v57;
	v29 =	vsub.f32 v29, v58;
	v61 =	vmul.f32 s9, v13;
	v23 =	vmul.f32 v55, v23  }
0x27a: {  	[tilespmem:s25+$0xFFFFFFF0] =	vst v16;
	v31 =	vsub.f32 v31, v58;
	v62 =	vmul.f32 s9, v12;
	v20 =	vmul.f32 v59, v20;
	s4 =	smul.f32 s4, s10  }
0x27b: {  	[tilespmem:s25+$0x60] =	vst v0;
	v63 =	vmul.f32 s9, v10;
	v19 =	vmul.f32 v60, v19;
	v23 =	vadd.f32 v23, v4  }
0x27c: {  	[tilespmem:s25+$0xFFFFFFD0] =	vst v52;
	v21 =	vmul.f32 v61, v21;
	v20 =	vadd.f32 v20, v11;
	v46 =	vmul.f32 s4, v15  }
0x27d: {  	v45 =	vmul.f32 s9, v8;
	v19 =	vadd.f32 v19, v9;
	[tilespmem:s26+$0x70] =	vst v23;
	v47 =	vmul.f32 s4, v14  }
0x27e: {  	[tilespmem:s26+$0x0] =	vst v20;
	v20 =	vadd.f32 v21, v7;
	v48 =	vmul.f32 s4, v13;
	v21 =	vmul.f32 v46, v26  }
0x27f: {  	v23 =	vsub.f32 v32, v58;
	[tilespmem:s26+$0x10] =	vst v19;
	v26 =	vmul.f32 s4, v12;
	v19 =	vmul.f32 v47, v22  }
0x280: {  	[tilespmem:s26+$0x20] =	vst v20;
	v22 =	vmul.f32 s4, v10;
	v20 =	vmul.f32 v48, v24;
	v21 =	vadd.f32 v21, v11  }
0x281: {  	[tilespmem:s25+$0x50] =	vst v36;
	v24 =	vmul.f32 s4, v8;
	v25 =	vmul.f32 v26, v25;
	v0 =	vadd.f32 v19, v9  }
0x282: {  	v19 =	vmul.f32 s4, v6;
	v22 =	vmul.f32 v22, v28;
	v20 =	vadd.f32 v20, v7;
	[tilespmem:s26+$0xFFFFFF80] =	vst v21  }
0x283: {  	v24 =	vmul.f32 v24, v29;
	v21 =	vmul.f32 s4, v5;
	[tilespmem:s26+$0xFFFFFF90] =	vst v0;
	v0 =	vadd.f32 v25, v3  }
0x284: {  	v16 =	vmul.f32 s9, v6;
	v19 =	vmul.f32 v19, v31;
	v22 =	vadd.f32 v22, v2;
	[tilespmem:s26+$0xFFFFFFA0] =	vst v20  }
0x285: {  	v20 =	vsub.f32 v30, v53;
	v21 =	vmul.f32 v21, v23;
	v23 =	vadd.f32 v24, v1;
	[tilespmem:s26+$0xFFFFFFB0] =	vst v0  }
0x286: {  	v0 =	vsub.f32 v17, v53;
	v17 =	vmul.f32 v62, v18;
	v18 =	vadd.f32 v19, v50;
	[tilespmem:s26+$0xFFFFFFC0] =	vst v22  }
0x287: {  	v19 =	vsub.f32 v27, v53;
	v20 =	vmul.f32 v63, v20;
	v21 =	vadd.f32 v21, v4;
	[tilespmem:s26+$0xFFFFFFD0] =	vst v23  }
0x288: {  	v0 =	vmul.f32 v45, v0;
	v17 =	vadd.f32 v17, v3;
	[tilespmem:s26+$0xFFFFFFE0] =	vst v18  }
0x289: {  	v16 =	vmul.f32 v16, v19;
	v18 =	vadd.f32 v20, v2;
	[tilespmem:s26+$0xFFFFFFF0] =	vst v21  }
0x28a: {  	v0 =	vadd.f32 v0, v1;
	[tilespmem:s26+$0x30] =	vst v17  }
0x28b: {  	[tilespmem:s26+$0x40] =	vst v18;
	v16 =	vadd.f32 v16, v50  }
0x28c: {  	[tilespmem:s26+$0x50] =	vst v0  }
0x28d: {  	[tilespmem:s26+$0x60] =	vst v16  }
0x28e: {  	[hbm4b:s16+s5] =	stream.linear.scatter [tilespmem:s3], [sflag:$0x6], $0x8000, $0x38;
	[tilespmem:$0x18500] =	vst v63  }
0x28f: {  	_ =	swait.ge [sflag:s22], $0x8000  }
0x290: {  	[sflag:s22] =	ssyncset.done $0x0  }
0x291: {  	s24 =	simm.s32 $0x300;
	[sflag:s22] =	ssyncadd.s32 $0xFFFF8000  }
0x292: {  	[tilespmem:s3], [sflag:$0x2] =	stream.indirect.gather [hbm4b:s1+s20], $0x80, s24, s20, $0xb8;
	[tilespmem:$0x18500] =	vst v63  }
0x293: {  	s25 =	simm.s32 $0x380;
	s26 =	simm.s32 $0xC400  }
0x294: {  	[tilespmem:s26], [sflag:$0x2] =	stream.indirect.gather [hbm4b:s1+s20], $0x80, s25, s20, $0xb8;
	[tilespmem:$0x18500] =	vst v63  }
0x295: {  	_ =	swait.ge [sflag:s29], $0x4000  }
0x296: {  	[sflag:s29] =	ssyncset.done $0x0  }
0x297: {  	[sflag:s29] =	ssyncadd.s32 $0xFFFFC000  }
0x298: {  	_ =	swait.ge [sflag:s29], $0x4000  }
0x299: {  	[sflag:s29] =	ssyncset.done $0x0  }
0x29a: {  	s24 =	simm.s32 $0x480;
	[sflag:s29] =	ssyncadd.s32 $0xFFFFC000  }
0x29b: {  	s7 =	simm.s32 $0x10480;
	v0 =	vld [tilespmem:s24+$0x50]  }
0x29c: {  	v16 =	vld [tilespmem:s7+$0x50]  }
0x29d: {  	v20 =	vld [tilespmem:s24+$0x60]  }
0x29e: {  	v23 =	vld [tilespmem:s7+$0x60]  }
0x29f: {  	v24 =	vld [tilespmem:s24+$0x70]  }
0x2a0: {  	v17 =	vld [tilespmem:s24+$0x0]  }
0x2a1: {  	v18 =	vld [tilespmem:s7+$0x0]  }
0x2a2: {  	v19 =	vld [tilespmem:s24+$0x10]  }
0x2a3: {  	v21 =	vld [tilespmem:s7+$0x10]  }
0x2a4: {  	v22 =	vld [tilespmem:s24+$0x20]  }
0x2a5: {  	v25 =	vld [tilespmem:s7+$0x20]  }
0x2a6: {  	v26 =	vld [tilespmem:s24+$0x30]  }
0x2a7: {  	v27 =	vld [tilespmem:s7+$0x30]  }
0x2a8: {  	v28 =	vld [tilespmem:s24+$0x40]  }
0x2a9: {  	v29 =	vld [tilespmem:s7+$0x40]  }
0x2aa: {  	v30 =	vld [tilespmem:s7+$0x70]  }
0x2ab: {  	v31 =	vld [tilespmem:s7+$0xFFFFFF80]  }
0x2ac: {  	v49 =	vld [tilespmem:s24+$0xFFFFFF90];
	v17 =	vadd.f32 v18, v17;
	v18 =	vadd.f32 v21, v19  }
0x2ad: {  	v50 =	vld [tilespmem:s7+$0xFFFFFF90]  }
0x2ae: {  	v52 =	vld [tilespmem:s7+$0xFFFFFFB0];
	v19 =	vadd.f32 v25, v22;
	v21 =	vmul.f32 v17, v17;
	v25 =	vmul.f32 v18, v18  }
0x2af: {  	v55 =	vld [tilespmem:s24+$0xFFFFFFC0];
	v22 =	vadd.f32 v27, v26;
	v20 =	vadd.f32 v23, v20  }
0x2b0: {  	v56 =	vld [tilespmem:s7+$0xFFFFFFC0];
	v23 =	vadd.f32 v29, v28;
	v26 =	vmul.f32 v19, v19;
	v25 =	vadd.f32 v25, v21  }
0x2b1: {  	v27 =	vld [tilespmem:s24+$0xFFFFFF80];
	v29 =	vadd.f32 v18, v17;
	v51 =	vadd.f32 v22, v19  }
0x2b2: {  	v58 =	vld [tilespmem:s24+$0xFFFFFFD0];
	v21 =	vadd.f32 v16, v0;
	v16 =	vadd.f32 v26, v25;
	v26 =	vmul.f32 v22, v22  }
0x2b3: {  	v28 =	vld [tilespmem:s7+$0xFFFFFFA0];
	v25 =	vadd.f32 v30, v24  }
0x2b4: {  	v0 =	vld [tilespmem:s24+$0xFFFFFFA0];
	v29 =	vadd.f32 v51, v29;
	v16 =	vadd.f32 v26, v16;
	v26 =	vmul.f32 v23, v23  }
0x2b5: {  	v59 =	vld [tilespmem:s7+$0xFFFFFFD0];
	v53 =	vadd.f32 v21, v23;
	v54 =	vadd.f32 v25, v20  }
0x2b6: {  	v27 =	vadd.f32 v31, v27;
	v30 =	vld [tilespmem:s24+$0xFFFFFFB0];
	v16 =	vadd.f32 v26, v16;
	v26 =	vmul.f32 v21, v21  }
0x2b7: {  	v63 =	vld [tilespmem:s24+$0xFFFFFFF0];
	v24 =	vadd.f32 v50, v49;
	v57 =	vadd.f32 v54, v53  }
0x2b8: {  	v40 =	vld [tilespmem:s7+$0xFFFFFFF0];
	v31 =	vmul.f32 v20, v20;
	v61 =	vmul.f32 v27, v27;
	v16 =	vadd.f32 v26, v16  }
0x2b9: {  	v60 =	vld [tilespmem:s24+$0xFFFFFFE0];
	v26 =	vadd.f32 v28, v0;
	v0 =	vmul.f32 v24, v24;
	v29 =	vadd.f32 v57, v29  }
0x2ba: {  	v62 =	vld [tilespmem:s7+$0xFFFFFFE0];
	v16 =	vadd.f32 v31, v16;
	v31 =	vmul.f32 v25, v25  }
0x2bb: {  	v28 =	vadd.f32 v52, v30;
	(xrf2) =	vadd.scan.msk.f32 $0xffff, v29;
	v29 =	vmul.f32 v26, v26;
	v0 =	vadd.f32 v0, v61  }
0x2bc: {  	v16 =	vadd.f32 v31, v16  }
0x2bd: {  	v47 =	vadd.f32 v40, v63;
	v31 =	vmul.f32 v28, v28;
	v0 =	vadd.f32 v29, v0  }
0x2be: {  	v30 =	vadd.f32 v59, v58;
	v29 =	vadd.f32 v56, v55;
	(xrf2) =	vadd.scan.msk.f32 $0xffff, v16  }
0x2bf: {  	v0 =	vadd.f32 v31, v0;
	v31 =	vadd.f32 v62, v60  }
0x2c0: {  	v41 =	vadd.f32 v28, v26;
	v16 =	vadd.f32 v24, v27;
	v32 =	vmul.f32 v29, v29  }
0x2c1: {  	v34 =	vadd.f32 v30, v29;
	v43 =	vadd.f32 v47, v31  }
0x2c2: {  	v0 =	vadd.f32 v32, v0  }
0x2c3: {  	s25 =	simm.s32 $0x580;
	v42 =	vmul.f32 v30, v30;
	v16 =	vadd.f32 v41, v16;
	v32 =	vadd.f32 v43, v34  }
0x2c4: {  	v36 =	vld [tilespmem:s25+$0x50]  }
0x2c5: {  	v39 =	vld [tilespmem:s25+$0x70];
	s7 =	simm.s32 $0x10580;
	v44 =	vmul.f32 v31, v31;
	v0 =	vadd.f32 v42, v0;
	v45, _, _ =	vpop (xrf2);
	v16 =	vadd.f32 v32, v16  }
0x2c6: {  	v63 =	vld [tilespmem:s7+$0x70];
	(v2sf) =	vpush v45, $0xF  }
0x2c7: {  	v46 =	vmul.f32 v47, v47;
	v51 =	vld [tilespmem:s25+$0x10];
	v0 =	vadd.f32 v44, v0;
	(xrf2) =	vadd.scan.msk.f32 $0xffff, v16  }
0x2c8: {  	v49 =	vld [tilespmem:s25+$0x0];
	v48, _, _ =	vpop (xrf2)  }
0x2c9: {  	v50 =	vld [tilespmem:s7+$0x0];
	v0 =	vadd.f32 v46, v0;
	(v2sf) =	vpush v48, $0xF  }
0x2ca: {  	v53 =	vld [tilespmem:s25+$0x20]  }
0x2cb: {  	v54 =	vld [tilespmem:s7+$0x20];
	(xrf2) =	vadd.scan.msk.f32 $0xffff, v0  }
0x2cc: {  	v52 =	vld [tilespmem:s7+$0x10]  }
0x2cd: {  	v57 =	vld [tilespmem:s7+$0x30]  }
0x2ce: {  	v61 =	vld [tilespmem:s7+$0x40]  }
0x2cf: {  	v56 =	vld [tilespmem:s25+$0x30]  }
0x2d0: {  	v60 =	vld [tilespmem:s25+$0x40]  }
0x2d1: {  	v33 =	vadd.f32 v50, v49;
	v32 =	vld [tilespmem:s25+$0x60];
	v55, _, _ =	vpop (xrf2)  }
0x2d2: {  	v59 =	vadd.f32 v52, v51;
	v16 =	vld [tilespmem:s7+$0x50];
	(v2sf) =	vpush v55, $0xF  }
0x2d3: {  	v0 =	vld [tilespmem:s7+$0x60];
	[tilespmem:$0x1FE70] =	vst v33  }
0x2d4: {  	v52 =	vadd.f32 v57, v56;
	[tilespmem:$0x1FE80] =	vst v59  }
0x2d5: {  	v62 =	vadd.f32 v54, v53;
	v46 =	vld [tilespmem:s7+$0xFFFFFF80];
	v58, _, _ =	vpop (xrf2);
	s8 =	spop (v2sf)  }
0x2d6: {  	v37 =	vmul.f32 v59, v59;
	v34 =	vmul.f32 v33, v33;
	v48 =	vld [tilespmem:s25+$0xFFFFFF90];
	[tilespmem:$0x1FEA0] =	vst v52;
	(v2sf) =	vpush v58, $0xF;
	s4 =	smul.f32 $7.812500000e-03, s8  }
0x2d7: {  	[tilespmem:$0x1FE90] =	vst v62  }
0x2d8: {  	v54 =	vmul.f32 v62, v62;
	v53 =	vadd.f32 v37, v34;
	v45 =	vld [tilespmem:s7+$0xFFFFFF90];
	s10 =	smul.f32 s4, s4;
	s9 =	spop (v2sf)  }
0x2d9: {  	v43 =	vld [tilespmem:s25+$0xFFFFFFA0];
	v55 =	vadd.f32 v61, v60;
	s8 =	smul.f32 $7.812500000e-03, s9  }
0x2da: {  	v56 =	vmul.f32 v52, v52;
	v41 =	vadd.f32 v54, v53;
	v44 =	vld [tilespmem:s7+$0xFFFFFFA0];
	v34 =	vadd.f32 v16, v36  }
0x2db: {  	v57 =	vadd.f32 v63, v39;
	v16 =	vadd.f32 v0, v32;
	v0 =	vld [tilespmem:s25+$0xFFFFFF80];
	[tilespmem:$0x1FEB0] =	vst v55;
	s8 =	ssub.f32 s8, s10  }
0x2dc: {  	v41 =	vadd.f32 v56, v41;
	v49 =	vld [tilespmem:s25+$0xFFFFFFB0];
	[tilespmem:$0x1FEC0] =	vst v34  }
0x2dd: {  	v61 =	vadd.f32 v34, v55;
	v58 =	vadd.f32 v59, v33;
	[tilespmem:$0x1FE50] =	vst v57;
	s8 =	sadd.f32 $9.999999960e-13, s8  }
0x2de: {  	v59 =	vadd.f32 v52, v62;
	v62 =	vadd.f32 v57, v16;
	v63 =	vld [tilespmem:s7+$0xFFFFFFB0]  }
0x2df: {  	v56 =	vmul.f32 v57, v57;
	v60 =	vmul.f32 v55, v55;
	v57 =	vadd.f32 v45, v48;
	v53 =	vld [tilespmem:s25+$0xFFFFFFC0];
	s11 =	sshra.s32 s8, $0x1;
	s8 =	smul.f32 $5.000000000e-01, s8  }
0x2e0: {  	v33 =	vmul.f32 v34, v34;
	v50 =	vld [tilespmem:s7+$0xFFFFFFC0];
	v39 =	vadd.f32 v59, v58;
	v34 =	vadd.f32 v62, v61;
	s9 =	ssub.s32 $0x5F3759DF, s11  }
0x2e1: {  	v41 =	vadd.f32 v60, v41;
	v51 =	vld [tilespmem:s25+$0xFFFFFFD0];
	s26 =	spop (v2sf);
	s12 =	smul.f32 s9, s8  }
0x2e2: {  	v54 =	vld [tilespmem:s7+$0xFFFFFFD0];
	[tilespmem:$0x1FE60] =	vst v57;
	v39 =	vadd.f32 v34, v39;
	s11 =	smul.f32 $7.812500000e-03, s26  }
0x2e3: {  	v35 =	vmul.f32 v16, v16;
	v41 =	vadd.f32 v33, v41;
	v58 =	vld [tilespmem:s25+$0xFFFFFFE0];
	s10 =	smul.f32 s9, s12  }
0x2e4: {  	v59 =	vld [tilespmem:s25+$0xFFFFFFF0];
	(xrf2) =	vadd.scan.msk.f32 $0xffff, v39;
	s12 =	smul.f32 s11, s11  }
0x2e5: {  	v62 =	vld [tilespmem:s7+$0xFFFFFFF0];
	v41 =	vadd.f32 v35, v41;
	v39 =	vadd.f32 v46, v0;
	s26 =	spop (v2sf);
	s10 =	ssub.f32 $1.500000000e+00, s10  }
0x2e6: {  	v60 =	vmul.f32 v57, v57;
	v0 =	vld [tilespmem:s7+$0xFFFFFFE0];
	s26 =	smul.f32 $7.812500000e-03, s26  }
0x2e7: {  	v42 =	vadd.f32 v56, v41;
	v41 =	vadd.f32 v44, v43;
	v61 =	vmul.f32 v39, v39;
	s7 =	smul.f32 s9, s10  }
0x2e8: {  	v46 =	vadd.f32 v54, v51;
	s10 =	ssub.f32 s26, s12  }
0x2e9: {  	(xrf2) =	vadd.scan.msk.f32 $0xffff, v42;
	v42 =	vadd.f32 v63, v49;
	v63 =	vmul.f32 v41, v41;
	v44 =	vadd.f32 v60, v61;
	s8 =	smul.f32 s7, s8  }
0x2ea: {  	v43 =	vadd.f32 v50, v53;
	v45 =	vadd.f32 v62, v59;
	s9 =	sadd.f32 $9.999999960e-13, s10  }
0x2eb: {  	v34 =	vadd.f32 v63, v44;
	v44 =	vadd.f32 v0, v58;
	s8 =	smul.f32 s8, s7  }
0x2ec: {  	v32 =	vadd.f32 v57, v39;
	v33 =	vmul.f32 v42, v42;
	v0 =	vadd.f32 v42, v41;
	s12 =	sshra.s32 s9, $0x1;
	s9 =	smul.f32 $5.000000000e-01, s9  }
0x2ed: {  	v51 =	vadd.f32 v46, v43;
	v36 =	vadd.f32 v45, v44;
	s10 =	ssub.s32 $0x5F3759DF, s12;
	s8 =	ssub.f32 $1.500000000e+00, s8  }
0x2ee: {  	v35 =	vmul.f32 v43, v43;
	v50 =	vadd.f32 v33, v34;
	v0 =	vadd.f32 v0, v32;
	v37, _, _ =	vpop (xrf2);
	s26 =	smul.f32 s10, s9  }
0x2ef: {  	v38 =	vadd.f32 v36, v51;
	(v2sf) =	vpush v37, $0xF;
	s7 =	smul.f32 s8, s7  }
0x2f0: {  	v54 =	vmul.f32 v46, v46;
	v48 =	vadd.f32 v35, v50;
	s8 =	smul.f32 s10, s26  }
0x2f1: {  	v40 =	vmov s4;
	v0 =	vadd.f32 v38, v0  }
0x2f2: {  	v25 =	vsub.f32 v25, v40;
	v58 =	vmul.f32 v44, v44;
	v48 =	vadd.f32 v54, v48;
	s4 =	ssub.f32 $1.500000000e+00, s8  }
0x2f3: {  	v17 =	vsub.f32 v17, v40;
	v18 =	vsub.f32 v18, v40;
	v57, _, _ =	vpop (xrf2);
	(xrf2) =	vadd.scan.msk.f32 $0xffff, v0  }
0x2f4: {  	v60 =	vmul.f32 v45, v45;
	(v2sf) =	vpush v57, $0xF;
	v48 =	vadd.f32 v58, v48;
	s10 =	smul.f32 s10, s4  }
0x2f5: {  	v19 =	vsub.f32 v19, v40;
	v49 =	vsub.f32 v20, v40  }
0x2f6: {  	v32 =	vsub.f32 v22, v40;
	v0 =	vmov s11;
	v61 =	vadd.f32 v60, v48;
	s26 =	simm.s32 $0x680;
	s9 =	smul.f32 s10, s9  }
0x2f7: {  	v51 =	vsub.f32 v23, v40;
	v27 =	vsub.f32 v27, v0;
	v34 =	vld [tilespmem:s26+$0x50]  }
0x2f8: {  	v24 =	vsub.f32 v24, v0;
	v26 =	vsub.f32 v26, v0;
	(xrf2) =	vadd.scan.msk.f32 $0xffff, v61;
	v53 =	vld [tilespmem:s26+$0x60];
	s9 =	smul.f32 s9, s10  }
0x2f9: {  	v28 =	vsub.f32 v28, v0;
	v29 =	vsub.f32 v29, v0;
	v56 =	vld [tilespmem:s26+$0x70];
	v59 =	vmul.f32 s7, v5  }
0x2fa: {  	v30 =	vsub.f32 v30, v0;
	v58 =	vld [tilespmem:s26+$0x0];
	v62 =	vmul.f32 s7, v15;
	v63 =	vmul.f32 s7, v14;
	s9 =	ssub.f32 $1.500000000e+00, s9  }
0x2fb: {  	v31 =	vsub.f32 v31, v0;
	v23 =	vld [tilespmem:s26+$0x10];
	v36 =	vmul.f32 s7, v13;
	v57 =	vmul.f32 s7, v10  }
0x2fc: {  	v33 =	vsub.f32 v47, v0;
	v25 =	vmul.f32 v59, v25;
	s4 =	simm.s32 $0x10680;
	v17 =	vmul.f32 v62, v17;
	v62 =	vld [tilespmem:s26+$0x20];
	s9 =	smul.f32 s9, s10  }
0x2fd: {  	v20, _, _ =	vpop (xrf2);
	v59 =	vsub.f32 v21, v40;
	v18 =	vmul.f32 v63, v18;
	v19 =	vmul.f32 v36, v19;
	v21 =	vld [tilespmem:s4+$0x20]  }
0x2fe: {  	v22 =	vld [tilespmem:s4+$0x0];
	s11 =	spop (v2sf);
	(v2sf) =	vpush v20, $0xF;
	v48 =	vadd.f32 v25, v4;
	v37 =	vmul.f32 s9, v15  }
0x2ff: {  	v60 =	vld [tilespmem:s4+$0x10];
	v61 =	vadd.f32 v17, v11;
	v38 =	vmul.f32 s9, v14;
	v17 =	vmul.f32 s9, v13  }
0x300: {  	v50 =	vld [tilespmem:s26+$0x30];
	v63 =	vadd.f32 v18, v9;
	v20 =	vmul.f32 s9, v12;
	v18 =	vmul.f32 s9, v10  }
0x301: {  	v52 =	vld [tilespmem:s4+$0x50];
	v40 =	vadd.f32 v19, v7;
	v0 =	vmul.f32 s9, v8;
	v19 =	vmul.f32 v37, v27  }
0x302: {  	v47 =	vld [tilespmem:s4+$0x60];
	v21 =	vadd.f32 v21, v62;
	v24 =	vmul.f32 v38, v24;
	v27, _, _ =	vpop (xrf2);
	v17 =	vmul.f32 v17, v26  }
0x303: {  	s8 =	smul.f32 $7.812500000e-03, s11;
	s12 =	spop (v2sf);
	v26 =	vld [tilespmem:s4+$0x30];
	(v2sf) =	vpush v27, $0xF;
	v27 =	vmul.f32 v20, v28;
	v20 =	vadd.f32 v22, v58  }
0x304: {  	s11 =	smul.f32 $7.812500000e-03, s12;
	v18 =	vmul.f32 v18, v29;
	v22 =	vld [tilespmem:s4+$0x40];
	v36 =	vadd.f32 v19, v11;
	v19 =	vadd.f32 v60, v23  }
0x305: {  	s10 =	smul.f32 s8, s8;
	v0 =	vmul.f32 v0, v30;
	v37 =	vadd.f32 v24, v9;
	v24 =	vld [tilespmem:s26+$0x40];
	v58 =	vadd.f32 v17, v7  }
0x306: {  	v23 =	vld [tilespmem:s4+$0x70];
	v60 =	vadd.f32 v27, v3;
	v17 =	vmul.f32 v20, v20;
	v27 =	vmul.f32 v19, v19  }
0x307: {  	v35 =	vmul.f32 s9, v6;
	s10 =	ssub.f32 s11, s10;
	v62 =	vadd.f32 v18, v2;
	v38 =	vadd.f32 v0, v1  }
0x308: {  	v25 =	vld [tilespmem:s26+$0xFFFFFF90];
	v18 =	vadd.f32 v26, v50;
	v50 =	vmul.f32 v21, v21;
	v26 =	vadd.f32 v27, v17  }
0x309: {  	s10 =	sadd.f32 $9.999999960e-13, s10;
	v29 =	vmul.f32 s9, v5;
	v0 =	vld [tilespmem:s4+$0xFFFFFF90];
	v17 =	vadd.f32 v52, v34;
	v27 =	vadd.f32 v47, v53  }
0x30a: {  	v28 =	vld [tilespmem:s4+$0xFFFFFF80];
	v30 =	vadd.f32 v22, v24;
	v24 =	vmul.f32 v18, v18;
	v22 =	vadd.f32 v50, v26  }
0x30b: {  	s11 =	sshra.s32 s10, $0x1;
	s10 =	smul.f32 $5.000000000e-01, s10;
	v29 =	vmul.f32 v29, v33;
	v33 =	vld [tilespmem:s4+$0xFFFFFFA0];
	v23 =	vadd.f32 v23, v56;
	v26 =	vadd.f32 v19, v20  }
0x30c: {  	s9 =	ssub.s32 $0x5F3759DF, s11;
	v47 =	vld [tilespmem:s26+$0xFFFFFFA0];
	v50 =	vadd.f32 v18, v21;
	v52 =	vmul.f32 v30, v30;
	v24 =	vadd.f32 v24, v22  }
0x30d: {  	v31 =	vmul.f32 v35, v31;
	s12 =	smul.f32 s9, s10;
	v34 =	vld [tilespmem:s26+$0xFFFFFF80];
	v54 =	vadd.f32 v17, v30;
	v35 =	vadd.f32 v23, v27  }
0x30e: {  	v22 =	vadd.f32 v0, v25;
	v0 =	vadd.f32 v52, v24;
	v24 =	vmul.f32 v17, v17  }
0x30f: {  	v51 =	vmul.f32 v57, v51;
	s11 =	smul.f32 s9, s12;
	v53 =	vld [tilespmem:s26+$0xFFFFFFB0];
	v25 =	vadd.f32 v50, v26;
	v57 =	vadd.f32 v35, v54  }
0x310: {  	v56 =	vld [tilespmem:s4+$0xFFFFFFB0];
	v0 =	vadd.f32 v24, v0  }
0x311: {  	v55 =	vmul.f32 s7, v12;
	s11 =	ssub.f32 $1.500000000e+00, s11;
	v24 =	vadd.f32 v33, v47;
	v47 =	vadd.f32 v57, v25;
	v25 =	vld [tilespmem:$0x1FF70]  }
0x312: {  	v26 =	vadd.f32 v28, v34  }
0x313: {  	v32 =	vmul.f32 v55, v32;
	s9 =	smul.f32 s9, s11;
	v54 =	vld [tilespmem:s4+$0xFFFFFFC0];
	v28 =	vmul.f32 v27, v27  }
0x314: {  	v52 =	vld [tilespmem:s26+$0xFFFFFFC0];
	v55 =	vmul.f32 v26, v26;
	v57 =	vmul.f32 s7, v8;
	[tilespmem:s24+$0x70] =	vst v48  }
0x315: {  	s12 =	spop (v2sf);
	s10 =	smul.f32 s9, s10;
	v33 =	vmul.f32 v22, v22;
	[tilespmem:s24+$0x0] =	vst v61;
	v0 =	vadd.f32 v28, v0;
	v28 =	vmul.f32 v23, v23  }
0x316: {  	s12 =	smul.f32 $7.812500000e-03, s12;
	[tilespmem:s24+$0x10] =	vst v63;
	v35 =	vadd.f32 v31, v25;
	v25 =	vadd.f32 v56, v53;
	v56 =	vmul.f32 v57, v59  }
0x317: {  	v50 =	vld [tilespmem:s4+$0xFFFFFFD0];
	s10 =	smul.f32 s10, s9;
	[tilespmem:s24+$0x20] =	vst v40;
	v33 =	vadd.f32 v33, v55;
	v53 =	vmul.f32 v24, v24  }
0x318: {  	s11 =	smul.f32 s12, s12;
	s28 =	spop (v2sf);
	v0 =	vadd.f32 v28, v0;
	v56 =	vadd.f32 v56, v1;
	v1 =	vld [tilespmem:$0x1FE50];
	[tilespmem:s24+$0xFFFFFF80] =	vst v36  }
0x319: {  	v34 =	vld [tilespmem:s26+$0xFFFFFFD0];
	s10 =	ssub.f32 $1.500000000e+00, s10;
	s28 =	smul.f32 $7.812500000e-03, s28;
	v28 =	vadd.f32 v54, v52;
	v33 =	vadd.f32 v53, v33;
	v52 =	vmul.f32 v25, v25;
	[tilespmem:s24+$0xFFFFFF90] =	vst v37  }
0x31a: {  	[tilespmem:s24+$0xFFFFFFA0] =	vst v58  }
0x31b: {  	v55 =	vld [tilespmem:s4+$0xFFFFFFE0];
	s11 =	ssub.f32 s28, s11;
	s28 =	smul.f32 s10, s9;
	v54 =	vmul.f32 v28, v28;
	[tilespmem:s24+$0xFFFFFFB0] =	vst v60;
	v53 =	vadd.f32 v52, v33  }
0x31c: {  	v48 =	vmov s8;
	(xrf2) =	vadd.scan.msk.f32 $0xffff, v47;
	v47 =	vld [tilespmem:s26+$0xFFFFFFF0];
	v57 =	vadd.f32 v29, v4;
	[tilespmem:s24+$0xFFFFFFC0] =	vst v62  }
0x31d: {  	v31 =	vld [tilespmem:s26+$0xFFFFFFE0];
	v63 =	vmul.f32 s28, v5;
	[tilespmem:s24+$0xFFFFFFD0] =	vst v38;
	v33 =	vadd.f32 v54, v53;
	v53 =	vsub.f32 v1, v48  }
0x31e: {  	v29 =	vadd.f32 v50, v34;
	v34 =	vld [tilespmem:s4+$0xFFFFFFF0];
	(xrf2) =	vadd.scan.msk.f32 $0xffff, v0;
	v0 =	vadd.f32 v32, v3;
	[tilespmem:s24+$0xFFFFFFE0] =	vst v35  }
0x31f: {  	v59 =	vadd.f32 v51, v2;
	v1 =	vld [tilespmem:$0x1FE60];
	[tilespmem:s24+$0xFFFFFFF0] =	vst v57;
	v53 =	vmul.f32 v63, v53  }
0x320: {  	[tilespmem:s24+$0x30] =	vst v0  }
0x321: {  	[tilespmem:s24+$0x40] =	vst v59;
	v37 =	vadd.f32 v53, v4  }
0x322: {  	[tilespmem:s24+$0x50] =	vst v56  }
0x323: {  	v61 =	vmov s12;
	s11 =	sadd.f32 $9.999999960e-13, s11;
	v31 =	vadd.f32 v55, v31;
	v63 =	vmul.f32 s7, v6;
	[tilespmem:s25+$0x70] =	vst v37  }
0x324: {  	v52 =	vmul.f32 v29, v29;
	v32 =	vadd.f32 v34, v47;
	v55 =	vadd.f32 v25, v24;
	v0 =	vld [tilespmem:$0x1FE70]  }
0x325: {  	s9 =	sshra.s32 s11, $0x1;
	s10 =	smul.f32 $5.000000000e-01, s11;
	v47 =	vsub.f32 v39, v61;
	v39 =	vmul.f32 v63, v49;
	v49 =	vsub.f32 v1, v61;
	v1 =	vld [tilespmem:$0x1FE80]  }
0x326: {  	s12 =	ssub.s32 $0x5F3759DF, s9;
	v54 =	vadd.f32 v22, v26;
	v58 =	vmul.f32 v31, v31;
	v33 =	vadd.f32 v52, v33  }
0x327: {  	s9 =	smul.f32 s12, s10  }
0x328: {  	v36 =	vadd.f32 v55, v54;
	v55 =	vmul.f32 v32, v32;
	v33 =	vadd.f32 v58, v33  }
0x329: {  	v62 =	vmul.f32 s28, v15;
	s9 =	smul.f32 s12, s9;
	v0 =	vsub.f32 v0, v48  }
0x32a: {  	v33 =	vadd.f32 v55, v33;
	v55 =	vsub.f32 v1, v48;
	v1 =	vld [tilespmem:$0x1FE90]  }
0x32b: {  	s11 =	ssub.f32 $1.500000000e+00, s9;
	v56 =	vmul.f32 v62, v0;
	v0 =	vld [tilespmem:$0x1FEB0];
	_ =	sdelay $0x1  }
0x32c: {  	v46 =	vsub.f32 v46, v61;
	s8 =	smul.f32 s12, s11  }
0x32d: {  	v50 =	vadd.f32 v29, v28;
	v54 =	vadd.f32 v32, v31  }
0x32e: {  	v44 =	vsub.f32 v44, v61;
	s7 =	smul.f32 s8, s10;
	v57 =	vsub.f32 v1, v48;
	v1 =	vld [tilespmem:$0x1FEA0]  }
0x32f: {  	v60 =	vadd.f32 v54, v50;
	v37 =	vsub.f32 v0, v48;
	v0 =	vld [tilespmem:$0x1FEC0]  }
0x330: {  	v45 =	vsub.f32 v45, v61;
	v51 =	vsub.f32 v42, v61;
	v40 =	vmul.f32 s28, v12;
	v58, _, _ =	vpop (xrf2);
	s7 =	smul.f32 s7, s8  }
0x331: {  	v42 =	vmul.f32 s28, v10;
	(v2sf) =	vpush v58, $0xF;
	v36 =	vadd.f32 v60, v36;
	v63, _, _ =	vpop (xrf2)  }
0x332: {  	v34 =	vmul.f32 s28, v6;
	v52 =	vsub.f32 v43, v61;
	(v2sf) =	vpush v63, $0xF;
	s12 =	ssub.f32 $1.500000000e+00, s7  }
0x333: {  	v54 =	vmul.f32 s28, v13;
	v50 =	vsub.f32 v41, v61;
	v41 =	vmul.f32 s28, v8;
	(xrf2) =	vadd.scan.msk.f32 $0xffff, v36  }
0x334: {  	v53 =	vmul.f32 s28, v14;
	s28 =	simm.s32 $0x4;
	(xrf2) =	vadd.scan.msk.f32 $0xffff, v33;
	s7 =	simm.s32 $0x780;
	s8 =	smul.f32 s12, s8;
	v35 =	vsub.f32 v1, v48;
	v36 =	vsub.f32 v0, v48  }
.LBB2_6:
0x335: {  	_ =	sdelay $0x1  }
0x336: {  	v0 =	vld [tilespmem:s7+$0x50]  }
0x337: {  	v1 =	vld [tilespmem:$0x1FF70];
	v38 =	vmul.f32 v53, v55  }
0x338: {  	s4 =	sadd.s32 $0x100, s4;
	v33 =	vmov v30;
	v30 =	vld [tilespmem:s7+$0x60];
	v43 =	vmul.f32 v54, v57;
	v55 =	vadd.f32 v56, v11  }
0x339: {  	v48 =	vsub.f32 v16, v48;
	v16 =	vmov v27;
	v27 =	vld [tilespmem:s4+$0x50];
	v38 =	vadd.f32 v38, v9  }
0x33a: {  	v58 =	vld [tilespmem:s4+$0x60];
	[tilespmem:s25+$0x0] =	vst v55;
	v43 =	vadd.f32 v43, v7  }
0x33b: {  	v53 =	vmul.f32 s8, v15;
	v54 =	vmul.f32 s8, v14;
	v55 =	vld [tilespmem:s7+$0x70];
	[tilespmem:s25+$0x10] =	vst v38  }
0x33c: {  	v56 =	vmul.f32 s8, v13;
	v57 =	vmul.f32 s8, v12;
	v38 =	vadd.f32 v39, v1;
	v63 =	vld [tilespmem:s7+$0x0];
	[tilespmem:s25+$0x20] =	vst v43  }
0x33d: {  	v59 =	vmul.f32 s8, v10;
	v60 =	vmul.f32 s8, v8;
	v43 =	vld [tilespmem:s4+$0x0]  }
0x33e: {  	v61 =	vmul.f32 s8, v6;
	v62 =	vmul.f32 s8, v5;
	[tilespmem:s24+$0x60] =	vst v38;
	v38 =	vld [tilespmem:s7+$0x10];
	v39, _, _ =	vpop (xrf2)  }
0x33f: {  	v42 =	vmul.f32 v42, v37;
	v49 =	vmul.f32 v54, v49;
	v54 =	vld [tilespmem:s7+$0x20];
	s10 =	spop (v2sf);
	(v2sf) =	vpush v39, $0xF  }
0x340: {  	v47 =	vmul.f32 v53, v47;
	v37 =	vld [tilespmem:s4+$0x20];
	v39 =	vmul.f32 v56, v50;
	s8 =	smul.f32 $7.812500000e-03, s10;
	s10 =	spop (v2sf)  }
0x341: {  	v49 =	vadd.f32 v49, v9;
	v50 =	vmul.f32 v57, v51;
	v51 =	vmul.f32 v59, v52;
	v59, _, _ =	vpop (xrf2);
	v56 =	vld [tilespmem:$0x1FF60];
	s10 =	smul.f32 $7.812500000e-03, s10  }
0x342: {  	v47 =	vadd.f32 v47, v11;
	s24 =	smov.u32 s25;
	v57 =	vld [tilespmem:s4+$0x10];
	(v2sf) =	vpush v59, $0xF;
	s9 =	smul.f32 s8, s8  }
0x343: {  	v46 =	vmul.f32 v60, v46;
	v44 =	vmul.f32 v61, v44;
	[tilespmem:s24+$0xFFFFFF90] =	vst v49;
	v49 =	vld [tilespmem:s4+$0x30];
	v60 =	vadd.f32 v39, v7  }
0x344: {  	v42 =	vadd.f32 v42, v2;
	[tilespmem:s24+$0xFFFFFF80] =	vst v47;
	v39 =	vmul.f32 v34, v48;
	v34 =	vld [tilespmem:s7+$0x30];
	v61 =	vadd.f32 v50, v3;
	s9 =	ssub.f32 s10, s9  }
0x345: {  	v45 =	vmul.f32 v62, v45;
	v44 =	vadd.f32 v44, v1;
	v62 =	vadd.f32 v51, v2;
	v50 =	vld [tilespmem:s7+$0x40];
	[tilespmem:s24+$0xFFFFFFA0] =	vst v60  }
0x346: {  	v40 =	vmul.f32 v40, v35;
	v35 =	vadd.f32 v43, v63;
	[tilespmem:s24+$0xFFFFFFB0] =	vst v61;
	v60 =	vld [tilespmem:s4+$0x70];
	v46 =	vadd.f32 v46, v56;
	s9 =	sadd.f32 $9.999999960e-13, s9  }
0x347: {  	v41 =	vmul.f32 v41, v36;
	v43 =	vadd.f32 v27, v0;
	[tilespmem:s24+$0xFFFFFFC0] =	vst v62;
	v36 =	vadd.f32 v57, v38;
	v57 =	vld [tilespmem:s4+$0x40]  }
0x348: {  	v27 =	vadd.f32 v58, v30;
	v59 =	vadd.f32 v45, v4;
	v63 =	vld [tilespmem:s7+$0xFFFFFF90];
	[tilespmem:s24+$0xFFFFFFD0] =	vst v46;
	s11 =	sshra.s32 s9, $0x1;
	s9 =	smul.f32 $5.000000000e-01, s9  }
0x349: {  	v37 =	vadd.f32 v37, v54;
	v61 =	vmul.f32 v35, v35;
	v62 =	vmul.f32 v36, v36;
	v46 =	vld [tilespmem:s4+$0xFFFFFF80];
	[tilespmem:s24+$0xFFFFFFE0] =	vst v44;
	s10 =	ssub.s32 $0x5F3759DF, s11  }
0x34a: {  	v41 =	vadd.f32 v41, v56;
	v0 =	vld [tilespmem:s7+$0xFFFFFF80];
	v38 =	vadd.f32 v49, v34;
	[tilespmem:s24+$0xFFFFFFF0] =	vst v59;
	s11 =	smul.f32 s10, s9  }
0x34b: {  	v54 =	vmul.f32 v37, v37;
	v58 =	vadd.f32 v36, v35;
	v53 =	vadd.f32 v62, v61;
	v56 =	vld [tilespmem:s4+$0xFFFFFF90]  }
0x34c: {  	[tilespmem:s24+$0x40] =	vst v42;
	v42 =	vld [tilespmem:s7+$0xFFFFFFA0];
	v45 =	vadd.f32 v60, v55;
	v59 =	vadd.f32 v38, v37;
	s11 =	smul.f32 s10, s11  }
0x34d: {  	[tilespmem:s24+$0x50] =	vst v41;
	v41 =	vld [tilespmem:s4+$0xFFFFFFA0];
	v30 =	vadd.f32 v57, v50;
	v57 =	vmul.f32 v38, v38;
	v34 =	vadd.f32 v54, v53  }
0x34e: {  	v50 =	vld [tilespmem:s7+$0xFFFFFFB0];
	v62 =	vadd.f32 v45, v27;
	v47 =	vadd.f32 v59, v58;
	s11 =	ssub.f32 $1.500000000e+00, s11;
	s12 =	spop (v2sf)  }
0x34f: {  	v53 =	vld [tilespmem:s7+$0xFFFFFFC0];
	v60 =	vmul.f32 v30, v30;
	v61 =	vadd.f32 v43, v30;
	v34 =	vadd.f32 v57, v34;
	s12 =	smul.f32 $7.812500000e-03, s12  }
0x350: {  	v57 =	vmul.f32 v43, v43;
	v0 =	vadd.f32 v46, v0;
	v46 =	vld [tilespmem:s4+$0xFFFFFFC0];
	v44 =	vadd.f32 v56, v63;
	s10 =	smul.f32 s10, s11  }
0x351: {  	v63 =	vld [tilespmem:s4+$0xFFFFFFB0];
	v58 =	vadd.f32 v62, v61;
	v34 =	vadd.f32 v60, v34;
	s11 =	smul.f32 s12, s12;
	v55 =	vmov s12;
	s12 =	spop (v2sf)  }
0x352: {  	v52 =	vadd.f32 v41, v42;
	v41 =	vld [tilespmem:s7+$0xFFFFFFD0];
	v61 =	vmul.f32 v0, v0;
	v42 =	vmul.f32 v44, v44;
	s12 =	smul.f32 $7.812500000e-03, s12  }
0x353: {  	v40 =	vadd.f32 v40, v3;
	v59 =	vmul.f32 v27, v27;
	v60 =	vld [tilespmem:s4+$0xFFFFFFD0];
	v34 =	vadd.f32 v57, v34;
	s9 =	smul.f32 s10, s9  }
0x354: {  	v49 =	vld [tilespmem:s7+$0xFFFFFFE0];
	v47 =	vadd.f32 v58, v47;
	v42 =	vadd.f32 v42, v61;
	s11 =	ssub.f32 s12, s11  }
0x355: {  	v57 =	vld [tilespmem:s4+$0xFFFFFFE0];
	v58 =	vadd.f32 v46, v53;
	v34 =	vadd.f32 v59, v34;
	s9 =	smul.f32 s9, s10  }
0x356: {  	[tilespmem:s24+$0x30] =	vst v40;
	v40 =	vld [tilespmem:s7+$0xFFFFFFF0];
	v62 =	vmul.f32 v45, v45;
	v56 =	vadd.f32 v63, v50;
	v50 =	vadd.f32 v44, v0;
	s11 =	sadd.f32 $9.999999960e-13, s11  }
0x357: {  	(xrf2) =	vadd.scan.msk.f32 $0xffff, v47;
	v53 =	vld [tilespmem:s4+$0xFFFFFFF0];
	v63 =	vmul.f32 v52, v52;
	v47 =	vsub.f32 v26, v55;
	v51 =	vsub.f32 v25, v55;
	s9 =	ssub.f32 $1.500000000e+00, s9  }
0x358: {  	v48 =	vmov s8;
	v26 =	vmovc v0;
	v0 =	vadd.f32 v60, v41;
	v34 =	vadd.f32 v62, v34;
	s12 =	sshra.s32 s11, $0x1;
	s11 =	smul.f32 $5.000000000e-01, s11  }
0x359: {  	v46 =	vadd.f32 v56, v52;
	v59 =	vmul.f32 v56, v56;
	v42 =	vadd.f32 v63, v42;
	s9 =	smul.f32 s9, s10;
	s12 =	ssub.s32 $0x5F3759DF, s12  }
0x35a: {  	v63 =	vsub.f32 v23, v48;
	v57 =	vadd.f32 v57, v49;
	s10 =	smul.f32 s12, s11  }
0x35b: {  	v60 =	vmul.f32 v58, v58;
	v23 =	vmovc v45;
	v45 =	vadd.f32 v0, v58;
	v61 =	vadd.f32 v59, v42  }
0x35c: {  	v54 =	vmul.f32 v0, v0;
	v49 =	vsub.f32 v22, v55;
	(xrf2) =	vadd.scan.msk.f32 $0xffff, v34;
	v59 =	vadd.f32 v53, v40;
	s10 =	smul.f32 s12, s10  }
0x35d: {  	v22 =	vmovc v44;
	v44 =	vsub.f32 v31, v55;
	v40 =	vmul.f32 v57, v57;
	v34 =	vadd.f32 v60, v61  }
0x35e: {  	v46 =	vadd.f32 v46, v50;
	v61 =	vmul.f32 v59, v59;
	v62 =	vmul.f32 s9, v5;
	s10 =	ssub.f32 $1.500000000e+00, s10  }
0x35f: {  	v60 =	vmul.f32 s9, v15;
	v34 =	vadd.f32 v54, v34;
	v53 =	vmul.f32 s9, v14  }
0x360: {  	v54 =	vmul.f32 s9, v13;
	v50 =	vmul.f32 v62, v63;
	v63 =	vadd.f32 v59, v57;
	s8 =	smul.f32 s12, s10  }
0x361: {  	v31 =	vmovc v57;
	v42 =	vmul.f32 s9, v10;
	v34 =	vadd.f32 v40, v34;
	v57 =	vsub.f32 v21, v48  }
0x362: {  	v40 =	vmul.f32 s9, v12;
	v21 =	vmovc v37;
	v37 =	vsub.f32 v33, v48;
	v41 =	vadd.f32 v50, v4;
	s12 =	smul.f32 s8, s11  }
0x363: {  	s28 =	sadd.s32 $0x2, s28;
	s25 =	smov.u32 s26;
	v62, _, _ =	vpop (xrf2);
	v45 =	vadd.f32 v63, v45;
	v61 =	vadd.f32 v61, v34;
	v34 =	vmul.f32 s9, v6  }
0x364: {  	p0 =	slt.u32 s28, $0xFE;
	v50 =	vsub.f32 v24, v55;
	v24 =	vmovc v52;
	v52 =	vsub.f32 v28, v55;
	[tilespmem:s25+$0x70] =	vst v41;
	v41 =	vmul.f32 s9, v8;
	s9 =	smul.f32 s12, s8  }
.Ltmp2:
0x365: {  	(v2sf) =	vpush v62, $0xF;
	v45 =	vadd.f32 v45, v46;
	(pc) =	sbr.rel @p0 .LBB2_6-.Ltmp2, $4  }
0x366: {  	v63, _, _ =	vpop (xrf2);
	v46 =	vsub.f32 v29, v55;
	v29 =	vmov v0;
	v0 =	vsub.f32 v20, v48  }
0x367: {  	v25 =	vmovc v56;
	v28 =	vmovc v58;
	v20 =	vmov v35;
	v35 =	vsub.f32 v18, v48;
	(v2sf) =	vpush v63, $0xF;
	s9 =	ssub.f32 $1.500000000e+00, s9  }
0x368: {  	v18 =	vmovc v38;
	(xrf2) =	vadd.scan.msk.f32 $0xffff, v45;
	v45 =	vsub.f32 v32, v55;
	v55 =	vsub.f32 v19, v48;
	v19 =	vmov v36  }
0x369: {  	s26 =	smov.u32 s7;
	s7 =	sadd.s32 $0x100, s7;
	v32 =	vmovc v59;
	v56 =	vmul.f32 v60, v0;
	v36 =	vsub.f32 v17, v48;
	v17 =	vmov v43;
	(xrf2) =	vadd.scan.msk.f32 $0xffff, v61;
	s8 =	smul.f32 s9, s8  }
0x36a: {  	_ =	sdelay $0x7  }
0x36b: {  	v0, _, _ =	vpop (xrf2)  }
0x36c: {  	(v2sf) =	vpush v0, $0xF;
	v0, _, _ =	vpop (xrf2)  }
0x36d: {  	s4 =	spop (v2sf);
	(v2sf) =	vpush v0, $0xF  }
0x36e: {  	s7 =	smul.f32 $7.812500000e-03, s4;
	_ =	sdelay $0x1  }
0x36f: {  	s9 =	spop (v2sf);
	s4 =	smul.f32 s7, s7  }
0x370: {  	s9 =	smul.f32 $7.812500000e-03, s9;
	_ =	sdelay $0x1  }
0x371: {  	s4 =	ssub.f32 s9, s4;
	_ =	sdelay $0x1  }
0x372: {  	s4 =	sadd.f32 $9.999999960e-13, s4;
	_ =	sdelay $0x1  }
0x373: {  	s11 =	sshra.s32 s4, $0x1;
	s10 =	smul.f32 $5.000000000e-01, s4  }
0x374: {  	s9 =	ssub.s32 $0x5F3759DF, s11  }
0x375: {  	s11 =	smul.f32 s9, s10;
	_ =	sdelay $0x1  }
0x376: {  	s11 =	smul.f32 s9, s11;
	s12 =	spop (v2sf)  }
0x377: {  	s4 =	smul.f32 $7.812500000e-03, s12;
	s28 =	spop (v2sf)  }
0x378: {  	s28 =	smul.f32 $7.812500000e-03, s28  }
0x379: {  	s12 =	smul.f32 s4, s4  }
0x37a: {  	v33 =	vmul.f32 v54, v57;
	v62 =	vmul.f32 s8, v13;
	s11 =	ssub.f32 $1.500000000e+00, s11  }
0x37b: {  	v35 =	vmul.f32 v40, v35;
	v37 =	vmul.f32 v42, v37;
	s12 =	ssub.f32 s28, s12  }
0x37c: {  	v38 =	vmul.f32 s8, v15;
	v62 =	vmul.f32 v62, v50;
	v50 =	vld [tilespmem:$0x1FF70]  }
0x37d: {  	v43 =	vmul.f32 s8, v14;
	v63 =	vmul.f32 s8, v12;
	s9 =	smul.f32 s9, s11;
	s11 =	sadd.f32 $9.999999960e-13, s12  }
0x37e: {  	v16 =	vsub.f32 v16, v48;
	v48 =	vmul.f32 s8, v10;
	v60 =	vmul.f32 s8, v8  }
0x37f: {  	v56 =	vadd.f32 v56, v11;
	v61 =	vmul.f32 s8, v6;
	v58 =	vmul.f32 s8, v5;
	s12 =	sshra.s32 s11, $0x1;
	s11 =	smul.f32 $5.000000000e-01, s11  }
0x380: {  	v36 =	vmul.f32 v41, v36;
	v33 =	vadd.f32 v33, v7;
	v0 =	vmul.f32 v53, v55;
	s8 =	ssub.s32 $0x5F3759DF, s12  }
0x381: {  	v57 =	vadd.f32 v37, v2;
	v38 =	vmul.f32 v38, v47;
	[tilespmem:s25+$0x0] =	vst v56;
	v39 =	vadd.f32 v39, v50;
	s12 =	smul.f32 s8, s11  }
0x382: {  	v43 =	vmul.f32 v43, v49;
	v63 =	vmul.f32 v63, v51;
	[tilespmem:s25+$0x20] =	vst v33;
	v0 =	vadd.f32 v0, v9  }
0x383: {  	v48 =	vmul.f32 v48, v52;
	v56 =	vadd.f32 v35, v3;
	v38 =	vadd.f32 v38, v11;
	[tilespmem:s24+$0x60] =	vst v39;
	s12 =	smul.f32 s8, s12  }
0x384: {  	v44 =	vmul.f32 v61, v44;
	v47 =	vadd.f32 v62, v7;
	v49 =	vadd.f32 v63, v3;
	[tilespmem:s25+$0x10] =	vst v0;
	s10 =	smul.f32 s9, s10  }
0x385: {  	v51 =	vadd.f32 v48, v2;
	v53 =	vmov s7;
	v0 =	vadd.f32 v43, v9;
	v1 =	vld [tilespmem:$0x1FF60];
	s12 =	ssub.f32 $1.500000000e+00, s12  }
0x386: {  	v45 =	vmul.f32 v58, v45;
	v54 =	vadd.f32 v44, v50;
	v23 =	vsub.f32 v23, v53;
	s10 =	smul.f32 s10, s9  }
0x387: {  	v20 =	vsub.f32 v20, v53;
	v19 =	vsub.f32 v19, v53;
	[tilespmem:s25+$0xFFFFFF90] =	vst v0;
	v0 =	vmul.f32 v34, v16;
	s12 =	smul.f32 s8, s12  }
0x388: {  	v46 =	vmul.f32 v60, v46;
	v21 =	vsub.f32 v21, v53;
	v18 =	vsub.f32 v18, v53;
	[tilespmem:s25+$0xFFFFFF80] =	vst v38;
	s10 =	ssub.f32 $1.500000000e+00, s10  }
0x389: {  	[tilespmem:s25+$0xFFFFFFA0] =	vst v47;
	v16 =	vadd.f32 v45, v4;
	v0 =	vadd.f32 v0, v50;
	s24 =	smul.f32 s12, s11  }
0x38a: {  	[tilespmem:s25+$0xFFFFFFB0] =	vst v49;
	v52 =	vadd.f32 v46, v1;
	v36 =	vadd.f32 v36, v1;
	v58 =	vmov s4;
	s9 =	smul.f32 s10, s9  }
0x38b: {  	[tilespmem:s25+$0xFFFFFFC0] =	vst v51;
	v26 =	vsub.f32 v26, v58;
	v22 =	vsub.f32 v22, v58;
	s4 =	smul.f32 s24, s12  }
0x38c: {  	[tilespmem:s25+$0xFFFFFFE0] =	vst v54;
	v24 =	vsub.f32 v24, v58;
	v25 =	vsub.f32 v25, v58;
	v55 =	vmul.f32 s9, v5  }
0x38d: {  	[tilespmem:s25+$0x30] =	vst v56;
	v28 =	vsub.f32 v28, v58;
	v59 =	vmul.f32 s9, v15;
	v60 =	vmul.f32 s9, v14;
	s4 =	ssub.f32 $1.500000000e+00, s4  }
0x38e: {  	[tilespmem:s25+$0x40] =	vst v57;
	v29 =	vsub.f32 v29, v58;
	v61 =	vmul.f32 s9, v13;
	v23 =	vmul.f32 v55, v23  }
0x38f: {  	[tilespmem:s25+$0xFFFFFFF0] =	vst v16;
	v31 =	vsub.f32 v31, v58;
	v62 =	vmul.f32 s9, v12;
	v20 =	vmul.f32 v59, v20;
	s4 =	smul.f32 s4, s12  }
0x390: {  	[tilespmem:s25+$0x60] =	vst v0;
	v63 =	vmul.f32 s9, v10;
	v19 =	vmul.f32 v60, v19;
	v23 =	vadd.f32 v23, v4  }
0x391: {  	[tilespmem:s25+$0xFFFFFFD0] =	vst v52;
	v21 =	vmul.f32 v61, v21;
	v20 =	vadd.f32 v20, v11;
	v46 =	vmul.f32 s4, v15  }
0x392: {  	v45 =	vmul.f32 s9, v8;
	v19 =	vadd.f32 v19, v9;
	[tilespmem:s26+$0x70] =	vst v23;
	v47 =	vmul.f32 s4, v14  }
0x393: {  	[tilespmem:s26+$0x0] =	vst v20;
	v20 =	vadd.f32 v21, v7;
	v48 =	vmul.f32 s4, v13;
	v21 =	vmul.f32 v46, v26  }
0x394: {  	v23 =	vsub.f32 v32, v58;
	[tilespmem:s26+$0x10] =	vst v19;
	v26 =	vmul.f32 s4, v12;
	v19 =	vmul.f32 v47, v22  }
0x395: {  	[tilespmem:s26+$0x20] =	vst v20;
	v22 =	vmul.f32 s4, v10;
	v20 =	vmul.f32 v48, v24;
	v21 =	vadd.f32 v21, v11  }
0x396: {  	[tilespmem:s25+$0x50] =	vst v36;
	v24 =	vmul.f32 s4, v8;
	v25 =	vmul.f32 v26, v25;
	v0 =	vadd.f32 v19, v9  }
0x397: {  	v19 =	vmul.f32 s4, v6;
	v22 =	vmul.f32 v22, v28;
	v20 =	vadd.f32 v20, v7;
	[tilespmem:s26+$0xFFFFFF80] =	vst v21  }
0x398: {  	v24 =	vmul.f32 v24, v29;
	v21 =	vmul.f32 s4, v5;
	[tilespmem:s26+$0xFFFFFF90] =	vst v0;
	v0 =	vadd.f32 v25, v3  }
0x399: {  	v16 =	vmul.f32 s9, v6;
	v19 =	vmul.f32 v19, v31;
	v22 =	vadd.f32 v22, v2;
	[tilespmem:s26+$0xFFFFFFA0] =	vst v20  }
0x39a: {  	v20 =	vsub.f32 v30, v53;
	v21 =	vmul.f32 v21, v23;
	v23 =	vadd.f32 v24, v1;
	[tilespmem:s26+$0xFFFFFFB0] =	vst v0  }
0x39b: {  	v0 =	vsub.f32 v17, v53;
	v17 =	vmul.f32 v62, v18;
	v18 =	vadd.f32 v19, v50;
	[tilespmem:s26+$0xFFFFFFC0] =	vst v22  }
0x39c: {  	v19 =	vsub.f32 v27, v53;
	v20 =	vmul.f32 v63, v20;
	v21 =	vadd.f32 v21, v4;
	[tilespmem:s26+$0xFFFFFFD0] =	vst v23  }
0x39d: {  	v0 =	vmul.f32 v45, v0;
	v17 =	vadd.f32 v17, v3;
	[tilespmem:s26+$0xFFFFFFE0] =	vst v18  }
0x39e: {  	v16 =	vmul.f32 v16, v19;
	v18 =	vadd.f32 v20, v2;
	[tilespmem:s26+$0xFFFFFFF0] =	vst v21  }
0x39f: {  	v0 =	vadd.f32 v0, v1;
	[tilespmem:s26+$0x30] =	vst v17  }
0x3a0: {  	[tilespmem:s26+$0x40] =	vst v18;
	v16 =	vadd.f32 v16, v50  }
0x3a1: {  	[tilespmem:s26+$0x50] =	vst v0  }
0x3a2: {  	[tilespmem:s26+$0x60] =	vst v16  }
0x3a3: {  	[hbm4b:s17+s5] =	stream.linear.scatter [tilespmem:s0], [sflag:$0x5], $0x8000, $0x38;
	[tilespmem:$0x18500] =	vst v63  }
0x3a4: {  	_ =	swait.ge [sflag:s21], $0x4000  }
0x3a5: {  	[sflag:s21] =	ssyncset.done $0x0  }
0x3a6: {  	[sflag:s21] =	ssyncadd.s32 $0xFFFFC000  }
0x3a7: {  	_ =	swait.ge [sflag:s21], $0x4000  }
0x3a8: {  	[sflag:s21] =	ssyncset.done $0x0  }
0x3a9: {  	s24 =	simm.s32 $0x8480;
	[sflag:s21] =	ssyncadd.s32 $0xFFFFC000  }
0x3aa: {  	s7 =	simm.s32 $0x10480;
	v0 =	vld [tilespmem:s24+$0x50]  }
0x3ab: {  	v16 =	vld [tilespmem:s7+$0x50]  }
0x3ac: {  	v20 =	vld [tilespmem:s24+$0x60]  }
0x3ad: {  	v23 =	vld [tilespmem:s7+$0x60]  }
0x3ae: {  	v24 =	vld [tilespmem:s24+$0x70]  }
0x3af: {  	v17 =	vld [tilespmem:s24+$0x0]  }
0x3b0: {  	v18 =	vld [tilespmem:s7+$0x0]  }
0x3b1: {  	v19 =	vld [tilespmem:s24+$0x10]  }
0x3b2: {  	v21 =	vld [tilespmem:s7+$0x10]  }
0x3b3: {  	v22 =	vld [tilespmem:s24+$0x20]  }
0x3b4: {  	v25 =	vld [tilespmem:s7+$0x20]  }
0x3b5: {  	v26 =	vld [tilespmem:s24+$0x30]  }
0x3b6: {  	v27 =	vld [tilespmem:s7+$0x30]  }
0x3b7: {  	v28 =	vld [tilespmem:s24+$0x40]  }
0x3b8: {  	v29 =	vld [tilespmem:s7+$0x40]  }
0x3b9: {  	v30 =	vld [tilespmem:s7+$0x70]  }
0x3ba: {  	v31 =	vld [tilespmem:s7+$0xFFFFFF80]  }
0x3bb: {  	v49 =	vld [tilespmem:s24+$0xFFFFFF90];
	v17 =	vadd.f32 v18, v17;
	v18 =	vadd.f32 v21, v19  }
0x3bc: {  	v50 =	vld [tilespmem:s7+$0xFFFFFF90]  }
0x3bd: {  	v52 =	vld [tilespmem:s7+$0xFFFFFFB0];
	v19 =	vadd.f32 v25, v22;
	v21 =	vmul.f32 v17, v17;
	v25 =	vmul.f32 v18, v18  }
0x3be: {  	v55 =	vld [tilespmem:s24+$0xFFFFFFC0];
	v22 =	vadd.f32 v27, v26;
	v20 =	vadd.f32 v23, v20  }
0x3bf: {  	v56 =	vld [tilespmem:s7+$0xFFFFFFC0];
	v23 =	vadd.f32 v29, v28;
	v26 =	vmul.f32 v19, v19;
	v25 =	vadd.f32 v25, v21  }
0x3c0: {  	v27 =	vld [tilespmem:s24+$0xFFFFFF80];
	v29 =	vadd.f32 v18, v17;
	v51 =	vadd.f32 v22, v19  }
0x3c1: {  	v58 =	vld [tilespmem:s24+$0xFFFFFFD0];
	v21 =	vadd.f32 v16, v0;
	v16 =	vadd.f32 v26, v25;
	v26 =	vmul.f32 v22, v22  }
0x3c2: {  	v28 =	vld [tilespmem:s7+$0xFFFFFFA0];
	v25 =	vadd.f32 v30, v24  }
0x3c3: {  	v0 =	vld [tilespmem:s24+$0xFFFFFFA0];
	v29 =	vadd.f32 v51, v29;
	v16 =	vadd.f32 v26, v16;
	v26 =	vmul.f32 v23, v23  }
0x3c4: {  	v59 =	vld [tilespmem:s7+$0xFFFFFFD0];
	v53 =	vadd.f32 v21, v23;
	v54 =	vadd.f32 v25, v20  }
0x3c5: {  	v27 =	vadd.f32 v31, v27;
	v30 =	vld [tilespmem:s24+$0xFFFFFFB0];
	v16 =	vadd.f32 v26, v16;
	v26 =	vmul.f32 v21, v21  }
0x3c6: {  	v63 =	vld [tilespmem:s24+$0xFFFFFFF0];
	v24 =	vadd.f32 v50, v49;
	v57 =	vadd.f32 v54, v53  }
0x3c7: {  	v40 =	vld [tilespmem:s7+$0xFFFFFFF0];
	v31 =	vmul.f32 v20, v20;
	v61 =	vmul.f32 v27, v27;
	v16 =	vadd.f32 v26, v16  }
0x3c8: {  	v60 =	vld [tilespmem:s24+$0xFFFFFFE0];
	v26 =	vadd.f32 v28, v0;
	v0 =	vmul.f32 v24, v24;
	v29 =	vadd.f32 v57, v29  }
0x3c9: {  	v62 =	vld [tilespmem:s7+$0xFFFFFFE0];
	v16 =	vadd.f32 v31, v16;
	v31 =	vmul.f32 v25, v25  }
0x3ca: {  	v28 =	vadd.f32 v52, v30;
	(xrf2) =	vadd.scan.msk.f32 $0xffff, v29;
	v29 =	vmul.f32 v26, v26;
	v0 =	vadd.f32 v0, v61  }
0x3cb: {  	v16 =	vadd.f32 v31, v16  }
0x3cc: {  	v47 =	vadd.f32 v40, v63;
	v31 =	vmul.f32 v28, v28;
	v0 =	vadd.f32 v29, v0  }
0x3cd: {  	v30 =	vadd.f32 v59, v58;
	v29 =	vadd.f32 v56, v55;
	(xrf2) =	vadd.scan.msk.f32 $0xffff, v16  }
0x3ce: {  	v0 =	vadd.f32 v31, v0;
	v31 =	vadd.f32 v62, v60  }
0x3cf: {  	v41 =	vadd.f32 v28, v26;
	v16 =	vadd.f32 v24, v27;
	v32 =	vmul.f32 v29, v29  }
0x3d0: {  	v34 =	vadd.f32 v30, v29;
	v43 =	vadd.f32 v47, v31  }
0x3d1: {  	v0 =	vadd.f32 v32, v0  }
0x3d2: {  	s25 =	simm.s32 $0x8580;
	v42 =	vmul.f32 v30, v30;
	v16 =	vadd.f32 v41, v16;
	v32 =	vadd.f32 v43, v34  }
0x3d3: {  	v36 =	vld [tilespmem:s25+$0x50]  }
0x3d4: {  	v39 =	vld [tilespmem:s25+$0x70];
	s7 =	simm.s32 $0x10580;
	v44 =	vmul.f32 v31, v31;
	v0 =	vadd.f32 v42, v0;
	v45, _, _ =	vpop (xrf2);
	v16 =	vadd.f32 v32, v16  }
0x3d5: {  	v63 =	vld [tilespmem:s7+$0x70];
	(v2sf) =	vpush v45, $0xF  }
0x3d6: {  	v46 =	vmul.f32 v47, v47;
	v51 =	vld [tilespmem:s25+$0x10];
	v0 =	vadd.f32 v44, v0;
	(xrf2) =	vadd.scan.msk.f32 $0xffff, v16  }
0x3d7: {  	v49 =	vld [tilespmem:s25+$0x0];
	v48, _, _ =	vpop (xrf2)  }
0x3d8: {  	v50 =	vld [tilespmem:s7+$0x0];
	v0 =	vadd.f32 v46, v0;
	(v2sf) =	vpush v48, $0xF  }
0x3d9: {  	v53 =	vld [tilespmem:s25+$0x20]  }
0x3da: {  	v54 =	vld [tilespmem:s7+$0x20];
	(xrf2) =	vadd.scan.msk.f32 $0xffff, v0  }
0x3db: {  	v52 =	vld [tilespmem:s7+$0x10]  }
0x3dc: {  	v57 =	vld [tilespmem:s7+$0x30]  }
0x3dd: {  	v61 =	vld [tilespmem:s7+$0x40]  }
0x3de: {  	v56 =	vld [tilespmem:s25+$0x30]  }
0x3df: {  	v60 =	vld [tilespmem:s25+$0x40]  }
0x3e0: {  	v33 =	vadd.f32 v50, v49;
	v32 =	vld [tilespmem:s25+$0x60];
	v55, _, _ =	vpop (xrf2)  }
0x3e1: {  	v59 =	vadd.f32 v52, v51;
	v16 =	vld [tilespmem:s7+$0x50];
	(v2sf) =	vpush v55, $0xF  }
0x3e2: {  	v0 =	vld [tilespmem:s7+$0x60];
	[tilespmem:$0x1FDF0] =	vst v33  }
0x3e3: {  	v52 =	vadd.f32 v57, v56;
	[tilespmem:$0x1FE00] =	vst v59  }
0x3e4: {  	v62 =	vadd.f32 v54, v53;
	v46 =	vld [tilespmem:s7+$0xFFFFFF80];
	v58, _, _ =	vpop (xrf2);
	s8 =	spop (v2sf)  }
0x3e5: {  	v37 =	vmul.f32 v59, v59;
	v34 =	vmul.f32 v33, v33;
	v48 =	vld [tilespmem:s25+$0xFFFFFF90];
	[tilespmem:$0x1FE20] =	vst v52;
	(v2sf) =	vpush v58, $0xF;
	s4 =	smul.f32 $7.812500000e-03, s8  }
0x3e6: {  	[tilespmem:$0x1FE10] =	vst v62  }
0x3e7: {  	v54 =	vmul.f32 v62, v62;
	v53 =	vadd.f32 v37, v34;
	v45 =	vld [tilespmem:s7+$0xFFFFFF90];
	s10 =	smul.f32 s4, s4;
	s9 =	spop (v2sf)  }
0x3e8: {  	v43 =	vld [tilespmem:s25+$0xFFFFFFA0];
	v55 =	vadd.f32 v61, v60;
	s8 =	smul.f32 $7.812500000e-03, s9  }
0x3e9: {  	v56 =	vmul.f32 v52, v52;
	v41 =	vadd.f32 v54, v53;
	v44 =	vld [tilespmem:s7+$0xFFFFFFA0];
	v34 =	vadd.f32 v16, v36  }
0x3ea: {  	v57 =	vadd.f32 v63, v39;
	v16 =	vadd.f32 v0, v32;
	v0 =	vld [tilespmem:s25+$0xFFFFFF80];
	[tilespmem:$0x1FE30] =	vst v55;
	s8 =	ssub.f32 s8, s10  }
0x3eb: {  	v41 =	vadd.f32 v56, v41;
	v49 =	vld [tilespmem:s25+$0xFFFFFFB0];
	[tilespmem:$0x1FE40] =	vst v34  }
0x3ec: {  	v61 =	vadd.f32 v34, v55;
	v58 =	vadd.f32 v59, v33;
	[tilespmem:$0x1FDD0] =	vst v57;
	s8 =	sadd.f32 $9.999999960e-13, s8  }
0x3ed: {  	v59 =	vadd.f32 v52, v62;
	v62 =	vadd.f32 v57, v16;
	v63 =	vld [tilespmem:s7+$0xFFFFFFB0]  }
0x3ee: {  	v56 =	vmul.f32 v57, v57;
	v60 =	vmul.f32 v55, v55;
	v57 =	vadd.f32 v45, v48;
	v53 =	vld [tilespmem:s25+$0xFFFFFFC0];
	s11 =	sshra.s32 s8, $0x1;
	s8 =	smul.f32 $5.000000000e-01, s8  }
0x3ef: {  	v33 =	vmul.f32 v34, v34;
	v50 =	vld [tilespmem:s7+$0xFFFFFFC0];
	v39 =	vadd.f32 v59, v58;
	v34 =	vadd.f32 v62, v61;
	s9 =	ssub.s32 $0x5F3759DF, s11  }
0x3f0: {  	v41 =	vadd.f32 v60, v41;
	v51 =	vld [tilespmem:s25+$0xFFFFFFD0];
	s26 =	spop (v2sf);
	s12 =	smul.f32 s9, s8  }
0x3f1: {  	v54 =	vld [tilespmem:s7+$0xFFFFFFD0];
	[tilespmem:$0x1FDE0] =	vst v57;
	v39 =	vadd.f32 v34, v39;
	s11 =	smul.f32 $7.812500000e-03, s26  }
0x3f2: {  	v35 =	vmul.f32 v16, v16;
	v41 =	vadd.f32 v33, v41;
	v58 =	vld [tilespmem:s25+$0xFFFFFFE0];
	s10 =	smul.f32 s9, s12  }
0x3f3: {  	v59 =	vld [tilespmem:s25+$0xFFFFFFF0];
	(xrf2) =	vadd.scan.msk.f32 $0xffff, v39;
	s12 =	smul.f32 s11, s11  }
0x3f4: {  	v62 =	vld [tilespmem:s7+$0xFFFFFFF0];
	v41 =	vadd.f32 v35, v41;
	v39 =	vadd.f32 v46, v0;
	s26 =	spop (v2sf);
	s10 =	ssub.f32 $1.500000000e+00, s10  }
0x3f5: {  	v60 =	vmul.f32 v57, v57;
	v0 =	vld [tilespmem:s7+$0xFFFFFFE0];
	s26 =	smul.f32 $7.812500000e-03, s26  }
0x3f6: {  	v42 =	vadd.f32 v56, v41;
	v41 =	vadd.f32 v44, v43;
	v61 =	vmul.f32 v39, v39;
	s7 =	smul.f32 s9, s10  }
0x3f7: {  	v46 =	vadd.f32 v54, v51;
	s10 =	ssub.f32 s26, s12  }
0x3f8: {  	(xrf2) =	vadd.scan.msk.f32 $0xffff, v42;
	v42 =	vadd.f32 v63, v49;
	v63 =	vmul.f32 v41, v41;
	v44 =	vadd.f32 v60, v61;
	s8 =	smul.f32 s7, s8  }
0x3f9: {  	v43 =	vadd.f32 v50, v53;
	v45 =	vadd.f32 v62, v59;
	s9 =	sadd.f32 $9.999999960e-13, s10  }
0x3fa: {  	v34 =	vadd.f32 v63, v44;
	v44 =	vadd.f32 v0, v58;
	s8 =	smul.f32 s8, s7  }
0x3fb: {  	v32 =	vadd.f32 v57, v39;
	v33 =	vmul.f32 v42, v42;
	v0 =	vadd.f32 v42, v41;
	s12 =	sshra.s32 s9, $0x1;
	s9 =	smul.f32 $5.000000000e-01, s9  }
0x3fc: {  	v51 =	vadd.f32 v46, v43;
	v36 =	vadd.f32 v45, v44;
	s10 =	ssub.s32 $0x5F3759DF, s12;
	s8 =	ssub.f32 $1.500000000e+00, s8  }
0x3fd: {  	v35 =	vmul.f32 v43, v43;
	v50 =	vadd.f32 v33, v34;
	v0 =	vadd.f32 v0, v32;
	v37, _, _ =	vpop (xrf2);
	s26 =	smul.f32 s10, s9  }
0x3fe: {  	v38 =	vadd.f32 v36, v51;
	(v2sf) =	vpush v37, $0xF;
	s7 =	smul.f32 s8, s7  }
0x3ff: {  	v54 =	vmul.f32 v46, v46;
	v48 =	vadd.f32 v35, v50;
	s8 =	smul.f32 s10, s26  }
0x400: {  	v40 =	vmov s4;
	v0 =	vadd.f32 v38, v0  }
0x401: {  	v25 =	vsub.f32 v25, v40;
	v58 =	vmul.f32 v44, v44;
	v48 =	vadd.f32 v54, v48;
	s4 =	ssub.f32 $1.500000000e+00, s8  }
0x402: {  	v17 =	vsub.f32 v17, v40;
	v18 =	vsub.f32 v18, v40;
	v57, _, _ =	vpop (xrf2);
	(xrf2) =	vadd.scan.msk.f32 $0xffff, v0  }
0x403: {  	v60 =	vmul.f32 v45, v45;
	(v2sf) =	vpush v57, $0xF;
	v48 =	vadd.f32 v58, v48;
	s10 =	smul.f32 s10, s4  }
0x404: {  	v19 =	vsub.f32 v19, v40;
	v49 =	vsub.f32 v20, v40  }
0x405: {  	v32 =	vsub.f32 v22, v40;
	v0 =	vmov s11;
	v61 =	vadd.f32 v60, v48;
	s26 =	simm.s32 $0x8680;
	s9 =	smul.f32 s10, s9  }
0x406: {  	v51 =	vsub.f32 v23, v40;
	v27 =	vsub.f32 v27, v0;
	v34 =	vld [tilespmem:s26+$0x50]  }
0x407: {  	v24 =	vsub.f32 v24, v0;
	v26 =	vsub.f32 v26, v0;
	(xrf2) =	vadd.scan.msk.f32 $0xffff, v61;
	v53 =	vld [tilespmem:s26+$0x60];
	s9 =	smul.f32 s9, s10  }
0x408: {  	v28 =	vsub.f32 v28, v0;
	v29 =	vsub.f32 v29, v0;
	v56 =	vld [tilespmem:s26+$0x70];
	v59 =	vmul.f32 s7, v5  }
0x409: {  	v30 =	vsub.f32 v30, v0;
	v58 =	vld [tilespmem:s26+$0x0];
	v62 =	vmul.f32 s7, v15;
	v63 =	vmul.f32 s7, v14;
	s9 =	ssub.f32 $1.500000000e+00, s9  }
0x40a: {  	v31 =	vsub.f32 v31, v0;
	v23 =	vld [tilespmem:s26+$0x10];
	v36 =	vmul.f32 s7, v13;
	v57 =	vmul.f32 s7, v10  }
0x40b: {  	v33 =	vsub.f32 v47, v0;
	v25 =	vmul.f32 v59, v25;
	s4 =	simm.s32 $0x10680;
	v17 =	vmul.f32 v62, v17;
	v62 =	vld [tilespmem:s26+$0x20];
	s9 =	smul.f32 s9, s10  }
0x40c: {  	v20, _, _ =	vpop (xrf2);
	v59 =	vsub.f32 v21, v40;
	v18 =	vmul.f32 v63, v18;
	v19 =	vmul.f32 v36, v19;
	v21 =	vld [tilespmem:s4+$0x20]  }
0x40d: {  	v22 =	vld [tilespmem:s4+$0x0];
	s11 =	spop (v2sf);
	(v2sf) =	vpush v20, $0xF;
	v48 =	vadd.f32 v25, v4;
	v37 =	vmul.f32 s9, v15  }
0x40e: {  	v60 =	vld [tilespmem:s4+$0x10];
	v61 =	vadd.f32 v17, v11;
	v38 =	vmul.f32 s9, v14;
	v17 =	vmul.f32 s9, v13  }
0x40f: {  	v50 =	vld [tilespmem:s26+$0x30];
	v63 =	vadd.f32 v18, v9;
	v20 =	vmul.f32 s9, v12;
	v18 =	vmul.f32 s9, v10  }
0x410: {  	v52 =	vld [tilespmem:s4+$0x50];
	v40 =	vadd.f32 v19, v7;
	v0 =	vmul.f32 s9, v8;
	v19 =	vmul.f32 v37, v27  }
0x411: {  	v47 =	vld [tilespmem:s4+$0x60];
	v21 =	vadd.f32 v21, v62;
	v24 =	vmul.f32 v38, v24;
	v27, _, _ =	vpop (xrf2);
	v17 =	vmul.f32 v17, v26  }
0x412: {  	s8 =	smul.f32 $7.812500000e-03, s11;
	s12 =	spop (v2sf);
	v26 =	vld [tilespmem:s4+$0x30];
	(v2sf) =	vpush v27, $0xF;
	v27 =	vmul.f32 v20, v28;
	v20 =	vadd.f32 v22, v58  }
0x413: {  	s11 =	smul.f32 $7.812500000e-03, s12;
	v18 =	vmul.f32 v18, v29;
	v22 =	vld [tilespmem:s4+$0x40];
	v36 =	vadd.f32 v19, v11;
	v19 =	vadd.f32 v60, v23  }
0x414: {  	s10 =	smul.f32 s8, s8;
	v0 =	vmul.f32 v0, v30;
	v37 =	vadd.f32 v24, v9;
	v24 =	vld [tilespmem:s26+$0x40];
	v58 =	vadd.f32 v17, v7  }
0x415: {  	v23 =	vld [tilespmem:s4+$0x70];
	v60 =	vadd.f32 v27, v3;
	v17 =	vmul.f32 v20, v20;
	v27 =	vmul.f32 v19, v19  }
0x416: {  	v35 =	vmul.f32 s9, v6;
	s10 =	ssub.f32 s11, s10;
	v62 =	vadd.f32 v18, v2;
	v38 =	vadd.f32 v0, v1  }
0x417: {  	v25 =	vld [tilespmem:s26+$0xFFFFFF90];
	v18 =	vadd.f32 v26, v50;
	v50 =	vmul.f32 v21, v21;
	v26 =	vadd.f32 v27, v17  }
0x418: {  	s10 =	sadd.f32 $9.999999960e-13, s10;
	v29 =	vmul.f32 s9, v5;
	v0 =	vld [tilespmem:s4+$0xFFFFFF90];
	v17 =	vadd.f32 v52, v34;
	v27 =	vadd.f32 v47, v53  }
0x419: {  	v30 =	vadd.f32 v22, v24;
	v24 =	vmul.f32 v18, v18;
	v22 =	vadd.f32 v50, v26  }
0x41a: {  	s11 =	sshra.s32 s10, $0x1;
	s10 =	smul.f32 $5.000000000e-01, s10;
	v29 =	vmul.f32 v29, v33;
	v33 =	vld [tilespmem:s4+$0xFFFFFFA0];
	v23 =	vadd.f32 v23, v56;
	v26 =	vadd.f32 v19, v20  }
0x41b: {  	s9 =	ssub.s32 $0x5F3759DF, s11;
	v47 =	vld [tilespmem:s26+$0xFFFFFFA0];
	v50 =	vadd.f32 v18, v21;
	v52 =	vmul.f32 v30, v30;
	v24 =	vadd.f32 v24, v22  }
0x41c: {  	v31 =	vmul.f32 v35, v31;
	v28 =	vld [tilespmem:s4+$0xFFFFFF80];
	s12 =	smul.f32 s9, s10;
	v54 =	vadd.f32 v17, v30;
	v35 =	vadd.f32 v23, v27  }
0x41d: {  	v34 =	vld [tilespmem:s26+$0xFFFFFF80];
	v22 =	vadd.f32 v0, v25;
	v0 =	vadd.f32 v52, v24;
	v24 =	vmul.f32 v17, v17  }
0x41e: {  	v51 =	vmul.f32 v57, v51;
	s11 =	smul.f32 s9, s12;
	v53 =	vld [tilespmem:s26+$0xFFFFFFB0];
	v25 =	vadd.f32 v50, v26;
	v57 =	vadd.f32 v35, v54  }
0x41f: {  	v56 =	vld [tilespmem:s4+$0xFFFFFFB0];
	v0 =	vadd.f32 v24, v0  }
0x420: {  	s11 =	ssub.f32 $1.500000000e+00, s11;
	v24 =	vadd.f32 v33, v47;
	v47 =	vadd.f32 v57, v25;
	v25 =	vld [tilespmem:$0x1FF70];
	_ =	sdelay $0x1  }
0x421: {  	v55 =	vmul.f32 s7, v12;
	s9 =	smul.f32 s9, s11  }
0x422: {  	v54 =	vld [tilespmem:s4+$0xFFFFFFC0];
	v57 =	vmul.f32 s7, v8;
	[tilespmem:s24+$0x70] =	vst v48  }
0x423: {  	v32 =	vmul.f32 v55, v32;
	s12 =	spop (v2sf);
	v26 =	vadd.f32 v28, v34;
	v28 =	vmul.f32 v27, v27;
	v52 =	vld [tilespmem:s26+$0xFFFFFFC0];
	s10 =	smul.f32 s9, s10;
	[tilespmem:s24+$0x0] =	vst v61  }
0x424: {  	s12 =	smul.f32 $7.812500000e-03, s12;
	[tilespmem:s24+$0x10] =	vst v63;
	v35 =	vadd.f32 v31, v25;
	v25 =	vadd.f32 v56, v53;
	v56 =	vmul.f32 v57, v59  }
0x425: {  	v50 =	vld [tilespmem:s4+$0xFFFFFFD0];
	v55 =	vmul.f32 v26, v26;
	v33 =	vmul.f32 v22, v22;
	s10 =	smul.f32 s10, s9;
	[tilespmem:s24+$0x20] =	vst v40  }
0x426: {  	s11 =	smul.f32 s12, s12;
	s28 =	spop (v2sf);
	v0 =	vadd.f32 v28, v0;
	v28 =	vmul.f32 v23, v23;
	v56 =	vadd.f32 v56, v1;
	v1 =	vld [tilespmem:$0x1FDD0];
	[tilespmem:s24+$0xFFFFFF80] =	vst v36  }
0x427: {  	v34 =	vld [tilespmem:s26+$0xFFFFFFD0];
	v33 =	vadd.f32 v33, v55;
	s10 =	ssub.f32 $1.500000000e+00, s10;
	s28 =	smul.f32 $7.812500000e-03, s28;
	v53 =	vmul.f32 v24, v24;
	[tilespmem:s24+$0xFFFFFF90] =	vst v37  }
0x428: {  	v0 =	vadd.f32 v28, v0;
	v28 =	vadd.f32 v54, v52;
	[tilespmem:s24+$0xFFFFFFA0] =	vst v58  }
0x429: {  	v48 =	vmov s8;
	s11 =	ssub.f32 s28, s11;
	s28 =	smul.f32 s10, s9;
	v33 =	vadd.f32 v53, v33;
	v52 =	vmul.f32 v25, v25;
	[tilespmem:s24+$0xFFFFFFB0] =	vst v60  }
0x42a: {  	(xrf2) =	vadd.scan.msk.f32 $0xffff, v47;
	v57 =	vadd.f32 v29, v4;
	v54 =	vmul.f32 v28, v28;
	[tilespmem:s24+$0xFFFFFFC0] =	vst v62  }
0x42b: {  	v47 =	vld [tilespmem:s26+$0xFFFFFFF0];
	v61 =	vmul.f32 s28, v5;
	[tilespmem:s24+$0xFFFFFFD0] =	vst v38;
	v53 =	vadd.f32 v52, v33;
	v63 =	vsub.f32 v1, v48  }
0x42c: {  	v29 =	vadd.f32 v50, v34;
	v34 =	vld [tilespmem:s4+$0xFFFFFFF0];
	(xrf2) =	vadd.scan.msk.f32 $0xffff, v0;
	v0 =	vadd.f32 v32, v3;
	[tilespmem:s24+$0xFFFFFFE0] =	vst v35  }
0x42d: {  	v51 =	vadd.f32 v51, v2;
	v33 =	vadd.f32 v54, v53;
	v1 =	vld [tilespmem:$0x1FDE0];
	[tilespmem:s24+$0xFFFFFFF0] =	vst v57;
	v54 =	vmul.f32 v61, v63  }
0x42e: {  	[tilespmem:s24+$0x30] =	vst v0  }
0x42f: {  	[tilespmem:s24+$0x40] =	vst v51;
	v37 =	vadd.f32 v54, v4  }
0x430: {  	[tilespmem:s24+$0x50] =	vst v56  }
0x431: {  	v55 =	vld [tilespmem:s4+$0xFFFFFFE0];
	s11 =	sadd.f32 $9.999999960e-13, s11;
	v61 =	vmul.f32 s7, v6;
	[tilespmem:s25+$0x70] =	vst v37  }
0x432: {  	v59 =	vmov s12;
	v32 =	vadd.f32 v34, v47;
	v0 =	vld [tilespmem:$0x1FDF0]  }
0x433: {  	s9 =	sshra.s32 s11, $0x1;
	s10 =	smul.f32 $5.000000000e-01, s11;
	v47 =	vsub.f32 v39, v59;
	v39 =	vmul.f32 v61, v49;
	v49 =	vsub.f32 v1, v59;
	v1 =	vld [tilespmem:$0x1FE00]  }
0x434: {  	v31 =	vld [tilespmem:s26+$0xFFFFFFE0];
	s12 =	ssub.s32 $0x5F3759DF, s9  }
0x435: {  	s9 =	smul.f32 s12, s10  }
0x436: {  	v52 =	vadd.f32 v22, v26;
	v51 =	vsub.f32 v46, v59  }
0x437: {  	v62 =	vmul.f32 s28, v15;
	v46 =	vsub.f32 v44, v59;
	s9 =	smul.f32 s12, s9;
	v0 =	vsub.f32 v0, v48  }
0x438: {  	v44 =	vsub.f32 v45, v59;
	v45 =	vsub.f32 v1, v48;
	v1 =	vld [tilespmem:$0x1FE10]  }
0x439: {  	v31 =	vadd.f32 v55, v31;
	v55 =	vadd.f32 v25, v24;
	s11 =	ssub.f32 $1.500000000e+00, s9;
	v56 =	vmul.f32 v62, v0;
	v0 =	vld [tilespmem:$0x1FE30];
	_ =	sdelay $0x1  }
0x43a: {  	v50 =	vadd.f32 v29, v28;
	v53 =	vmul.f32 v29, v29;
	v36 =	vadd.f32 v55, v52;
	s8 =	smul.f32 s12, s11  }
0x43b: {  	v52 =	vsub.f32 v43, v59;
	v63 =	vadd.f32 v32, v31  }
0x43c: {  	v34 =	vmul.f32 v31, v31;
	v33 =	vadd.f32 v53, v33;
	s7 =	smul.f32 s8, s10;
	v57 =	vsub.f32 v1, v48;
	v1 =	vld [tilespmem:$0x1FE20]  }
0x43d: {  	v40 =	vmul.f32 s28, v12;
	v60, _, _ =	vpop (xrf2);
	v61 =	vadd.f32 v63, v50;
	v37 =	vsub.f32 v0, v48;
	v0 =	vld [tilespmem:$0x1FE40]  }
0x43e: {  	v58 =	vmul.f32 v32, v32;
	(v2sf) =	vpush v60, $0xF;
	v33 =	vadd.f32 v34, v33;
	s7 =	smul.f32 s7, s8  }
0x43f: {  	v55 =	vmul.f32 s28, v13;
	v53 =	vsub.f32 v41, v59;
	v36 =	vadd.f32 v61, v36  }
0x440: {  	v41 =	vmul.f32 s28, v8;
	v34 =	vmul.f32 s28, v6;
	v33 =	vadd.f32 v58, v33;
	v63, _, _ =	vpop (xrf2);
	s12 =	ssub.f32 $1.500000000e+00, s7  }
0x441: {  	v54 =	vmul.f32 s28, v14;
	v50 =	vsub.f32 v42, v59;
	(v2sf) =	vpush v63, $0xF;
	(xrf2) =	vadd.scan.msk.f32 $0xffff, v36  }
0x442: {  	v42 =	vmul.f32 s28, v10;
	s28 =	simm.s32 $0x4;
	(xrf2) =	vadd.scan.msk.f32 $0xffff, v33;
	s7 =	simm.s32 $0x8780;
	s8 =	smul.f32 s12, s8;
	v35 =	vsub.f32 v1, v48;
	v36 =	vsub.f32 v0, v48  }
.LBB2_8:
0x443: {  	_ =	sdelay $0x1  }
0x444: {  	v0 =	vld [tilespmem:s7+$0x50]  }
0x445: {  	v1 =	vld [tilespmem:$0x1FF70];
	v38 =	vmul.f32 v54, v45  }
0x446: {  	s4 =	sadd.s32 $0x100, s4;
	v33 =	vmov v30;
	v30 =	vld [tilespmem:s7+$0x60];
	v43 =	vmul.f32 v55, v57;
	v55 =	vadd.f32 v56, v11  }
0x447: {  	v45 =	vsub.f32 v16, v48;
	v16 =	vmov v27;
	v27 =	vld [tilespmem:s4+$0x50];
	v38 =	vadd.f32 v38, v9  }
0x448: {  	v58 =	vld [tilespmem:s4+$0x60];
	[tilespmem:s25+$0x0] =	vst v55;
	v43 =	vadd.f32 v43, v7  }
0x449: {  	v48 =	vmul.f32 s8, v15;
	v55 =	vld [tilespmem:s7+$0x70];
	[tilespmem:s25+$0x10] =	vst v38  }
0x44a: {  	v54 =	vmul.f32 s8, v14;
	v56 =	vmul.f32 s8, v13;
	v38 =	vadd.f32 v39, v1;
	v63 =	vld [tilespmem:s7+$0x0];
	[tilespmem:s25+$0x20] =	vst v43  }
0x44b: {  	v57 =	vmul.f32 s8, v12;
	v59 =	vmul.f32 s8, v10;
	v43 =	vld [tilespmem:s4+$0x0]  }
0x44c: {  	v60 =	vmul.f32 s8, v8;
	v47 =	vmul.f32 v48, v47;
	[tilespmem:s24+$0x60] =	vst v38;
	v38 =	vld [tilespmem:s7+$0x10]  }
0x44d: {  	v48 =	vmul.f32 v54, v49;
	v59 =	vmul.f32 v59, v52;
	v54 =	vld [tilespmem:s7+$0x20]  }
0x44e: {  	v62 =	vmul.f32 s8, v5;
	v57 =	vmul.f32 v57, v50;
	v47 =	vadd.f32 v47, v11;
	v39, _, _ =	vpop (xrf2);
	v52 =	vld [tilespmem:s4+$0x10]  }
0x44f: {  	s10 =	spop (v2sf);
	(v2sf) =	vpush v39, $0xF;
	v39 =	vmul.f32 v56, v53;
	v56 =	vadd.f32 v59, v2;
	v59 =	vld [tilespmem:$0x1FF60]  }
0x450: {  	v61 =	vmul.f32 s8, v6;
	v42 =	vmul.f32 v42, v37;
	v48 =	vadd.f32 v48, v9;
	s24 =	smov.u32 s25;
	v37 =	vld [tilespmem:s4+$0x20];
	s8 =	smul.f32 $7.812500000e-03, s10;
	s10 =	spop (v2sf)  }
0x451: {  	v51 =	vmul.f32 v60, v51;
	v44 =	vmul.f32 v62, v44;
	v62 =	vadd.f32 v57, v3;
	[tilespmem:s24+$0xFFFFFF80] =	vst v47;
	v57 =	vld [tilespmem:s4+$0x30];
	v60, _, _ =	vpop (xrf2);
	s10 =	smul.f32 $7.812500000e-03, s10  }
0x452: {  	v40 =	vmul.f32 v40, v35;
	[tilespmem:s24+$0xFFFFFF90] =	vst v48;
	v50 =	vld [tilespmem:s7+$0x40];
	(v2sf) =	vpush v60, $0xF;
	s9 =	smul.f32 s8, s8  }
0x453: {  	v46 =	vmul.f32 v61, v46;
	[tilespmem:s24+$0xFFFFFFB0] =	vst v62;
	v35 =	vadd.f32 v43, v63;
	v63 =	vld [tilespmem:s4+$0x70];
	v61 =	vadd.f32 v39, v7  }
0x454: {  	v42 =	vadd.f32 v42, v2;
	v39 =	vmul.f32 v34, v45;
	v34 =	vld [tilespmem:s7+$0x30];
	[tilespmem:s24+$0xFFFFFFC0] =	vst v56;
	s9 =	ssub.f32 s10, s9;
	v60 =	vadd.f32 v51, v59  }
0x455: {  	v41 =	vmul.f32 v41, v36;
	v46 =	vadd.f32 v46, v1;
	v36 =	vadd.f32 v52, v38;
	[tilespmem:s24+$0xFFFFFFA0] =	vst v61;
	v61 =	vld [tilespmem:s4+$0x40]  }
0x456: {  	v62 =	vadd.f32 v44, v4;
	v43 =	vadd.f32 v27, v0;
	v0 =	vld [tilespmem:s7+$0xFFFFFF80];
	s9 =	sadd.f32 $9.999999960e-13, s9;
	[tilespmem:s24+$0xFFFFFFD0] =	vst v60  }
0x457: {  	v37 =	vadd.f32 v37, v54;
	v54 =	vmul.f32 v35, v35;
	v56 =	vmul.f32 v36, v36;
	[tilespmem:s24+$0x40] =	vst v42;
	v49 =	vld [tilespmem:s4+$0xFFFFFF80]  }
0x458: {  	v41 =	vadd.f32 v41, v59;
	[tilespmem:s24+$0xFFFFFFE0] =	vst v46;
	v46 =	vld [tilespmem:s7+$0xFFFFFF90];
	s11 =	sshra.s32 s9, $0x1;
	s9 =	smul.f32 $5.000000000e-01, s9  }
0x459: {  	v59 =	vmul.f32 v37, v37;
	v38 =	vadd.f32 v57, v34;
	v57 =	vadd.f32 v56, v54;
	[tilespmem:s24+$0xFFFFFFF0] =	vst v62;
	v42 =	vld [tilespmem:s7+$0xFFFFFFA0];
	s10 =	ssub.s32 $0x5F3759DF, s11  }
0x45a: {  	v27 =	vadd.f32 v58, v30;
	v44 =	vadd.f32 v63, v55;
	v60 =	vld [tilespmem:s4+$0xFFFFFF90];
	s11 =	smul.f32 s10, s9  }
0x45b: {  	v30 =	vadd.f32 v61, v50;
	v34 =	vadd.f32 v59, v57;
	v61 =	vmul.f32 v38, v38;
	v63 =	vld [tilespmem:s4+$0xFFFFFFA0]  }
0x45c: {  	v40 =	vadd.f32 v40, v3;
	v62 =	vadd.f32 v36, v35;
	v50 =	vld [tilespmem:s7+$0xFFFFFFB0];
	s11 =	smul.f32 s10, s11  }
0x45d: {  	v56 =	vadd.f32 v38, v37;
	v48 =	vld [tilespmem:s4+$0xFFFFFFB0];
	v34 =	vadd.f32 v61, v34;
	v57 =	vmul.f32 v30, v30  }
0x45e: {  	v59 =	vadd.f32 v44, v27;
	v53 =	vld [tilespmem:s7+$0xFFFFFFC0];
	v58 =	vadd.f32 v43, v30;
	s11 =	ssub.f32 $1.500000000e+00, s11;
	s12 =	spop (v2sf)  }
0x45f: {  	[tilespmem:s24+$0x50] =	vst v41;
	v41 =	vld [tilespmem:s7+$0xFFFFFFD0];
	v45 =	vadd.f32 v56, v62;
	v34 =	vadd.f32 v57, v34;
	s12 =	smul.f32 $7.812500000e-03, s12  }
0x460: {  	[tilespmem:s24+$0x30] =	vst v40;
	v40 =	vld [tilespmem:s7+$0xFFFFFFF0];
	v61 =	vadd.f32 v59, v58;
	v0 =	vadd.f32 v49, v0;
	s10 =	smul.f32 s10, s11  }
0x461: {  	v49 =	vld [tilespmem:s4+$0xFFFFFFC0];
	v46 =	vadd.f32 v60, v46;
	v60 =	vmul.f32 v43, v43;
	s11 =	smul.f32 s12, s12;
	v56 =	vmov s12;
	s12 =	spop (v2sf)  }
0x462: {  	v62 =	vmul.f32 v27, v27;
	v59 =	vld [tilespmem:s4+$0xFFFFFFF0];
	v51 =	vadd.f32 v63, v42;
	v57 =	vadd.f32 v48, v50;
	s12 =	smul.f32 $7.812500000e-03, s12  }
0x463: {  	v52 =	vld [tilespmem:s4+$0xFFFFFFD0];
	v34 =	vadd.f32 v60, v34;
	v63 =	vmul.f32 v46, v46;
	v60 =	vmul.f32 v0, v0;
	s9 =	smul.f32 s10, s9  }
0x464: {  	v45 =	vadd.f32 v61, v45;
	v54 =	vadd.f32 v46, v0;
	s11 =	ssub.f32 s12, s11  }
0x465: {  	v50 =	vld [tilespmem:s7+$0xFFFFFFE0];
	v34 =	vadd.f32 v62, v34;
	v62 =	vmul.f32 v51, v51;
	v42 =	vadd.f32 v63, v60;
	s9 =	smul.f32 s9, s10  }
0x466: {  	v61 =	vmul.f32 v44, v44;
	(xrf2) =	vadd.scan.msk.f32 $0xffff, v45;
	v45 =	vld [tilespmem:s4+$0xFFFFFFE0];
	v58 =	vadd.f32 v49, v53;
	v49 =	vadd.f32 v57, v51;
	s11 =	sadd.f32 $9.999999960e-13, s11  }
0x467: {  	v63 =	vmul.f32 v57, v57;
	v59 =	vadd.f32 v59, v40;
	v42 =	vadd.f32 v62, v42;
	s9 =	ssub.f32 $1.500000000e+00, s9  }
0x468: {  	v47 =	vsub.f32 v26, v56;
	v26 =	vmov v0;
	v0 =	vadd.f32 v52, v41;
	s12 =	sshra.s32 s11, $0x1;
	s11 =	smul.f32 $5.000000000e-01, s11  }
0x469: {  	v34 =	vadd.f32 v61, v34;
	v60 =	vmul.f32 v58, v58;
	v61 =	vadd.f32 v63, v42;
	s9 =	smul.f32 s9, s10;
	s12 =	ssub.s32 $0x5F3759DF, s12  }
0x46a: {  	v48 =	vmov s8;
	v52 =	vsub.f32 v28, v56;
	v53 =	vadd.f32 v49, v54;
	s10 =	smul.f32 s12, s11  }
0x46b: {  	(xrf2) =	vadd.scan.msk.f32 $0xffff, v34;
	v45 =	vadd.f32 v45, v50;
	v50 =	vmul.f32 v0, v0;
	v34 =	vadd.f32 v60, v61  }
0x46c: {  	v63 =	vsub.f32 v23, v48;
	v23 =	vmov v44;
	v44 =	vadd.f32 v0, v58;
	s10 =	smul.f32 s12, s10  }
0x46d: {  	v40 =	vmul.f32 v45, v45;
	v61 =	vmul.f32 v59, v59;
	v34 =	vadd.f32 v50, v34  }
0x46e: {  	v50 =	vsub.f32 v25, v56;
	v25 =	vmovc v57;
	v57 =	vsub.f32 v21, v48;
	v62 =	vmul.f32 s9, v5;
	s10 =	ssub.f32 $1.500000000e+00, s10  }
0x46f: {  	v21 =	vmovc v37;
	v37 =	vsub.f32 v33, v48;
	v60 =	vmul.f32 s9, v15;
	v54 =	vmul.f32 s9, v14  }
0x470: {  	v55 =	vmul.f32 s9, v13;
	v34 =	vadd.f32 v40, v34;
	v49 =	vmul.f32 v62, v63;
	s8 =	smul.f32 s12, s10  }
0x471: {  	v42 =	vmul.f32 s9, v10;
	v40 =	vmul.f32 s9, v12;
	v63 =	vadd.f32 v59, v45  }
0x472: {  	v61 =	vadd.f32 v61, v34;
	v34 =	vmul.f32 s9, v6;
	v41 =	vadd.f32 v49, v4;
	s12 =	smul.f32 s8, s11  }
0x473: {  	s28 =	sadd.s32 $0x2, s28;
	s25 =	smov.u32 s26;
	v62, _, _ =	vpop (xrf2);
	v44 =	vadd.f32 v63, v44;
	v49 =	vsub.f32 v22, v56;
	v22 =	vmov v46  }
0x474: {  	p0 =	slt.u32 s28, $0xFE;
	v46 =	vsub.f32 v31, v56;
	v31 =	vmovc v45;
	v45 =	vsub.f32 v19, v48;
	[tilespmem:s25+$0x70] =	vst v41;
	v41 =	vmul.f32 s9, v8;
	s9 =	smul.f32 s12, s8  }
.Ltmp3:
0x475: {  	v19 =	vmov v36;
	v36 =	vsub.f32 v17, v48;
	(v2sf) =	vpush v62, $0xF;
	(pc) =	sbr.rel @p0 .LBB2_8-.Ltmp3, $4  }
0x476: {  	v28 =	vmov v58;
	v44 =	vadd.f32 v44, v53;
	v53 =	vsub.f32 v24, v56  }
0x477: {  	v17 =	vmovc v43;
	v24 =	vmovc v51;
	v51 =	vsub.f32 v29, v56;
	v29 =	vmov v0;
	v0 =	vsub.f32 v20, v48;
	s9 =	ssub.f32 $1.500000000e+00, s9  }
0x478: {  	v63, _, _ =	vpop (xrf2);
	v20 =	vmov v35;
	v35 =	vsub.f32 v18, v48;
	v18 =	vmov v38;
	(xrf2) =	vadd.scan.msk.f32 $0xffff, v44  }
0x479: {  	s26 =	smov.u32 s7;
	s7 =	sadd.s32 $0x100, s7;
	(v2sf) =	vpush v63, $0xF;
	v44 =	vsub.f32 v32, v56;
	v32 =	vmovc v59;
	v56 =	vmul.f32 v60, v0;
	(xrf2) =	vadd.scan.msk.f32 $0xffff, v61;
	s8 =	smul.f32 s9, s8  }
0x47a: {  	_ =	sdelay $0x7  }
0x47b: {  	v0, _, _ =	vpop (xrf2)  }
0x47c: {  	(v2sf) =	vpush v0, $0xF;
	v59, _, _ =	vpop (xrf2)  }
0x47d: {  	s4 =	spop (v2sf);
	(v2sf) =	vpush v59, $0xF;
	_ =	sdelay $0x2  }
0x47e: {  	s7 =	smul.f32 $7.812500000e-03, s4;
	_ =	sdelay $0x1  }
0x47f: {  	s9 =	smul.f32 s7, s7;
	s11 =	spop (v2sf)  }
0x480: {  	s4 =	smul.f32 $7.812500000e-03, s11;
	_ =	sdelay $0x1  }
0x481: {  	s4 =	ssub.f32 s4, s9;
	_ =	sdelay $0x1  }
0x482: {  	s4 =	sadd.f32 $9.999999960e-13, s4;
	_ =	sdelay $0x1  }
0x483: {  	s12 =	sshra.s32 s4, $0x1;
	s10 =	smul.f32 $5.000000000e-01, s4  }
0x484: {  	s9 =	ssub.s32 $0x5F3759DF, s12  }
0x485: {  	s11 =	smul.f32 s9, s10;
	s28 =	spop (v2sf)  }
0x486: {  	s4 =	smul.f32 $7.812500000e-03, s28;
	s28 =	spop (v2sf)  }
0x487: {  	s28 =	smul.f32 $7.812500000e-03, s28  }
0x488: {  	v33 =	vmul.f32 v55, v57;
	v35 =	vmul.f32 v40, v35;
	s12 =	smul.f32 s4, s4  }
0x489: {  	v38 =	vmul.f32 s8, v15;
	v43 =	vmul.f32 s8, v14;
	s11 =	smul.f32 s9, s11  }
0x48a: {  	v60 =	vmul.f32 s8, v12;
	v61 =	vmul.f32 s8, v10;
	v59 =	vld [tilespmem:$0x1FF70];
	s12 =	ssub.f32 s28, s12  }
0x48b: {  	v16 =	vsub.f32 v16, v48;
	v62 =	vmul.f32 s8, v8;
	v63 =	vmul.f32 s8, v6;
	s11 =	ssub.f32 $1.500000000e+00, s11  }
0x48c: {  	v56 =	vadd.f32 v56, v11;
	v58 =	vmul.f32 s8, v5;
	v0 =	vmul.f32 v54, v45;
	s12 =	sadd.f32 $9.999999960e-13, s12  }
0x48d: {  	v33 =	vadd.f32 v33, v7;
	v35 =	vadd.f32 v35, v3;
	v38 =	vmul.f32 v38, v47;
	s9 =	smul.f32 s9, s11  }
0x48e: {  	v43 =	vmul.f32 v43, v49;
	v48 =	vmul.f32 v61, v52;
	[tilespmem:s25+$0x0] =	vst v56;
	v0 =	vadd.f32 v0, v9;
	s28 =	sshra.s32 s12, $0x1;
	s11 =	smul.f32 $5.000000000e-01, s12  }
0x48f: {  	v46 =	vmul.f32 v63, v46;
	v45 =	vmul.f32 s8, v13;
	[tilespmem:s25+$0x20] =	vst v33;
	v39 =	vadd.f32 v39, v59;
	s8 =	ssub.s32 $0x5F3759DF, s28  }
0x490: {  	v44 =	vmul.f32 v58, v44;
	v61 =	vmul.f32 v42, v37;
	v38 =	vadd.f32 v38, v11;
	[tilespmem:s25+$0x10] =	vst v0;
	s12 =	smul.f32 s8, s11  }
0x491: {  	v43 =	vadd.f32 v43, v9;
	v54 =	vmul.f32 v60, v50;
	v45 =	vmul.f32 v45, v53;
	[tilespmem:s24+$0x60] =	vst v39;
	s10 =	smul.f32 s9, s10  }
0x492: {  	v49 =	vadd.f32 v48, v2;
	v52 =	vadd.f32 v44, v4;
	v47 =	vmov s7;
	v1 =	vld [tilespmem:$0x1FF60];
	s7 =	smul.f32 s8, s12  }
0x493: {  	v60 =	vmul.f32 v62, v51;
	v63 =	vadd.f32 v54, v3;
	v62 =	vadd.f32 v45, v7;
	s10 =	smul.f32 s10, s9  }
0x494: {  	v0 =	vadd.f32 v61, v2;
	v23 =	vsub.f32 v23, v47;
	s7 =	ssub.f32 $1.500000000e+00, s7  }
0x495: {  	v16 =	vmul.f32 v34, v16;
	v20 =	vsub.f32 v20, v47;
	v19 =	vsub.f32 v19, v47;
	[tilespmem:s25+$0xFFFFFF80] =	vst v38;
	s10 =	ssub.f32 $1.500000000e+00, s10  }
0x496: {  	v45 =	vmul.f32 v41, v36;
	v21 =	vsub.f32 v21, v47;
	v50 =	vadd.f32 v46, v59;
	[tilespmem:s25+$0xFFFFFF90] =	vst v43;
	s7 =	smul.f32 s8, s7  }
0x497: {  	v16 =	vadd.f32 v16, v59;
	[tilespmem:s25+$0xFFFFFFA0] =	vst v62;
	v39 =	vadd.f32 v60, v1;
	v53 =	vmov s4;
	s9 =	smul.f32 s10, s9  }
0x498: {  	[tilespmem:s25+$0xFFFFFFB0] =	vst v63;
	v33 =	vadd.f32 v45, v1;
	v26 =	vsub.f32 v26, v53;
	s28 =	smul.f32 s7, s11  }
0x499: {  	[tilespmem:s25+$0xFFFFFFC0] =	vst v49;
	v22 =	vsub.f32 v22, v53;
	v24 =	vsub.f32 v24, v53  }
0x49a: {  	[tilespmem:s25+$0xFFFFFFE0] =	vst v50;
	v25 =	vsub.f32 v25, v53;
	v28 =	vsub.f32 v28, v53;
	v51 =	vmul.f32 s9, v5;
	s4 =	smul.f32 s28, s7  }
0x49b: {  	[tilespmem:s25+$0xFFFFFFF0] =	vst v52;
	v62 =	vsub.f32 v29, v53;
	v54 =	vmul.f32 s9, v15;
	v56 =	vmul.f32 s9, v13  }
0x49c: {  	[tilespmem:s25+$0x30] =	vst v35;
	v63 =	vsub.f32 v31, v53;
	v55 =	vmul.f32 s9, v14;
	v61 =	vmul.f32 s9, v6;
	s4 =	ssub.f32 $1.500000000e+00, s4  }
0x49d: {  	[tilespmem:s25+$0x40] =	vst v0;
	v23 =	vmul.f32 v51, v23;
	v21 =	vmul.f32 v56, v21;
	v56 =	vsub.f32 v27, v47  }
0x49e: {  	[tilespmem:s25+$0x60] =	vst v16;
	v36 =	vsub.f32 v32, v53;
	v57 =	vmul.f32 s9, v12;
	v20 =	vmul.f32 v54, v20;
	s4 =	smul.f32 s4, s7  }
0x49f: {  	[tilespmem:s25+$0xFFFFFFD0] =	vst v39;
	v19 =	vmul.f32 v55, v19;
	v23 =	vadd.f32 v23, v4;
	v61 =	vmul.f32 v61, v56  }
0x4a0: {  	[tilespmem:s25+$0x50] =	vst v33;
	v20 =	vadd.f32 v20, v11;
	v35 =	vmul.f32 s4, v15;
	v37 =	vmul.f32 s4, v14  }
0x4a1: {  	v19 =	vadd.f32 v19, v9;
	[tilespmem:s26+$0x70] =	vst v23;
	v40 =	vmul.f32 s4, v13;
	v49 =	vmul.f32 s4, v6  }
0x4a2: {  	v41 =	vadd.f32 v21, v7;
	[tilespmem:s26+$0x0] =	vst v20;
	v43 =	vmul.f32 s4, v12;
	v15 =	vmul.f32 v35, v26  }
0x4a3: {  	[tilespmem:s26+$0x10] =	vst v19;
	v14 =	vmul.f32 v37, v22;
	v6 =	vmul.f32 v49, v63;
	v63 =	vadd.f32 v61, v59  }
0x4a4: {  	[tilespmem:s26+$0x20] =	vst v41;
	v44 =	vmul.f32 s4, v10;
	v13 =	vmul.f32 v40, v24;
	v45 =	vadd.f32 v15, v11  }
0x4a5: {  	v46 =	vmul.f32 s4, v8;
	v12 =	vmul.f32 v43, v25;
	v48 =	vadd.f32 v14, v9;
	[tilespmem:s26+$0x60] =	vst v63  }
0x4a6: {  	v58 =	vmul.f32 s9, v10;
	v10 =	vmul.f32 v44, v28;
	v50 =	vadd.f32 v13, v7;
	[tilespmem:s26+$0xFFFFFF80] =	vst v45  }
0x4a7: {  	v51 =	vmul.f32 s4, v5;
	v0 =	vmul.f32 v46, v62;
	v52 =	vadd.f32 v12, v3;
	[tilespmem:s26+$0xFFFFFF90] =	vst v48  }
0x4a8: {  	v53 =	vsub.f32 v18, v47;
	v60 =	vmul.f32 s9, v8;
	v10 =	vadd.f32 v10, v2;
	[tilespmem:s26+$0xFFFFFFA0] =	vst v50  }
0x4a9: {  	v54 =	vsub.f32 v30, v47;
	v5 =	vmul.f32 v51, v36;
	v0 =	vadd.f32 v0, v1;
	[tilespmem:s26+$0xFFFFFFB0] =	vst v52  }
0x4aa: {  	v55 =	vsub.f32 v17, v47;
	v9 =	vmul.f32 v57, v53;
	v6 =	vadd.f32 v6, v59;
	[tilespmem:s26+$0xFFFFFFC0] =	vst v10  }
0x4ab: {  	v7 =	vmul.f32 v58, v54;
	v57 =	vadd.f32 v5, v4;
	[tilespmem:s26+$0xFFFFFFD0] =	vst v0  }
0x4ac: {  	v58 =	vmul.f32 v60, v55;
	v60 =	vadd.f32 v9, v3;
	[tilespmem:s26+$0xFFFFFFE0] =	vst v6  }
0x4ad: {  	v62 =	vadd.f32 v7, v2;
	[tilespmem:s26+$0xFFFFFFF0] =	vst v57  }
0x4ae: {  	v0 =	vadd.f32 v58, v1;
	[tilespmem:s26+$0x30] =	vst v60  }
0x4af: {  	[tilespmem:s26+$0x40] =	vst v62  }
0x4b0: {  	s23 =	sadd.s32 $0x1, s23;
	[tilespmem:s26+$0x50] =	vst v0  }
0x4b1: {  	[hbm4b:s18+s5] =	stream.linear.scatter [tilespmem:s3], [sflag:$0x6], $0x8000, $0x38;
	[tilespmem:$0x18500] =	vst v63  }
0x4b2: {  	p0 =	sne.s32 s23, s19;
	_ =	swait.ge [sflag:s30], $0x8000  }
.Ltmp4:
0x4b3: {  	[sflag:s30] =	ssyncset.done $0x0;
	(pc) =	sbr.rel @p0 .LBB2_1-.Ltmp4, $4  }
0x4b4: {  	[sflag:s30] =	ssyncadd.s32 $0xFFFF8000  }
0x4b5: {  	_ =	swait.ge [sflag:s22], $0x8000  }
0x4b6: {  	[sflag:s22] =	ssyncset.done $0x0  }
0x4b7: {  	[sflag:s22] =	ssyncadd.s32 $0xFFFF8000  }
0x4b8: {  	_ =	sfence.sel $0x180000  }
0x4b9: {  	[bflag:$0x0] =	sbarrier.arrive $0xFFFF  }
0x4ba: {  	_ =	strace $0x90000047  }
0x4bb: {  	s0 =	stileid.u32;
	[bflag:$0x2] =	sbarrier.arrive $0xFFFF  }
0x4bc: {  	p0 =	sne.s32 s0, $0x0;
	s0 =	rddreg [dreg:$0x6]  }
0x4bd: {  	s0 =	sadd.s32 @!p0 $0x100000, s0  }
0x4be: {  	[sflag:s0] =	ssyncadd.tile.s32 @!p0 $0x1;
	_ =	shalt  }
.Lfunc_end2:
_tile_overlayer_lowered:
.L_overlay_start_2:
0x4bf: {  	(tag) =	ssettag $0x2  }
0x4c0: {  	s0 =	rddreg [dreg:$0x0];
	s2 =	stileid.u32  }
0x4c1: {  	s1 =	rddreg [dreg:$0x1];
	p0 =	sne.s32 s2, $0x0  }
0x4c2: {  	s3 =	rddreg [dreg:$0x2];
	[bflag:$0x3] =	sbarrier.arrive $0xFFFF;
	s2 =	simm.s32 @!p0 $0x1C07  }
0x4c3: {  	[timem:s3], [sflag:s2] =	dma.local @!p0 [hbm:s0], s1  }
0x4c4: {  	s0 =	simm.s32 @!p0 $0x7  }
0x4c5: {  	_ =	swait.ge @!p0 [sflag:s0], s1  }
0x4c6: {  	s1 =	ssub.s32 @!p0 $0x0, s1;
	[sflag:s0] =	ssyncset.done @!p0 $0x0  }
0x4c7: {  	[sflag:s0] =	ssyncadd.s32 @!p0 s1  }
0x4c8: {  	[bflag:$0x3] =	sbarrier.arrive $0xFFFF  }
0x4c9: {  	_ =	shalt  }

</sc_bundles>
